<compile_context>
chip_gen: v7x
topology: tpu7x:2x2x1
jax: 0.10.2.dev20260603
libtpu: 0.0.44.dev20260713+nightly
codegen_flags: <defaults>
</compile_context>

<pallas_src>
import functools

import jax
import jax.numpy as jnp
from jax import lax
from jax.experimental import pallas as pl
from jax.experimental.pallas import tpu as pltpu
from jax.experimental.pallas import tpu_sc as plsc

_N = 10000
_NP = 10240
_E = 320000
_D = 128
_NC = 2
_NS = 16
_NW = _NC * _NS
_CL = 64
_NB = 2
_CH = -(-(-(-_E // (_NW * _CL))) // 8) * 8
_EP = _NW * _CH * _CL
_RT = _NP // _NS

def _deg_body(dst_hbm, out_hbm, dstv, ones_v, zb, deg_sh):
    c = lax.axis_index("c")
    s = lax.axis_index("s")
    wid = s * _NC + c

    def _z(i, carry):
        zb[pl.ds(i * 16, 16)] = jnp.zeros((16,), jnp.float32)
        return carry

    lax.fori_loop(0, _RT // 16, _z, 0)

    def _o(i, carry):
        ones_v[pl.ds(i * 16, 16)] = jnp.ones((16,), jnp.float32)
        return carry

    lax.fori_loop(0, _CL // 16, _o, 0)

    pltpu.sync_copy(zb, deg_sh.at[pl.ds(s * _RT, _RT)])
    plsc.subcore_barrier()

    pltpu.sync_copy(dst_hbm.at[wid], dstv)

    def _scat(j, carry):
        pltpu.sync_copy(ones_v, deg_sh.at[dstv.at[j]], add=True)
        return carry

    lax.fori_loop(0, _CH, _scat, 0)
    plsc.subcore_barrier()
    pltpu.sync_copy(deg_sh.at[pl.ds(s * _RT, _RT)],
                    out_hbm.at[c, pl.ds(s * _RT, _RT)])


def _scatter_body(g_hbm, src_hbm, dst_hbm, out_hbm, srcv, dstv, rows, agg_sh,
                  gsem, ssem):
    c = lax.axis_index("c")
    s = lax.axis_index("s")

    zbuf = rows.at[0]

    def _z(i, carry):
        zbuf[i // (_D // 16), pl.ds((i % (_D // 16)) * 16, 16)] = (
            jnp.zeros((16,), jnp.float32))
        return carry

    lax.fori_loop(0, _CL * (_D // 16), _z, 0)
    for k in range(_RT // _CL):
        pltpu.sync_copy(zbuf, agg_sh.at[pl.ds(s * _RT + k * _CL, _CL)])
    plsc.subcore_barrier()

    wid = s * _NC + c
    nch2 = _CH // _NB
    pltpu.sync_copy(src_hbm.at[wid], srcv)
    pltpu.sync_copy(dst_hbm.at[wid], dstv)

    for b in range(_NB):
        pltpu.async_copy(g_hbm.at[srcv.at[b]], rows.at[b], gsem.at[b])

    def _round(t, carry):
        for b in range(_NB):
            j = t * _NB + b
            pltpu.make_async_copy(g_hbm.at[srcv.at[j]], rows.at[b],
                                  gsem.at[b]).wait()
            pltpu.async_copy(rows.at[b], agg_sh.at[dstv.at[j]], ssem.at[b],
                             add=True)
        for b in range(_NB):
            j = t * _NB + b
            pltpu.make_async_copy(rows.at[b], agg_sh.at[dstv.at[j]],
                                  ssem.at[b]).wait()

            @pl.when(t < nch2 - 1)
            def _():
                pltpu.async_copy(g_hbm.at[srcv.at[j + _NB]], rows.at[b],
                                 gsem.at[b])

        return carry

    lax.fori_loop(0, nch2, _round, 0)
    plsc.subcore_barrier()
    for k in range(_RT // _CL):
        pltpu.sync_copy(agg_sh.at[pl.ds(s * _RT + k * _CL, _CL)],
                        out_hbm.at[c, pl.ds(s * _RT + k * _CL, _CL)])


@functools.cache
def _sc_kernels():
    mesh = plsc.VectorSubcoreMesh(core_axis_name="c", subcore_axis_name="s",
                                  num_cores=_NC, num_subcores=_NS)
    deg_kernel = pl.kernel(
        _deg_body,
        out_type=jax.ShapeDtypeStruct((_NC, _NP), jnp.float32),
        mesh=mesh,
        scratch_types=[
            pltpu.VMEM((_CH, _CL), jnp.int32),
            pltpu.VMEM((_CL,), jnp.float32),
            pltpu.VMEM((_RT,), jnp.float32),
            pltpu.VMEM_SHARED((_NP,), jnp.float32),
        ],
    )
    scatter_kernel = pl.kernel(
        _scatter_body,
        out_type=jax.ShapeDtypeStruct((_NC, _NP, _D), jnp.float32),
        mesh=mesh,
        scratch_types=[
            pltpu.VMEM((_CH, _CL), jnp.int32),
            pltpu.VMEM((_CH, _CL), jnp.int32),
            pltpu.VMEM((_NB, _CL, _D), jnp.float32),
            pltpu.VMEM_SHARED((_NP, _D), jnp.float32),
            pltpu.SemaphoreType.DMA((_NB,)),
            pltpu.SemaphoreType.DMA((_NB,)),
        ],
        compiler_params=pltpu.CompilerParams(use_tc_tiling_on_sc=False),
    )
    return deg_kernel, scatter_kernel


def _lrelu(v):
    return jnp.where(v >= 0, v, 0.01 * v)


_R = 1024


def _mlp_body(x_ref, w1_ref, b1_ref, w2_ref, b2_ref, dp_ref,
              h_ref, g_ref, dinv_ref):
    a = _lrelu(jnp.dot(x_ref[...], w1_ref[...],
                       preferred_element_type=jnp.float32) + b1_ref[...])
    h = _lrelu(jnp.dot(a, w2_ref[...],
                       preferred_element_type=jnp.float32) + b2_ref[...])
    deg = jnp.maximum(dp_ref[0] + dp_ref[1], 1.0)
    dinv = lax.rsqrt(deg)
    h_ref[...] = h
    g_ref[...] = h * dinv
    dinv_ref[...] = dinv


_mlp_kernel = pl.pallas_call(
    _mlp_body,
    grid=(_NP // _R,),
    in_specs=[
        pl.BlockSpec((_R, _D), lambda i: (i, 0)),
        pl.BlockSpec((_D, _D), lambda i: (0, 0)),
        pl.BlockSpec((1, _D), lambda i: (0, 0)),
        pl.BlockSpec((_D, _D), lambda i: (0, 0)),
        pl.BlockSpec((1, _D), lambda i: (0, 0)),
        pl.BlockSpec((_NC, _R, 1), lambda i: (0, i, 0)),
    ],
    out_specs=[
        pl.BlockSpec((_R, _D), lambda i: (i, 0)),
        pl.BlockSpec((_R, _D), lambda i: (i, 0)),
        pl.BlockSpec((_R, 1), lambda i: (i, 0)),
    ],
    out_shape=[
        jax.ShapeDtypeStruct((_NP, _D), jnp.float32),
        jax.ShapeDtypeStruct((_NP, _D), jnp.float32),
        jax.ShapeDtypeStruct((_NP, 1), jnp.float32),
    ],
)


def _lap_body(h_ref, agg_ref, dinv_ref, f_ref, g_ref):
    dinv = dinv_ref[...]
    f = h_ref[...] - (agg_ref[0] + agg_ref[1]) * dinv
    f_ref[...] = f
    g_ref[...] = f * dinv


_lap_kernel = pl.pallas_call(
    _lap_body,
    grid=(_NP // _R,),
    in_specs=[
        pl.BlockSpec((_R, _D), lambda i: (i, 0)),
        pl.BlockSpec((_NC, _R, _D), lambda i: (0, i, 0)),
        pl.BlockSpec((_R, 1), lambda i: (i, 0)),
    ],
    out_specs=[
        pl.BlockSpec((_R, _D), lambda i: (i, 0)),
        pl.BlockSpec((_R, _D), lambda i: (i, 0)),
    ],
    out_shape=[
        jax.ShapeDtypeStruct((_NP, _D), jnp.float32),
        jax.ShapeDtypeStruct((_NP, _D), jnp.float32),
    ],
)


def _out_body(h_ref, f1_ref, agg_ref, dinv_ref, w3_ref, b3_ref, o_ref):
    f1 = f1_ref[...]
    f2 = f1 - (agg_ref[0] + agg_ref[1]) * dinv_ref[...]
    h = h_ref[...]
    acc0 = 3.0 * h - 3.0 * f1 + 0.75 * f2
    acc1 = 3.0 * f1 - 1.5 * f2
    acc2 = 0.75 * f2
    o = (jnp.dot(acc0, w3_ref[0], preferred_element_type=jnp.float32)
         + jnp.dot(acc1, w3_ref[1], preferred_element_type=jnp.float32)
         + jnp.dot(acc2, w3_ref[2], preferred_element_type=jnp.float32)
         + b3_ref[...])
    o_ref[...] = _lrelu(o)


_out_kernel = pl.pallas_call(
    _out_body,
    grid=(_NP // _R,),
    in_specs=[
        pl.BlockSpec((_R, _D), lambda i: (i, 0)),
        pl.BlockSpec((_R, _D), lambda i: (i, 0)),
        pl.BlockSpec((_NC, _R, _D), lambda i: (0, i, 0)),
        pl.BlockSpec((_R, 1), lambda i: (i, 0)),
        pl.BlockSpec((3, _D, _D), lambda i: (0, 0, 0)),
        pl.BlockSpec((1, _D), lambda i: (0, 0)),
    ],
    out_specs=pl.BlockSpec((_R, _D), lambda i: (i, 0)),
    out_shape=jax.ShapeDtypeStruct((_NP, _D), jnp.float32),
)


def kernel(x, edge_index, W1, b1, W2, b2, W3, b3):
    src = edge_index[0]
    dst = edge_index[1]
    pad = _EP - _E
    padv = jnp.full((pad,), _N, jnp.int32)
    srcp = jnp.concatenate([src, padv]).reshape(_NW, _CH, _CL)
    dstp = jnp.concatenate([dst, padv]).reshape(_NW, _CH, _CL)
    xp = jnp.pad(x, ((0, _NP - _N), (0, 0)))

    _deg_kernel, _scatter_kernel = _sc_kernels()
    deg_parts = _deg_kernel(dstp)
    h, g, dinv = _mlp_kernel(xp, W1, b1.reshape(1, _D), W2, b2.reshape(1, _D),
                             deg_parts[..., None])
    agg1 = _scatter_kernel(g, srcp, dstp)
    f1, g1 = _lap_kernel(h, agg1, dinv)
    agg2 = _scatter_kernel(g1, srcp, dstp)
    out = _out_kernel(h, f1, agg2, dinv, W3.reshape(3, _D, _D),
                      b3.reshape(1, _D))
    return out[:_N]

# --- scband reference (transcript-rebuilt; emitter-appended) ---
"""Pipeline reference for scband-combined-model-36636071035264 (READ-ONLY COPY).

The authoritative reference and input builder live on the scoring server;
editing this copy changes nothing except your own understanding.
"""

import jax, jax.numpy as jnp
import numpy as np

N = 10000
E = 320000
D_IN = 128
H = 128
# Beta-wavelet polynomial coefficients from calculate_theta2(d=2), precomputed:
# f_i(x) = (x/2)^i (1-x/2)^(d-i) / Beta(i+1, d+1-i), ascending powers of x
THETAS = [[3.0, -3.0, 0.75], [0.0, 3.0, -1.5], [0.0, 0.0, 0.75]]


def setup_inputs(seed: int = 0) -> dict:
    key = jax.random.key(seed)
    ks = jax.random.split(key, 8)
    x = jax.random.normal(ks[0], (N, D_IN), dtype=jnp.float32)
    edge_index = jax.random.randint(ks[1], (2, E), 0, N, dtype=jnp.int32)
    W1 = jax.random.normal(ks[2], (D_IN, H), dtype=jnp.float32) * 0.05
    b1 = jnp.zeros((H,), dtype=jnp.float32)
    W2 = jax.random.normal(ks[3], (H, H), dtype=jnp.float32) * 0.05
    b2 = jnp.zeros((H,), dtype=jnp.float32)
    W3 = jax.random.normal(ks[4], (H * len(THETAS), H), dtype=jnp.float32) * 0.05
    b3 = jnp.zeros((H,), dtype=jnp.float32)
    return {"x": x, "edge_index": edge_index, "W1": W1, "b1": b1,
            "W2": W2, "b2": b2, "W3": W3, "b3": b3}


def reference(x, edge_index, W1, b1, W2, b2, W3, b3):
    src = edge_index[0]
    dst = edge_index[1]
    # in-degrees, clamped to 1 (DGL graph.in_degrees().clamp(min=1))
    deg = jnp.clip(jnp.zeros((N,), x.dtype).at[dst].add(1.0), 1.0, None)
    d_invsqrt = (deg ** -0.5)[:, None]
    # MLP preprocessing (linear1 -> act -> linear2 -> act); dropout is identity in eval
    h = jax.nn.leaky_relu(x @ W1 + b1)
    h = jax.nn.leaky_relu(h @ W2 + b2)
    # PolyConv spectral filters: L = I - D^{-1/2} A D^{-1/2}
    outs = []
    for theta in THETAS:
        feat = h
        acc = theta[0] * feat
        for k in range(1, len(theta)):
            m = (feat * d_invsqrt)[src]                       # gather + copy_u
            agg = jax.ops.segment_sum(m, dst, num_segments=N)  # scatter-add to dst
            feat = feat - agg * d_invsqrt                      # unnormalized Laplacian step
            acc = acc + theta[k] * feat
        outs.append(acc)
    h_final = jnp.concatenate(outs, axis=-1)
    out = jax.nn.leaky_relu(h_final @ W3 + b3)
    return out

if __name__ == "__main__":
    import jax
    _d = setup_inputs()
    print(jax.jit(kernel)(*tuple(_d.values())))

</pallas_src>

<mosaic_0001>
#map = affine_map<(d0, d1) -> (0, 0)>
#map1 = affine_map<(d0, d1) -> (0, 0, 0)>
module attributes {stable_mosaic.version = 14 : i64} {
  func.func @_scatter_body(%arg0: i32, %arg1: i32, %arg2: memref<10240x128xf32, #tpu.memory_space<hbm>>, %arg3: memref<32x160x64xi32, #tpu.memory_space<hbm>>, %arg4: memref<32x160x64xi32, #tpu.memory_space<hbm>>, %arg5: memref<2x10240x128xf32, #tpu.memory_space<hbm>>, %arg6: memref<160x64xi32, #tpu.memory_space<vmem>>, %arg7: memref<160x64xi32, #tpu.memory_space<vmem>>, %arg8: memref<2x64x128xf32, #tpu.memory_space<vmem>>, %arg9: memref<10240x128xf32, #tpu.memory_space<vmem_shared>>, %arg10: memref<2x!tpu.dma_semaphore, #tpu.memory_space<semaphore_mem>>, %arg11: memref<2x!tpu.dma_semaphore, #tpu.memory_space<semaphore_mem>>) attributes {dimension_semantics = [#tpu.dimension_semantics<core_parallel>, #tpu.dimension_semantics<subcore_parallel>], iteration_bounds = array<i64: 2, 16>, scalar_prefetch = 0 : i64, scratch_operands = 6 : i64, tpu.core_type = #tpu.core_type<sc_vector_subcore>, window_params = [{transform_indices = #map}, {transform_indices = #map1}, {transform_indices = #map1}, {transform_indices = #map1}]} {
    %scan3A = arith.constant 0 : i32
    %scan3A_0 = arith.constant 0 : i32
    %scan3A_1 = arith.constant 0 : i32
    %scan3A_2 = arith.constant 512 : i32
    %scan3A_3 = arith.addi %scan3A_1, %scan3A_2 : i32
    %scan3A_4 = arith.constant 1 : i32
    scf.for %scan3A_172 = %scan3A_1 to %scan3A_3 step %scan3A_4  : i32 {
      %broadcast_in_dim3A = arith.constant 0.000000e+00 : f32
      %broadcast_in_dim3A_173 = vector.broadcast %broadcast_in_dim3A : f32 to vector<16xf32>
      %jit3A = arith.constant 8 : i32
      %div3A = arith.divsi %scan3A_172, %jit3A : i32
      %sign3A = arith.constant 0 : i32
      %sign3A_174 = arith.cmpi sgt, %scan3A_172, %sign3A : i32
      %sign3A_175 = arith.extui %sign3A_174 : i1 to i32
      %sign3A_176 = arith.constant 0 : i32
      %sign3A_177 = arith.cmpi slt, %scan3A_172, %sign3A_176 : i32
      %sign3A_178 = arith.extui %sign3A_177 : i1 to i32
      %sign3A_179 = arith.subi %sign3A_175, %sign3A_178 : i32
      %sign3A_180 = arith.constant 0 : i32
      %sign3A_181 = arith.cmpi sgt, %jit3A, %sign3A_180 : i32
      %sign3A_182 = arith.extui %sign3A_181 : i1 to i32
      %sign3A_183 = arith.constant 0 : i32
      %sign3A_184 = arith.cmpi slt, %jit3A, %sign3A_183 : i32
      %sign3A_185 = arith.extui %sign3A_184 : i1 to i32
      %sign3A_186 = arith.subi %sign3A_182, %sign3A_185 : i32
      %ne3A = arith.cmpi ne, %sign3A_179, %sign3A_186 : i32
      %rem3A = arith.remsi %scan3A_172, %jit3A : i32
      %ne3A_187 = arith.constant 0 : i32
      %ne3A_188 = arith.cmpi ne, %rem3A, %ne3A_187 : i32
      %and3A = arith.andi %ne3A, %ne3A_188 : i1
      %sub3A = arith.constant 1 : i32
      %sub3A_189 = arith.subi %div3A, %sub3A : i32
      %select_n3A = arith.select %and3A, %sub3A_189, %div3A : i32
      %jit3A_190 = arith.constant 8 : i32
      %eq3A = arith.constant 0 : i32
      %eq3A_191 = arith.cmpi eq, %jit3A_190, %eq3A : i32
      %jit3A_192 = arith.constant 1 : i32
      %select_n3A_193 = arith.select %eq3A_191, %jit3A_192, %jit3A_190 : i32
      %rem3A_194 = arith.remsi %scan3A_172, %select_n3A_193 : i32
      %ne3A_195 = arith.constant 0 : i32
      %ne3A_196 = arith.cmpi ne, %rem3A_194, %ne3A_195 : i32
      %lt3A = arith.constant 0 : i32
      %lt3A_197 = arith.cmpi slt, %rem3A_194, %lt3A : i32
      %lt3A_198 = arith.constant 0 : i32
      %lt3A_199 = arith.cmpi slt, %select_n3A_193, %lt3A_198 : i32
      %ne3A_200 = arith.xori %lt3A_197, %lt3A_199 : i1
      %and3A_201 = arith.andi %ne3A_200, %ne3A_196 : i1
      %add3A_202 = arith.addi %rem3A_194, %select_n3A_193 : i32
      %select_n3A_203 = arith.select %and3A_201, %add3A_202, %rem3A_194 : i32
      %mul3A_204 = arith.constant 16 : i32
      %mul3A_205 = arith.muli %select_n3A_203, %mul3A_204 : i32
      %swap3A = arith.constant 0 : i32
      %swap3A_206 = arith.constant 0 : i32
      %swap3A_207 = tpu.memref_slice %arg8[%scan3A_0, %swap3A, %swap3A_206] : memref<2x64x128xf32, #tpu.memory_space<vmem>> -> memref<1x64x128xf32, #tpu.memory_space<vmem>>
      %swap3A_208 = tpu.memref_squeeze %swap3A_207 : memref<1x64x128xf32, #tpu.memory_space<vmem>> -> memref<64x128xf32, #tpu.memory_space<vmem>>
      %swap3A_209 = arith.index_cast %select_n3A : i32 to index
      %swap3A_210 = arith.index_cast %mul3A_205 : i32 to index
      %swap3A_211 = tpu.vector_load %swap3A_208[%swap3A_209, %swap3A_210] {strides = array<i32>} : memref<64x128xf32, #tpu.memory_space<vmem>>, vector<1x16xf32>,
      %swap3A_212 = vector.shape_cast %swap3A_211 : vector<1x16xf32> to vector<16xf32>
      %swap3A_213 = vector.shape_cast %broadcast_in_dim3A_173 : vector<16xf32> to vector<1x16xf32>
      tpu.vector_store %swap3A_208[%swap3A_209, %swap3A_210], %swap3A_213 {strides = array<i32>} : memref<64x128xf32, #tpu.memory_space<vmem>>, vector<1x16xf32>,
    }
    %scan3A_5 = arith.constant 512 : i32
    %mul3A = arith.constant 640 : i32
    %mul3A_6 = arith.muli %arg1, %mul3A : i32
    %add3A = arith.constant 0 : i32
    %add3A_7 = arith.addi %mul3A_6, %add3A : i32
    %run_scoped3A = arith.constant 0 : i32
    "tpu.region"() ({
      %run_scoped3A_172 = tpu.sem_alloc : memref<!tpu.dma_semaphore, #tpu.memory_space<semaphore_mem>>
      %dma_start3A_173 = arith.constant 0 : i32
      %dma_start3A_174 = arith.constant 0 : i32
      %dma_start3A_175 = tpu.memref_slice %arg8[%run_scoped3A, %dma_start3A_173, %dma_start3A_174] : memref<2x64x128xf32, #tpu.memory_space<vmem>> -> memref<1x64x128xf32, #tpu.memory_space<vmem>>
      %dma_start3A_176 = tpu.memref_squeeze %dma_start3A_175 : memref<1x64x128xf32, #tpu.memory_space<vmem>> -> memref<64x128xf32, #tpu.memory_space<vmem>>
      %dma_start3A_177 = arith.constant 0 : i32
      %dma_start3A_178 = tpu.memref_slice %arg9[%add3A_7, %dma_start3A_177] : memref<10240x128xf32, #tpu.memory_space<vmem_shared>> -> memref<64x128xf32, #tpu.memory_space<vmem_shared>>
      %dma_start3A_179 = arith.constant 0 : i32
      %dma_start3A_180 = tpu.memref_slice %arg9[%add3A_7, %dma_start3A_179] : memref<10240x128xf32, #tpu.memory_space<vmem_shared>> -> memref<64x128xf32, #tpu.memory_space<vmem_shared>>
      %dma_start3A_181 = arith.constant 0 : i32
      %dma_start3A_182 = arith.constant 0 : i32
      %dma_start3A_183 = tpu.memref_slice %arg8[%run_scoped3A, %dma_start3A_181, %dma_start3A_182] : memref<2x64x128xf32, #tpu.memory_space<vmem>> -> memref<1x64x128xf32, #tpu.memory_space<vmem>>
      %dma_start3A_184 = tpu.memref_squeeze %dma_start3A_183 : memref<1x64x128xf32, #tpu.memory_space<vmem>> -> memref<64x128xf32, #tpu.memory_space<vmem>>
      tpu.enqueue_dma source(%dma_start3A_184 : memref<64x128xf32, #tpu.memory_space<vmem>>) target(%dma_start3A_180 : memref<64x128xf32, #tpu.memory_space<vmem_shared>>) target_semaphore(%run_scoped3A_172 : memref<!tpu.dma_semaphore, #tpu.memory_space<semaphore_mem>>)
      %dma_wait3A = arith.constant 0 : i32
      %dma_wait3A_185 = arith.constant 0 : i32
      %dma_wait3A_186 = tpu.memref_slice %arg8[%run_scoped3A, %dma_wait3A, %dma_wait3A_185] : memref<2x64x128xf32, #tpu.memory_space<vmem>> -> memref<1x64x128xf32, #tpu.memory_space<vmem>>
      %dma_wait3A_187 = tpu.memref_squeeze %dma_wait3A_186 : memref<1x64x128xf32, #tpu.memory_space<vmem>> -> memref<64x128xf32, #tpu.memory_space<vmem>>
      %dma_wait3A_188 = arith.constant 0 : i32
      %dma_wait3A_189 = tpu.memref_slice %arg9[%add3A_7, %dma_wait3A_188] : memref<10240x128xf32, #tpu.memory_space<vmem_shared>> -> memref<64x128xf32, #tpu.memory_space<vmem_shared>>
      %dma_wait3A_190 = arith.constant 0 : i32
      %dma_wait3A_191 = tpu.memref_slice %arg9[%add3A_7, %dma_wait3A_190] : memref<10240x128xf32, #tpu.memory_space<vmem_shared>> -> memref<64x128xf32, #tpu.memory_space<vmem_shared>>
      %dma_wait3A_192 = arith.constant 0 : i32
      %dma_wait3A_193 = arith.constant 0 : i32
      %dma_wait3A_194 = tpu.memref_slice %arg8[%run_scoped3A, %dma_wait3A_192, %dma_wait3A_193] : memref<2x64x128xf32, #tpu.memory_space<vmem>> -> memref<1x64x128xf32, #tpu.memory_space<vmem>>
      %dma_wait3A_195 = tpu.memref_squeeze %dma_wait3A_194 : memref<1x64x128xf32, #tpu.memory_space<vmem>> -> memref<64x128xf32, #tpu.memory_space<vmem>>
      tpu.wait_dma2 semaphore(%run_scoped3A_172 : memref<!tpu.dma_semaphore, #tpu.memory_space<semaphore_mem>>) src(%dma_wait3A_195 : memref<64x128xf32, #tpu.memory_space<vmem>>) dst(%dma_wait3A_191 : memref<64x128xf32, #tpu.memory_space<vmem_shared>>)
      tpu.yield
    }) : () -> ()
    %mul3A_8 = arith.constant 640 : i32
    %mul3A_9 = arith.muli %arg1, %mul3A_8 : i32
    %add3A_10 = arith.constant 64 : i32
    %add3A_11 = arith.addi %mul3A_9, %add3A_10 : i32
    %run_scoped3A_12 = arith.constant 0 : i32
    "tpu.region"() ({
      %run_scoped3A_172 = tpu.sem_alloc : memref<!tpu.dma_semaphore, #tpu.memory_space<semaphore_mem>>
      %dma_start3A_173 = arith.constant 0 : i32
      %dma_start3A_174 = arith.constant 0 : i32
      %dma_start3A_175 = tpu.memref_slice %arg8[%run_scoped3A_12, %dma_start3A_173, %dma_start3A_174] : memref<2x64x128xf32, #tpu.memory_space<vmem>> -> memref<1x64x128xf32, #tpu.memory_space<vmem>>
      %dma_start3A_176 = tpu.memref_squeeze %dma_start3A_175 : memref<1x64x128xf32, #tpu.memory_space<vmem>> -> memref<64x128xf32, #tpu.memory_space<vmem>>
      %dma_start3A_177 = arith.constant 0 : i32
      %dma_start3A_178 = tpu.memref_slice %arg9[%add3A_11, %dma_start3A_177] : memref<10240x128xf32, #tpu.memory_space<vmem_shared>> -> memref<64x128xf32, #tpu.memory_space<vmem_shared>>
      %dma_start3A_179 = arith.constant 0 : i32
      %dma_start3A_180 = tpu.memref_slice %arg9[%add3A_11, %dma_start3A_179] : memref<10240x128xf32, #tpu.memory_space<vmem_shared>> -> memref<64x128xf32, #tpu.memory_space<vmem_shared>>
      %dma_start3A_181 = arith.constant 0 : i32
      %dma_start3A_182 = arith.constant 0 : i32
      %dma_start3A_183 = tpu.memref_slice %arg8[%run_scoped3A_12, %dma_start3A_181, %dma_start3A_182] : memref<2x64x128xf32, #tpu.memory_space<vmem>> -> memref<1x64x128xf32, #tpu.memory_space<vmem>>
      %dma_start3A_184 = tpu.memref_squeeze %dma_start3A_183 : memref<1x64x128xf32, #tpu.memory_space<vmem>> -> memref<64x128xf32, #tpu.memory_space<vmem>>
      tpu.enqueue_dma source(%dma_start3A_184 : memref<64x128xf32, #tpu.memory_space<vmem>>) target(%dma_start3A_180 : memref<64x128xf32, #tpu.memory_space<vmem_shared>>) target_semaphore(%run_scoped3A_172 : memref<!tpu.dma_semaphore, #tpu.memory_space<semaphore_mem>>)
      %dma_wait3A = arith.constant 0 : i32
      %dma_wait3A_185 = arith.constant 0 : i32
      %dma_wait3A_186 = tpu.memref_slice %arg8[%run_scoped3A_12, %dma_wait3A, %dma_wait3A_185] : memref<2x64x128xf32, #tpu.memory_space<vmem>> -> memref<1x64x128xf32, #tpu.memory_space<vmem>>
      %dma_wait3A_187 = tpu.memref_squeeze %dma_wait3A_186 : memref<1x64x128xf32, #tpu.memory_space<vmem>> -> memref<64x128xf32, #tpu.memory_space<vmem>>
      %dma_wait3A_188 = arith.constant 0 : i32
      %dma_wait3A_189 = tpu.memref_slice %arg9[%add3A_11, %dma_wait3A_188] : memref<10240x128xf32, #tpu.memory_space<vmem_shared>> -> memref<64x128xf32, #tpu.memory_space<vmem_shared>>
      %dma_wait3A_190 = arith.constant 0 : i32
      %dma_wait3A_191 = tpu.memref_slice %arg9[%add3A_11, %dma_wait3A_190] : memref<10240x128xf32, #tpu.memory_space<vmem_shared>> -> memref<64x128xf32, #tpu.memory_space<vmem_shared>>
      %dma_wait3A_192 = arith.constant 0 : i32
      %dma_wait3A_193 = arith.constant 0 : i32
      %dma_wait3A_194 = tpu.memref_slice %arg8[%run_scoped3A_12, %dma_wait3A_192, %dma_wait3A_193] : memref<2x64x128xf32, #tpu.memory_space<vmem>> -> memref<1x64x128xf32, #tpu.memory_space<vmem>>
      %dma_wait3A_195 = tpu.memref_squeeze %dma_wait3A_194 : memref<1x64x128xf32, #tpu.memory_space<vmem>> -> memref<64x128xf32, #tpu.memory_space<vmem>>
      tpu.wait_dma2 semaphore(%run_scoped3A_172 : memref<!tpu.dma_semaphore, #tpu.memory_space<semaphore_mem>>) src(%dma_wait3A_195 : memref<64x128xf32, #tpu.memory_space<vmem>>) dst(%dma_wait3A_191 : memref<64x128xf32, #tpu.memory_space<vmem_shared>>)
      tpu.yield
    }) : () -> ()
    %mul3A_13 = arith.constant 640 : i32
    %mul3A_14 = arith.muli %arg1, %mul3A_13 : i32
    %add3A_15 = arith.constant 128 : i32
    %add3A_16 = arith.addi %mul3A_14, %add3A_15 : i32
    %run_scoped3A_17 = arith.constant 0 : i32
    "tpu.region"() ({
      %run_scoped3A_172 = tpu.sem_alloc : memref<!tpu.dma_semaphore, #tpu.memory_space<semaphore_mem>>
      %dma_start3A_173 = arith.constant 0 : i32
      %dma_start3A_174 = arith.constant 0 : i32
      %dma_start3A_175 = tpu.memref_slice %arg8[%run_scoped3A_17, %dma_start3A_173, %dma_start3A_174] : memref<2x64x128xf32, #tpu.memory_space<vmem>> -> memref<1x64x128xf32, #tpu.memory_space<vmem>>
      %dma_start3A_176 = tpu.memref_squeeze %dma_start3A_175 : memref<1x64x128xf32, #tpu.memory_space<vmem>> -> memref<64x128xf32, #tpu.memory_space<vmem>>
      %dma_start3A_177 = arith.constant 0 : i32
      %dma_start3A_178 = tpu.memref_slice %arg9[%add3A_16, %dma_start3A_177] : memref<10240x128xf32, #tpu.memory_space<vmem_shared>> -> memref<64x128xf32, #tpu.memory_space<vmem_shared>>
      %dma_start3A_179 = arith.constant 0 : i32
      %dma_start3A_180 = tpu.memref_slice %arg9[%add3A_16, %dma_start3A_179] : memref<10240x128xf32, #tpu.memory_space<vmem_shared>> -> memref<64x128xf32, #tpu.memory_space<vmem_shared>>
      %dma_start3A_181 = arith.constant 0 : i32
      %dma_start3A_182 = arith.constant 0 : i32
      %dma_start3A_183 = tpu.memref_slice %arg8[%run_scoped3A_17, %dma_start3A_181, %dma_start3A_182] : memref<2x64x128xf32, #tpu.memory_space<vmem>> -> memref<1x64x128xf32, #tpu.memory_space<vmem>>
      %dma_start3A_184 = tpu.memref_squeeze %dma_start3A_183 : memref<1x64x128xf32, #tpu.memory_space<vmem>> -> memref<64x128xf32, #tpu.memory_space<vmem>>
      tpu.enqueue_dma source(%dma_start3A_184 : memref<64x128xf32, #tpu.memory_space<vmem>>) target(%dma_start3A_180 : memref<64x128xf32, #tpu.memory_space<vmem_shared>>) target_semaphore(%run_scoped3A_172 : memref<!tpu.dma_semaphore, #tpu.memory_space<semaphore_mem>>)
      %dma_wait3A = arith.constant 0 : i32
      %dma_wait3A_185 = arith.constant 0 : i32
      %dma_wait3A_186 = tpu.memref_slice %arg8[%run_scoped3A_17, %dma_wait3A, %dma_wait3A_185] : memref<2x64x128xf32, #tpu.memory_space<vmem>> -> memref<1x64x128xf32, #tpu.memory_space<vmem>>
      %dma_wait3A_187 = tpu.memref_squeeze %dma_wait3A_186 : memref<1x64x128xf32, #tpu.memory_space<vmem>> -> memref<64x128xf32, #tpu.memory_space<vmem>>
      %dma_wait3A_188 = arith.constant 0 : i32
      %dma_wait3A_189 = tpu.memref_slice %arg9[%add3A_16, %dma_wait3A_188] : memref<10240x128xf32, #tpu.memory_space<vmem_shared>> -> memref<64x128xf32, #tpu.memory_space<vmem_shared>>
      %dma_wait3A_190 = arith.constant 0 : i32
      %dma_wait3A_191 = tpu.memref_slice %arg9[%add3A_16, %dma_wait3A_190] : memref<10240x128xf32, #tpu.memory_space<vmem_shared>> -> memref<64x128xf32, #tpu.memory_space<vmem_shared>>
      %dma_wait3A_192 = arith.constant 0 : i32
      %dma_wait3A_193 = arith.constant 0 : i32
      %dma_wait3A_194 = tpu.memref_slice %arg8[%run_scoped3A_17, %dma_wait3A_192, %dma_wait3A_193] : memref<2x64x128xf32, #tpu.memory_space<vmem>> -> memref<1x64x128xf32, #tpu.memory_space<vmem>>
      %dma_wait3A_195 = tpu.memref_squeeze %dma_wait3A_194 : memref<1x64x128xf32, #tpu.memory_space<vmem>> -> memref<64x128xf32, #tpu.memory_space<vmem>>
      tpu.wait_dma2 semaphore(%run_scoped3A_172 : memref<!tpu.dma_semaphore, #tpu.memory_space<semaphore_mem>>) src(%dma_wait3A_195 : memref<64x128xf32, #tpu.memory_space<vmem>>) dst(%dma_wait3A_191 : memref<64x128xf32, #tpu.memory_space<vmem_shared>>)
      tpu.yield
    }) : () -> ()
    %mul3A_18 = arith.constant 640 : i32
    %mul3A_19 = arith.muli %arg1, %mul3A_18 : i32
    %add3A_20 = arith.constant 192 : i32
    %add3A_21 = arith.addi %mul3A_19, %add3A_20 : i32
    %run_scoped3A_22 = arith.constant 0 : i32
    "tpu.region"() ({
      %run_scoped3A_172 = tpu.sem_alloc : memref<!tpu.dma_semaphore, #tpu.memory_space<semaphore_mem>>
      %dma_start3A_173 = arith.constant 0 : i32
      %dma_start3A_174 = arith.constant 0 : i32
      %dma_start3A_175 = tpu.memref_slice %arg8[%run_scoped3A_22, %dma_start3A_173, %dma_start3A_174] : memref<2x64x128xf32, #tpu.memory_space<vmem>> -> memref<1x64x128xf32, #tpu.memory_space<vmem>>
      %dma_start3A_176 = tpu.memref_squeeze %dma_start3A_175 : memref<1x64x128xf32, #tpu.memory_space<vmem>> -> memref<64x128xf32, #tpu.memory_space<vmem>>
      %dma_start3A_177 = arith.constant 0 : i32
      %dma_start3A_178 = tpu.memref_slice %arg9[%add3A_21, %dma_start3A_177] : memref<10240x128xf32, #tpu.memory_space<vmem_shared>> -> memref<64x128xf32, #tpu.memory_space<vmem_shared>>
      %dma_start3A_179 = arith.constant 0 : i32
      %dma_start3A_180 = tpu.memref_slice %arg9[%add3A_21, %dma_start3A_179] : memref<10240x128xf32, #tpu.memory_space<vmem_shared>> -> memref<64x128xf32, #tpu.memory_space<vmem_shared>>
      %dma_start3A_181 = arith.constant 0 : i32
      %dma_start3A_182 = arith.constant 0 : i32
      %dma_start3A_183 = tpu.memref_slice %arg8[%run_scoped3A_22, %dma_start3A_181, %dma_start3A_182] : memref<2x64x128xf32, #tpu.memory_space<vmem>> -> memref<1x64x128xf32, #tpu.memory_space<vmem>>
      %dma_start3A_184 = tpu.memref_squeeze %dma_start3A_183 : memref<1x64x128xf32, #tpu.memory_space<vmem>> -> memref<64x128xf32, #tpu.memory_space<vmem>>
      tpu.enqueue_dma source(%dma_start3A_184 : memref<64x128xf32, #tpu.memory_space<vmem>>) target(%dma_start3A_180 : memref<64x128xf32, #tpu.memory_space<vmem_shared>>) target_semaphore(%run_scoped3A_172 : memref<!tpu.dma_semaphore, #tpu.memory_space<semaphore_mem>>)
      %dma_wait3A = arith.constant 0 : i32
      %dma_wait3A_185 = arith.constant 0 : i32
      %dma_wait3A_186 = tpu.memref_slice %arg8[%run_scoped3A_22, %dma_wait3A, %dma_wait3A_185] : memref<2x64x128xf32, #tpu.memory_space<vmem>> -> memref<1x64x128xf32, #tpu.memory_space<vmem>>
      %dma_wait3A_187 = tpu.memref_squeeze %dma_wait3A_186 : memref<1x64x128xf32, #tpu.memory_space<vmem>> -> memref<64x128xf32, #tpu.memory_space<vmem>>
      %dma_wait3A_188 = arith.constant 0 : i32
      %dma_wait3A_189 = tpu.memref_slice %arg9[%add3A_21, %dma_wait3A_188] : memref<10240x128xf32, #tpu.memory_space<vmem_shared>> -> memref<64x128xf32, #tpu.memory_space<vmem_shared>>
      %dma_wait3A_190 = arith.constant 0 : i32
      %dma_wait3A_191 = tpu.memref_slice %arg9[%add3A_21, %dma_wait3A_190] : memref<10240x128xf32, #tpu.memory_space<vmem_shared>> -> memref<64x128xf32, #tpu.memory_space<vmem_shared>>
      %dma_wait3A_192 = arith.constant 0 : i32
      %dma_wait3A_193 = arith.constant 0 : i32
      %dma_wait3A_194 = tpu.memref_slice %arg8[%run_scoped3A_22, %dma_wait3A_192, %dma_wait3A_193] : memref<2x64x128xf32, #tpu.memory_space<vmem>> -> memref<1x64x128xf32, #tpu.memory_space<vmem>>
      %dma_wait3A_195 = tpu.memref_squeeze %dma_wait3A_194 : memref<1x64x128xf32, #tpu.memory_space<vmem>> -> memref<64x128xf32, #tpu.memory_space<vmem>>
      tpu.wait_dma2 semaphore(%run_scoped3A_172 : memref<!tpu.dma_semaphore, #tpu.memory_space<semaphore_mem>>) src(%dma_wait3A_195 : memref<64x128xf32, #tpu.memory_space<vmem>>) dst(%dma_wait3A_191 : memref<64x128xf32, #tpu.memory_space<vmem_shared>>)
      tpu.yield
    }) : () -> ()
    %mul3A_23 = arith.constant 640 : i32
    %mul3A_24 = arith.muli %arg1, %mul3A_23 : i32
    %add3A_25 = arith.constant 256 : i32
    %add3A_26 = arith.addi %mul3A_24, %add3A_25 : i32
    %run_scoped3A_27 = arith.constant 0 : i32
    "tpu.region"() ({
      %run_scoped3A_172 = tpu.sem_alloc : memref<!tpu.dma_semaphore, #tpu.memory_space<semaphore_mem>>
      %dma_start3A_173 = arith.constant 0 : i32
      %dma_start3A_174 = arith.constant 0 : i32
      %dma_start3A_175 = tpu.memref_slice %arg8[%run_scoped3A_27, %dma_start3A_173, %dma_start3A_174] : memref<2x64x128xf32, #tpu.memory_space<vmem>> -> memref<1x64x128xf32, #tpu.memory_space<vmem>>
      %dma_start3A_176 = tpu.memref_squeeze %dma_start3A_175 : memref<1x64x128xf32, #tpu.memory_space<vmem>> -> memref<64x128xf32, #tpu.memory_space<vmem>>
      %dma_start3A_177 = arith.constant 0 : i32
      %dma_start3A_178 = tpu.memref_slice %arg9[%add3A_26, %dma_start3A_177] : memref<10240x128xf32, #tpu.memory_space<vmem_shared>> -> memref<64x128xf32, #tpu.memory_space<vmem_shared>>
      %dma_start3A_179 = arith.constant 0 : i32
      %dma_start3A_180 = tpu.memref_slice %arg9[%add3A_26, %dma_start3A_179] : memref<10240x128xf32, #tpu.memory_space<vmem_shared>> -> memref<64x128xf32, #tpu.memory_space<vmem_shared>>
      %dma_start3A_181 = arith.constant 0 : i32
      %dma_start3A_182 = arith.constant 0 : i32
      %dma_start3A_183 = tpu.memref_slice %arg8[%run_scoped3A_27, %dma_start3A_181, %dma_start3A_182] : memref<2x64x128xf32, #tpu.memory_space<vmem>> -> memref<1x64x128xf32, #tpu.memory_space<vmem>>
      %dma_start3A_184 = tpu.memref_squeeze %dma_start3A_183 : memref<1x64x128xf32, #tpu.memory_space<vmem>> -> memref<64x128xf32, #tpu.memory_space<vmem>>
      tpu.enqueue_dma source(%dma_start3A_184 : memref<64x128xf32, #tpu.memory_space<vmem>>) target(%dma_start3A_180 : memref<64x128xf32, #tpu.memory_space<vmem_shared>>) target_semaphore(%run_scoped3A_172 : memref<!tpu.dma_semaphore, #tpu.memory_space<semaphore_mem>>)
      %dma_wait3A = arith.constant 0 : i32
      %dma_wait3A_185 = arith.constant 0 : i32
      %dma_wait3A_186 = tpu.memref_slice %arg8[%run_scoped3A_27, %dma_wait3A, %dma_wait3A_185] : memref<2x64x128xf32, #tpu.memory_space<vmem>> -> memref<1x64x128xf32, #tpu.memory_space<vmem>>
      %dma_wait3A_187 = tpu.memref_squeeze %dma_wait3A_186 : memref<1x64x128xf32, #tpu.memory_space<vmem>> -> memref<64x128xf32, #tpu.memory_space<vmem>>
      %dma_wait3A_188 = arith.constant 0 : i32
      %dma_wait3A_189 = tpu.memref_slice %arg9[%add3A_26, %dma_wait3A_188] : memref<10240x128xf32, #tpu.memory_space<vmem_shared>> -> memref<64x128xf32, #tpu.memory_space<vmem_shared>>
      %dma_wait3A_190 = arith.constant 0 : i32
      %dma_wait3A_191 = tpu.memref_slice %arg9[%add3A_26, %dma_wait3A_190] : memref<10240x128xf32, #tpu.memory_space<vmem_shared>> -> memref<64x128xf32, #tpu.memory_space<vmem_shared>>
      %dma_wait3A_192 = arith.constant 0 : i32
      %dma_wait3A_193 = arith.constant 0 : i32
      %dma_wait3A_194 = tpu.memref_slice %arg8[%run_scoped3A_27, %dma_wait3A_192, %dma_wait3A_193] : memref<2x64x128xf32, #tpu.memory_space<vmem>> -> memref<1x64x128xf32, #tpu.memory_space<vmem>>
      %dma_wait3A_195 = tpu.memref_squeeze %dma_wait3A_194 : memref<1x64x128xf32, #tpu.memory_space<vmem>> -> memref<64x128xf32, #tpu.memory_space<vmem>>
      tpu.wait_dma2 semaphore(%run_scoped3A_172 : memref<!tpu.dma_semaphore, #tpu.memory_space<semaphore_mem>>) src(%dma_wait3A_195 : memref<64x128xf32, #tpu.memory_space<vmem>>) dst(%dma_wait3A_191 : memref<64x128xf32, #tpu.memory_space<vmem_shared>>)
      tpu.yield
    }) : () -> ()
    %mul3A_28 = arith.constant 640 : i32
    %mul3A_29 = arith.muli %arg1, %mul3A_28 : i32
    %add3A_30 = arith.constant 320 : i32
    %add3A_31 = arith.addi %mul3A_29, %add3A_30 : i32
    %run_scoped3A_32 = arith.constant 0 : i32
    "tpu.region"() ({
      %run_scoped3A_172 = tpu.sem_alloc : memref<!tpu.dma_semaphore, #tpu.memory_space<semaphore_mem>>
      %dma_start3A_173 = arith.constant 0 : i32
      %dma_start3A_174 = arith.constant 0 : i32
      %dma_start3A_175 = tpu.memref_slice %arg8[%run_scoped3A_32, %dma_start3A_173, %dma_start3A_174] : memref<2x64x128xf32, #tpu.memory_space<vmem>> -> memref<1x64x128xf32, #tpu.memory_space<vmem>>
      %dma_start3A_176 = tpu.memref_squeeze %dma_start3A_175 : memref<1x64x128xf32, #tpu.memory_space<vmem>> -> memref<64x128xf32, #tpu.memory_space<vmem>>
      %dma_start3A_177 = arith.constant 0 : i32
      %dma_start3A_178 = tpu.memref_slice %arg9[%add3A_31, %dma_start3A_177] : memref<10240x128xf32, #tpu.memory_space<vmem_shared>> -> memref<64x128xf32, #tpu.memory_space<vmem_shared>>
      %dma_start3A_179 = arith.constant 0 : i32
      %dma_start3A_180 = tpu.memref_slice %arg9[%add3A_31, %dma_start3A_179] : memref<10240x128xf32, #tpu.memory_space<vmem_shared>> -> memref<64x128xf32, #tpu.memory_space<vmem_shared>>
      %dma_start3A_181 = arith.constant 0 : i32
      %dma_start3A_182 = arith.constant 0 : i32
      %dma_start3A_183 = tpu.memref_slice %arg8[%run_scoped3A_32, %dma_start3A_181, %dma_start3A_182] : memref<2x64x128xf32, #tpu.memory_space<vmem>> -> memref<1x64x128xf32, #tpu.memory_space<vmem>>
      %dma_start3A_184 = tpu.memref_squeeze %dma_start3A_183 : memref<1x64x128xf32, #tpu.memory_space<vmem>> -> memref<64x128xf32, #tpu.memory_space<vmem>>
      tpu.enqueue_dma source(%dma_start3A_184 : memref<64x128xf32, #tpu.memory_space<vmem>>) target(%dma_start3A_180 : memref<64x128xf32, #tpu.memory_space<vmem_shared>>) target_semaphore(%run_scoped3A_172 : memref<!tpu.dma_semaphore, #tpu.memory_space<semaphore_mem>>)
      %dma_wait3A = arith.constant 0 : i32
      %dma_wait3A_185 = arith.constant 0 : i32
      %dma_wait3A_186 = tpu.memref_slice %arg8[%run_scoped3A_32, %dma_wait3A, %dma_wait3A_185] : memref<2x64x128xf32, #tpu.memory_space<vmem>> -> memref<1x64x128xf32, #tpu.memory_space<vmem>>
      %dma_wait3A_187 = tpu.memref_squeeze %dma_wait3A_186 : memref<1x64x128xf32, #tpu.memory_space<vmem>> -> memref<64x128xf32, #tpu.memory_space<vmem>>
      %dma_wait3A_188 = arith.constant 0 : i32
      %dma_wait3A_189 = tpu.memref_slice %arg9[%add3A_31, %dma_wait3A_188] : memref<10240x128xf32, #tpu.memory_space<vmem_shared>> -> memref<64x128xf32, #tpu.memory_space<vmem_shared>>
      %dma_wait3A_190 = arith.constant 0 : i32
      %dma_wait3A_191 = tpu.memref_slice %arg9[%add3A_31, %dma_wait3A_190] : memref<10240x128xf32, #tpu.memory_space<vmem_shared>> -> memref<64x128xf32, #tpu.memory_space<vmem_shared>>
      %dma_wait3A_192 = arith.constant 0 : i32
      %dma_wait3A_193 = arith.constant 0 : i32
      %dma_wait3A_194 = tpu.memref_slice %arg8[%run_scoped3A_32, %dma_wait3A_192, %dma_wait3A_193] : memref<2x64x128xf32, #tpu.memory_space<vmem>> -> memref<1x64x128xf32, #tpu.memory_space<vmem>>
      %dma_wait3A_195 = tpu.memref_squeeze %dma_wait3A_194 : memref<1x64x128xf32, #tpu.memory_space<vmem>> -> memref<64x128xf32, #tpu.memory_space<vmem>>
      tpu.wait_dma2 semaphore(%run_scoped3A_172 : memref<!tpu.dma_semaphore, #tpu.memory_space<semaphore_mem>>) src(%dma_wait3A_195 : memref<64x128xf32, #tpu.memory_space<vmem>>) dst(%dma_wait3A_191 : memref<64x128xf32, #tpu.memory_space<vmem_shared>>)
      tpu.yield
    }) : () -> ()
    %mul3A_33 = arith.constant 640 : i32
    %mul3A_34 = arith.muli %arg1, %mul3A_33 : i32
    %add3A_35 = arith.constant 384 : i32
    %add3A_36 = arith.addi %mul3A_34, %add3A_35 : i32
    %run_scoped3A_37 = arith.constant 0 : i32
    "tpu.region"() ({
      %run_scoped3A_172 = tpu.sem_alloc : memref<!tpu.dma_semaphore, #tpu.memory_space<semaphore_mem>>
      %dma_start3A_173 = arith.constant 0 : i32
      %dma_start3A_174 = arith.constant 0 : i32
      %dma_start3A_175 = tpu.memref_slice %arg8[%run_scoped3A_37, %dma_start3A_173, %dma_start3A_174] : memref<2x64x128xf32, #tpu.memory_space<vmem>> -> memref<1x64x128xf32, #tpu.memory_space<vmem>>
      %dma_start3A_176 = tpu.memref_squeeze %dma_start3A_175 : memref<1x64x128xf32, #tpu.memory_space<vmem>> -> memref<64x128xf32, #tpu.memory_space<vmem>>
      %dma_start3A_177 = arith.constant 0 : i32
      %dma_start3A_178 = tpu.memref_slice %arg9[%add3A_36, %dma_start3A_177] : memref<10240x128xf32, #tpu.memory_space<vmem_shared>> -> memref<64x128xf32, #tpu.memory_space<vmem_shared>>
      %dma_start3A_179 = arith.constant 0 : i32
      %dma_start3A_180 = tpu.memref_slice %arg9[%add3A_36, %dma_start3A_179] : memref<10240x128xf32, #tpu.memory_space<vmem_shared>> -> memref<64x128xf32, #tpu.memory_space<vmem_shared>>
      %dma_start3A_181 = arith.constant 0 : i32
      %dma_start3A_182 = arith.constant 0 : i32
      %dma_start3A_183 = tpu.memref_slice %arg8[%run_scoped3A_37, %dma_start3A_181, %dma_start3A_182] : memref<2x64x128xf32, #tpu.memory_space<vmem>> -> memref<1x64x128xf32, #tpu.memory_space<vmem>>
      %dma_start3A_184 = tpu.memref_squeeze %dma_start3A_183 : memref<1x64x128xf32, #tpu.memory_space<vmem>> -> memref<64x128xf32, #tpu.memory_space<vmem>>
      tpu.enqueue_dma source(%dma_start3A_184 : memref<64x128xf32, #tpu.memory_space<vmem>>) target(%dma_start3A_180 : memref<64x128xf32, #tpu.memory_space<vmem_shared>>) target_semaphore(%run_scoped3A_172 : memref<!tpu.dma_semaphore, #tpu.memory_space<semaphore_mem>>)
      %dma_wait3A = arith.constant 0 : i32
      %dma_wait3A_185 = arith.constant 0 : i32
      %dma_wait3A_186 = tpu.memref_slice %arg8[%run_scoped3A_37, %dma_wait3A, %dma_wait3A_185] : memref<2x64x128xf32, #tpu.memory_space<vmem>> -> memref<1x64x128xf32, #tpu.memory_space<vmem>>
      %dma_wait3A_187 = tpu.memref_squeeze %dma_wait3A_186 : memref<1x64x128xf32, #tpu.memory_space<vmem>> -> memref<64x128xf32, #tpu.memory_space<vmem>>
      %dma_wait3A_188 = arith.constant 0 : i32
      %dma_wait3A_189 = tpu.memref_slice %arg9[%add3A_36, %dma_wait3A_188] : memref<10240x128xf32, #tpu.memory_space<vmem_shared>> -> memref<64x128xf32, #tpu.memory_space<vmem_shared>>
      %dma_wait3A_190 = arith.constant 0 : i32
      %dma_wait3A_191 = tpu.memref_slice %arg9[%add3A_36, %dma_wait3A_190] : memref<10240x128xf32, #tpu.memory_space<vmem_shared>> -> memref<64x128xf32, #tpu.memory_space<vmem_shared>>
      %dma_wait3A_192 = arith.constant 0 : i32
      %dma_wait3A_193 = arith.constant 0 : i32
      %dma_wait3A_194 = tpu.memref_slice %arg8[%run_scoped3A_37, %dma_wait3A_192, %dma_wait3A_193] : memref<2x64x128xf32, #tpu.memory_space<vmem>> -> memref<1x64x128xf32, #tpu.memory_space<vmem>>
      %dma_wait3A_195 = tpu.memref_squeeze %dma_wait3A_194 : memref<1x64x128xf32, #tpu.memory_space<vmem>> -> memref<64x128xf32, #tpu.memory_space<vmem>>
      tpu.wait_dma2 semaphore(%run_scoped3A_172 : memref<!tpu.dma_semaphore, #tpu.memory_space<semaphore_mem>>) src(%dma_wait3A_195 : memref<64x128xf32, #tpu.memory_space<vmem>>) dst(%dma_wait3A_191 : memref<64x128xf32, #tpu.memory_space<vmem_shared>>)
      tpu.yield
    }) : () -> ()
    %mul3A_38 = arith.constant 640 : i32
    %mul3A_39 = arith.muli %arg1, %mul3A_38 : i32
    %add3A_40 = arith.constant 448 : i32
    %add3A_41 = arith.addi %mul3A_39, %add3A_40 : i32
    %run_scoped3A_42 = arith.constant 0 : i32
    "tpu.region"() ({
      %run_scoped3A_172 = tpu.sem_alloc : memref<!tpu.dma_semaphore, #tpu.memory_space<semaphore_mem>>
      %dma_start3A_173 = arith.constant 0 : i32
      %dma_start3A_174 = arith.constant 0 : i32
      %dma_start3A_175 = tpu.memref_slice %arg8[%run_scoped3A_42, %dma_start3A_173, %dma_start3A_174] : memref<2x64x128xf32, #tpu.memory_space<vmem>> -> memref<1x64x128xf32, #tpu.memory_space<vmem>>
      %dma_start3A_176 = tpu.memref_squeeze %dma_start3A_175 : memref<1x64x128xf32, #tpu.memory_space<vmem>> -> memref<64x128xf32, #tpu.memory_space<vmem>>
      %dma_start3A_177 = arith.constant 0 : i32
      %dma_start3A_178 = tpu.memref_slice %arg9[%add3A_41, %dma_start3A_177] : memref<10240x128xf32, #tpu.memory_space<vmem_shared>> -> memref<64x128xf32, #tpu.memory_space<vmem_shared>>
      %dma_start3A_179 = arith.constant 0 : i32
      %dma_start3A_180 = tpu.memref_slice %arg9[%add3A_41, %dma_start3A_179] : memref<10240x128xf32, #tpu.memory_space<vmem_shared>> -> memref<64x128xf32, #tpu.memory_space<vmem_shared>>
      %dma_start3A_181 = arith.constant 0 : i32
      %dma_start3A_182 = arith.constant 0 : i32
      %dma_start3A_183 = tpu.memref_slice %arg8[%run_scoped3A_42, %dma_start3A_181, %dma_start3A_182] : memref<2x64x128xf32, #tpu.memory_space<vmem>> -> memref<1x64x128xf32, #tpu.memory_space<vmem>>
      %dma_start3A_184 = tpu.memref_squeeze %dma_start3A_183 : memref<1x64x128xf32, #tpu.memory_space<vmem>> -> memref<64x128xf32, #tpu.memory_space<vmem>>
      tpu.enqueue_dma source(%dma_start3A_184 : memref<64x128xf32, #tpu.memory_space<vmem>>) target(%dma_start3A_180 : memref<64x128xf32, #tpu.memory_space<vmem_shared>>) target_semaphore(%run_scoped3A_172 : memref<!tpu.dma_semaphore, #tpu.memory_space<semaphore_mem>>)
      %dma_wait3A = arith.constant 0 : i32
      %dma_wait3A_185 = arith.constant 0 : i32
      %dma_wait3A_186 = tpu.memref_slice %arg8[%run_scoped3A_42, %dma_wait3A, %dma_wait3A_185] : memref<2x64x128xf32, #tpu.memory_space<vmem>> -> memref<1x64x128xf32, #tpu.memory_space<vmem>>
      %dma_wait3A_187 = tpu.memref_squeeze %dma_wait3A_186 : memref<1x64x128xf32, #tpu.memory_space<vmem>> -> memref<64x128xf32, #tpu.memory_space<vmem>>
      %dma_wait3A_188 = arith.constant 0 : i32
      %dma_wait3A_189 = tpu.memref_slice %arg9[%add3A_41, %dma_wait3A_188] : memref<10240x128xf32, #tpu.memory_space<vmem_shared>> -> memref<64x128xf32, #tpu.memory_space<vmem_shared>>
      %dma_wait3A_190 = arith.constant 0 : i32
      %dma_wait3A_191 = tpu.memref_slice %arg9[%add3A_41, %dma_wait3A_190] : memref<10240x128xf32, #tpu.memory_space<vmem_shared>> -> memref<64x128xf32, #tpu.memory_space<vmem_shared>>
      %dma_wait3A_192 = arith.constant 0 : i32
      %dma_wait3A_193 = arith.constant 0 : i32
      %dma_wait3A_194 = tpu.memref_slice %arg8[%run_scoped3A_42, %dma_wait3A_192, %dma_wait3A_193] : memref<2x64x128xf32, #tpu.memory_space<vmem>> -> memref<1x64x128xf32, #tpu.memory_space<vmem>>
      %dma_wait3A_195 = tpu.memref_squeeze %dma_wait3A_194 : memref<1x64x128xf32, #tpu.memory_space<vmem>> -> memref<64x128xf32, #tpu.memory_space<vmem>>
      tpu.wait_dma2 semaphore(%run_scoped3A_172 : memref<!tpu.dma_semaphore, #tpu.memory_space<semaphore_mem>>) src(%dma_wait3A_195 : memref<64x128xf32, #tpu.memory_space<vmem>>) dst(%dma_wait3A_191 : memref<64x128xf32, #tpu.memory_space<vmem_shared>>)
      tpu.yield
    }) : () -> ()
    %mul3A_43 = arith.constant 640 : i32
    %mul3A_44 = arith.muli %arg1, %mul3A_43 : i32
    %add3A_45 = arith.constant 512 : i32
    %add3A_46 = arith.addi %mul3A_44, %add3A_45 : i32
    %run_scoped3A_47 = arith.constant 0 : i32
    "tpu.region"() ({
      %run_scoped3A_172 = tpu.sem_alloc : memref<!tpu.dma_semaphore, #tpu.memory_space<semaphore_mem>>
      %dma_start3A_173 = arith.constant 0 : i32
      %dma_start3A_174 = arith.constant 0 : i32
      %dma_start3A_175 = tpu.memref_slice %arg8[%run_scoped3A_47, %dma_start3A_173, %dma_start3A_174] : memref<2x64x128xf32, #tpu.memory_space<vmem>> -> memref<1x64x128xf32, #tpu.memory_space<vmem>>
      %dma_start3A_176 = tpu.memref_squeeze %dma_start3A_175 : memref<1x64x128xf32, #tpu.memory_space<vmem>> -> memref<64x128xf32, #tpu.memory_space<vmem>>
      %dma_start3A_177 = arith.constant 0 : i32
      %dma_start3A_178 = tpu.memref_slice %arg9[%add3A_46, %dma_start3A_177] : memref<10240x128xf32, #tpu.memory_space<vmem_shared>> -> memref<64x128xf32, #tpu.memory_space<vmem_shared>>
      %dma_start3A_179 = arith.constant 0 : i32
      %dma_start3A_180 = tpu.memref_slice %arg9[%add3A_46, %dma_start3A_179] : memref<10240x128xf32, #tpu.memory_space<vmem_shared>> -> memref<64x128xf32, #tpu.memory_space<vmem_shared>>
      %dma_start3A_181 = arith.constant 0 : i32
      %dma_start3A_182 = arith.constant 0 : i32
      %dma_start3A_183 = tpu.memref_slice %arg8[%run_scoped3A_47, %dma_start3A_181, %dma_start3A_182] : memref<2x64x128xf32, #tpu.memory_space<vmem>> -> memref<1x64x128xf32, #tpu.memory_space<vmem>>
      %dma_start3A_184 = tpu.memref_squeeze %dma_start3A_183 : memref<1x64x128xf32, #tpu.memory_space<vmem>> -> memref<64x128xf32, #tpu.memory_space<vmem>>
      tpu.enqueue_dma source(%dma_start3A_184 : memref<64x128xf32, #tpu.memory_space<vmem>>) target(%dma_start3A_180 : memref<64x128xf32, #tpu.memory_space<vmem_shared>>) target_semaphore(%run_scoped3A_172 : memref<!tpu.dma_semaphore, #tpu.memory_space<semaphore_mem>>)
      %dma_wait3A = arith.constant 0 : i32
      %dma_wait3A_185 = arith.constant 0 : i32
      %dma_wait3A_186 = tpu.memref_slice %arg8[%run_scoped3A_47, %dma_wait3A, %dma_wait3A_185] : memref<2x64x128xf32, #tpu.memory_space<vmem>> -> memref<1x64x128xf32, #tpu.memory_space<vmem>>
      %dma_wait3A_187 = tpu.memref_squeeze %dma_wait3A_186 : memref<1x64x128xf32, #tpu.memory_space<vmem>> -> memref<64x128xf32, #tpu.memory_space<vmem>>
      %dma_wait3A_188 = arith.constant 0 : i32
      %dma_wait3A_189 = tpu.memref_slice %arg9[%add3A_46, %dma_wait3A_188] : memref<10240x128xf32, #tpu.memory_space<vmem_shared>> -> memref<64x128xf32, #tpu.memory_space<vmem_shared>>
      %dma_wait3A_190 = arith.constant 0 : i32
      %dma_wait3A_191 = tpu.memref_slice %arg9[%add3A_46, %dma_wait3A_190] : memref<10240x128xf32, #tpu.memory_space<vmem_shared>> -> memref<64x128xf32, #tpu.memory_space<vmem_shared>>
      %dma_wait3A_192 = arith.constant 0 : i32
      %dma_wait3A_193 = arith.constant 0 : i32
      %dma_wait3A_194 = tpu.memref_slice %arg8[%run_scoped3A_47, %dma_wait3A_192, %dma_wait3A_193] : memref<2x64x128xf32, #tpu.memory_space<vmem>> -> memref<1x64x128xf32, #tpu.memory_space<vmem>>
      %dma_wait3A_195 = tpu.memref_squeeze %dma_wait3A_194 : memref<1x64x128xf32, #tpu.memory_space<vmem>> -> memref<64x128xf32, #tpu.memory_space<vmem>>
      tpu.wait_dma2 semaphore(%run_scoped3A_172 : memref<!tpu.dma_semaphore, #tpu.memory_space<semaphore_mem>>) src(%dma_wait3A_195 : memref<64x128xf32, #tpu.memory_space<vmem>>) dst(%dma_wait3A_191 : memref<64x128xf32, #tpu.memory_space<vmem_shared>>)
      tpu.yield
    }) : () -> ()
    %mul3A_48 = arith.constant 640 : i32
    %mul3A_49 = arith.muli %arg1, %mul3A_48 : i32
    %add3A_50 = arith.constant 576 : i32
    %add3A_51 = arith.addi %mul3A_49, %add3A_50 : i32
    %run_scoped3A_52 = arith.constant 0 : i32
    "tpu.region"() ({
      %run_scoped3A_172 = tpu.sem_alloc : memref<!tpu.dma_semaphore, #tpu.memory_space<semaphore_mem>>
      %dma_start3A_173 = arith.constant 0 : i32
      %dma_start3A_174 = arith.constant 0 : i32
      %dma_start3A_175 = tpu.memref_slice %arg8[%run_scoped3A_52, %dma_start3A_173, %dma_start3A_174] : memref<2x64x128xf32, #tpu.memory_space<vmem>> -> memref<1x64x128xf32, #tpu.memory_space<vmem>>
      %dma_start3A_176 = tpu.memref_squeeze %dma_start3A_175 : memref<1x64x128xf32, #tpu.memory_space<vmem>> -> memref<64x128xf32, #tpu.memory_space<vmem>>
      %dma_start3A_177 = arith.constant 0 : i32
      %dma_start3A_178 = tpu.memref_slice %arg9[%add3A_51, %dma_start3A_177] : memref<10240x128xf32, #tpu.memory_space<vmem_shared>> -> memref<64x128xf32, #tpu.memory_space<vmem_shared>>
      %dma_start3A_179 = arith.constant 0 : i32
      %dma_start3A_180 = tpu.memref_slice %arg9[%add3A_51, %dma_start3A_179] : memref<10240x128xf32, #tpu.memory_space<vmem_shared>> -> memref<64x128xf32, #tpu.memory_space<vmem_shared>>
      %dma_start3A_181 = arith.constant 0 : i32
      %dma_start3A_182 = arith.constant 0 : i32
      %dma_start3A_183 = tpu.memref_slice %arg8[%run_scoped3A_52, %dma_start3A_181, %dma_start3A_182] : memref<2x64x128xf32, #tpu.memory_space<vmem>> -> memref<1x64x128xf32, #tpu.memory_space<vmem>>
      %dma_start3A_184 = tpu.memref_squeeze %dma_start3A_183 : memref<1x64x128xf32, #tpu.memory_space<vmem>> -> memref<64x128xf32, #tpu.memory_space<vmem>>
      tpu.enqueue_dma source(%dma_start3A_184 : memref<64x128xf32, #tpu.memory_space<vmem>>) target(%dma_start3A_180 : memref<64x128xf32, #tpu.memory_space<vmem_shared>>) target_semaphore(%run_scoped3A_172 : memref<!tpu.dma_semaphore, #tpu.memory_space<semaphore_mem>>)
      %dma_wait3A = arith.constant 0 : i32
      %dma_wait3A_185 = arith.constant 0 : i32
      %dma_wait3A_186 = tpu.memref_slice %arg8[%run_scoped3A_52, %dma_wait3A, %dma_wait3A_185] : memref<2x64x128xf32, #tpu.memory_space<vmem>> -> memref<1x64x128xf32, #tpu.memory_space<vmem>>
      %dma_wait3A_187 = tpu.memref_squeeze %dma_wait3A_186 : memref<1x64x128xf32, #tpu.memory_space<vmem>> -> memref<64x128xf32, #tpu.memory_space<vmem>>
      %dma_wait3A_188 = arith.constant 0 : i32
      %dma_wait3A_189 = tpu.memref_slice %arg9[%add3A_51, %dma_wait3A_188] : memref<10240x128xf32, #tpu.memory_space<vmem_shared>> -> memref<64x128xf32, #tpu.memory_space<vmem_shared>>
      %dma_wait3A_190 = arith.constant 0 : i32
      %dma_wait3A_191 = tpu.memref_slice %arg9[%add3A_51, %dma_wait3A_190] : memref<10240x128xf32, #tpu.memory_space<vmem_shared>> -> memref<64x128xf32, #tpu.memory_space<vmem_shared>>
      %dma_wait3A_192 = arith.constant 0 : i32
      %dma_wait3A_193 = arith.constant 0 : i32
      %dma_wait3A_194 = tpu.memref_slice %arg8[%run_scoped3A_52, %dma_wait3A_192, %dma_wait3A_193] : memref<2x64x128xf32, #tpu.memory_space<vmem>> -> memref<1x64x128xf32, #tpu.memory_space<vmem>>
      %dma_wait3A_195 = tpu.memref_squeeze %dma_wait3A_194 : memref<1x64x128xf32, #tpu.memory_space<vmem>> -> memref<64x128xf32, #tpu.memory_space<vmem>>
      tpu.wait_dma2 semaphore(%run_scoped3A_172 : memref<!tpu.dma_semaphore, #tpu.memory_space<semaphore_mem>>) src(%dma_wait3A_195 : memref<64x128xf32, #tpu.memory_space<vmem>>) dst(%dma_wait3A_191 : memref<64x128xf32, #tpu.memory_space<vmem_shared>>)
      tpu.yield
    }) : () -> ()
    %barrier3A = arith.constant 0 : index
    tpu.barrier barrier_id(%barrier3A)
    %mul3A_53 = arith.constant 2 : i32
    %mul3A_54 = arith.muli %arg1, %mul3A_53 : i32
    %add3A_55 = arith.addi %mul3A_54, %arg0 : i32
    "tpu.region"() ({
      %run_scoped3A_172 = tpu.sem_alloc : memref<!tpu.dma_semaphore, #tpu.memory_space<semaphore_mem>>
      %dma_start3A_173 = arith.constant 0 : i32
      %dma_start3A_174 = arith.constant 0 : i32
      %dma_start3A_175 = tpu.memref_slice %arg3[%add3A_55, %dma_start3A_173, %dma_start3A_174] : memref<32x160x64xi32, #tpu.memory_space<hbm>> -> memref<1x160x64xi32, #tpu.memory_space<hbm>>
      %dma_start3A_176 = tpu.memref_squeeze %dma_start3A_175 : memref<1x160x64xi32, #tpu.memory_space<hbm>> -> memref<160x64xi32, #tpu.memory_space<hbm>>
      %dma_start3A_177 = arith.constant 0 : i32
      %dma_start3A_178 = arith.constant 0 : i32
      %dma_start3A_179 = tpu.memref_slice %arg3[%add3A_55, %dma_start3A_177, %dma_start3A_178] : memref<32x160x64xi32, #tpu.memory_space<hbm>> -> memref<1x160x64xi32, #tpu.memory_space<hbm>>
      %dma_start3A_180 = tpu.memref_squeeze %dma_start3A_179 : memref<1x160x64xi32, #tpu.memory_space<hbm>> -> memref<160x64xi32, #tpu.memory_space<hbm>>
      tpu.enqueue_dma source(%dma_start3A_180 : memref<160x64xi32, #tpu.memory_space<hbm>>) target(%arg6 : memref<160x64xi32, #tpu.memory_space<vmem>>) target_semaphore(%run_scoped3A_172 : memref<!tpu.dma_semaphore, #tpu.memory_space<semaphore_mem>>)
      %dma_wait3A = arith.constant 0 : i32
      %dma_wait3A_181 = arith.constant 0 : i32
      %dma_wait3A_182 = tpu.memref_slice %arg3[%add3A_55, %dma_wait3A, %dma_wait3A_181] : memref<32x160x64xi32, #tpu.memory_space<hbm>> -> memref<1x160x64xi32, #tpu.memory_space<hbm>>
      %dma_wait3A_183 = tpu.memref_squeeze %dma_wait3A_182 : memref<1x160x64xi32, #tpu.memory_space<hbm>> -> memref<160x64xi32, #tpu.memory_space<hbm>>
      %dma_wait3A_184 = arith.constant 0 : i32
      %dma_wait3A_185 = arith.constant 0 : i32
      %dma_wait3A_186 = tpu.memref_slice %arg3[%add3A_55, %dma_wait3A_184, %dma_wait3A_185] : memref<32x160x64xi32, #tpu.memory_space<hbm>> -> memref<1x160x64xi32, #tpu.memory_space<hbm>>
      %dma_wait3A_187 = tpu.memref_squeeze %dma_wait3A_186 : memref<1x160x64xi32, #tpu.memory_space<hbm>> -> memref<160x64xi32, #tpu.memory_space<hbm>>
      tpu.wait_dma2 semaphore(%run_scoped3A_172 : memref<!tpu.dma_semaphore, #tpu.memory_space<semaphore_mem>>) src(%dma_wait3A_187 : memref<160x64xi32, #tpu.memory_space<hbm>>) dst(%arg6 : memref<160x64xi32, #tpu.memory_space<vmem>>)
      tpu.yield
    }) : () -> ()
    "tpu.region"() ({
      %run_scoped3A_172 = tpu.sem_alloc : memref<!tpu.dma_semaphore, #tpu.memory_space<semaphore_mem>>
      %dma_start3A_173 = arith.constant 0 : i32
      %dma_start3A_174 = arith.constant 0 : i32
      %dma_start3A_175 = tpu.memref_slice %arg4[%add3A_55, %dma_start3A_173, %dma_start3A_174] : memref<32x160x64xi32, #tpu.memory_space<hbm>> -> memref<1x160x64xi32, #tpu.memory_space<hbm>>
      %dma_start3A_176 = tpu.memref_squeeze %dma_start3A_175 : memref<1x160x64xi32, #tpu.memory_space<hbm>> -> memref<160x64xi32, #tpu.memory_space<hbm>>
      %dma_start3A_177 = arith.constant 0 : i32
      %dma_start3A_178 = arith.constant 0 : i32
      %dma_start3A_179 = tpu.memref_slice %arg4[%add3A_55, %dma_start3A_177, %dma_start3A_178] : memref<32x160x64xi32, #tpu.memory_space<hbm>> -> memref<1x160x64xi32, #tpu.memory_space<hbm>>
      %dma_start3A_180 = tpu.memref_squeeze %dma_start3A_179 : memref<1x160x64xi32, #tpu.memory_space<hbm>> -> memref<160x64xi32, #tpu.memory_space<hbm>>
      tpu.enqueue_dma source(%dma_start3A_180 : memref<160x64xi32, #tpu.memory_space<hbm>>) target(%arg7 : memref<160x64xi32, #tpu.memory_space<vmem>>) target_semaphore(%run_scoped3A_172 : memref<!tpu.dma_semaphore, #tpu.memory_space<semaphore_mem>>)
      %dma_wait3A = arith.constant 0 : i32
      %dma_wait3A_181 = arith.constant 0 : i32
      %dma_wait3A_182 = tpu.memref_slice %arg4[%add3A_55, %dma_wait3A, %dma_wait3A_181] : memref<32x160x64xi32, #tpu.memory_space<hbm>> -> memref<1x160x64xi32, #tpu.memory_space<hbm>>
      %dma_wait3A_183 = tpu.memref_squeeze %dma_wait3A_182 : memref<1x160x64xi32, #tpu.memory_space<hbm>> -> memref<160x64xi32, #tpu.memory_space<hbm>>
      %dma_wait3A_184 = arith.constant 0 : i32
      %dma_wait3A_185 = arith.constant 0 : i32
      %dma_wait3A_186 = tpu.memref_slice %arg4[%add3A_55, %dma_wait3A_184, %dma_wait3A_185] : memref<32x160x64xi32, #tpu.memory_space<hbm>> -> memref<1x160x64xi32, #tpu.memory_space<hbm>>
      %dma_wait3A_187 = tpu.memref_squeeze %dma_wait3A_186 : memref<1x160x64xi32, #tpu.memory_space<hbm>> -> memref<160x64xi32, #tpu.memory_space<hbm>>
      tpu.wait_dma2 semaphore(%run_scoped3A_172 : memref<!tpu.dma_semaphore, #tpu.memory_space<semaphore_mem>>) src(%dma_wait3A_187 : memref<160x64xi32, #tpu.memory_space<hbm>>) dst(%arg7 : memref<160x64xi32, #tpu.memory_space<vmem>>)
      tpu.yield
    }) : () -> ()
    %dma_start3A = arith.constant 0 : i32
    %dma_start3A_56 = arith.constant 0 : i32
    %dma_start3A_57 = arith.constant 0 : i32
    %dma_start3A_58 = arith.constant 0 : i32
    %dma_start3A_59 = arith.constant 0 : i32
    %dma_start3A_60 = tpu.memref_slice %arg8[%dma_start3A_56, %dma_start3A_58, %dma_start3A_59] : memref<2x64x128xf32, #tpu.memory_space<vmem>> -> memref<1x64x128xf32, #tpu.memory_space<vmem>>
    %dma_start3A_61 = tpu.memref_squeeze %dma_start3A_60 : memref<1x64x128xf32, #tpu.memory_space<vmem>> -> memref<64x128xf32, #tpu.memory_space<vmem>>
    %dma_start3A_62 = arith.constant 0 : i32
    %dma_start3A_63 = tpu.memref_slice %arg6[%dma_start3A, %dma_start3A_62] : memref<160x64xi32, #tpu.memory_space<vmem>> -> memref<1x64xi32, #tpu.memory_space<vmem>>
    %dma_start3A_64 = tpu.memref_squeeze %dma_start3A_63 : memref<1x64xi32, #tpu.memory_space<vmem>> -> memref<64xi32, #tpu.memory_space<vmem>>
    %dma_start3A_65 = arith.constant 0 : i32
    %dma_start3A_66 = arith.constant 0 : i32
    %dma_start3A_67 = tpu.memref_slice %arg2[%dma_start3A_65, %dma_start3A_66] : memref<10240x128xf32, #tpu.memory_space<hbm>> -> memref<10240x128xf32, #tpu.memory_space<hbm>>
    %dma_start3A_68 = tpu.memref_slice %arg10[%dma_start3A_57] : memref<2x!tpu.dma_semaphore, #tpu.memory_space<semaphore_mem>> -> memref<1x!tpu.dma_semaphore, #tpu.memory_space<semaphore_mem>>
    %dma_start3A_69 = tpu.memref_squeeze %dma_start3A_68 : memref<1x!tpu.dma_semaphore, #tpu.memory_space<semaphore_mem>> -> memref<!tpu.dma_semaphore, #tpu.memory_space<semaphore_mem>>
    tpu.enqueue_indirect_dma source(%dma_start3A_67 : memref<10240x128xf32, #tpu.memory_space<hbm>>) target(%dma_start3A_61 : memref<64x128xf32, #tpu.memory_space<vmem>>) offsets(%dma_start3A_64 : memref<64xi32, #tpu.memory_space<vmem>>) semaphore(%dma_start3A_69 : memref<!tpu.dma_semaphore, #tpu.memory_space<semaphore_mem>>)
    %dma_start3A_70 = arith.constant 1 : i32
    %dma_start3A_71 = arith.constant 1 : i32
    %dma_start3A_72 = arith.constant 1 : i32
    %dma_start3A_73 = arith.constant 0 : i32
    %dma_start3A_74 = arith.constant 0 : i32
    %dma_start3A_75 = tpu.memref_slice %arg8[%dma_start3A_71, %dma_start3A_73, %dma_start3A_74] : memref<2x64x128xf32, #tpu.memory_space<vmem>> -> memref<1x64x128xf32, #tpu.memory_space<vmem>>
    %dma_start3A_76 = tpu.memref_squeeze %dma_start3A_75 : memref<1x64x128xf32, #tpu.memory_space<vmem>> -> memref<64x128xf32, #tpu.memory_space<vmem>>
    %dma_start3A_77 = arith.constant 0 : i32
    %dma_start3A_78 = tpu.memref_slice %arg6[%dma_start3A_70, %dma_start3A_77] : memref<160x64xi32, #tpu.memory_space<vmem>> -> memref<1x64xi32, #tpu.memory_space<vmem>>
    %dma_start3A_79 = tpu.memref_squeeze %dma_start3A_78 : memref<1x64xi32, #tpu.memory_space<vmem>> -> memref<64xi32, #tpu.memory_space<vmem>>
    %dma_start3A_80 = arith.constant 0 : i32
    %dma_start3A_81 = arith.constant 0 : i32
    %dma_start3A_82 = tpu.memref_slice %arg2[%dma_start3A_80, %dma_start3A_81] : memref<10240x128xf32, #tpu.memory_space<hbm>> -> memref<10240x128xf32, #tpu.memory_space<hbm>>
    %dma_start3A_83 = tpu.memref_slice %arg10[%dma_start3A_72] : memref<2x!tpu.dma_semaphore, #tpu.memory_space<semaphore_mem>> -> memref<1x!tpu.dma_semaphore, #tpu.memory_space<semaphore_mem>>
    %dma_start3A_84 = tpu.memref_squeeze %dma_start3A_83 : memref<1x!tpu.dma_semaphore, #tpu.memory_space<semaphore_mem>> -> memref<!tpu.dma_semaphore, #tpu.memory_space<semaphore_mem>>
    tpu.enqueue_indirect_dma source(%dma_start3A_82 : memref<10240x128xf32, #tpu.memory_space<hbm>>) target(%dma_start3A_76 : memref<64x128xf32, #tpu.memory_space<vmem>>) offsets(%dma_start3A_79 : memref<64xi32, #tpu.memory_space<vmem>>) semaphore(%dma_start3A_84 : memref<!tpu.dma_semaphore, #tpu.memory_space<semaphore_mem>>)
    %scan3A_85 = arith.constant 0 : i32
    %scan3A_86 = arith.constant 0 : i32
    %scan3A_87 = arith.constant 80 : i32
    %scan3A_88 = arith.addi %scan3A_86, %scan3A_87 : i32
    %scan3A_89 = arith.constant 1 : i32
    scf.for %scan3A_172 = %scan3A_86 to %scan3A_88 step %scan3A_89  : i32 {
      %mul3A_173 = arith.constant 2 : i32
      %mul3A_174 = arith.muli %scan3A_172, %mul3A_173 : i32
      %add3A_175 = arith.constant 0 : i32
      %add3A_176 = arith.addi %mul3A_174, %add3A_175 : i32
      %dma_wait3A = arith.constant 0 : i32
      %dma_wait3A_177 = arith.constant 0 : i32
      %dma_wait3A_178 = arith.constant 0 : i32
      %dma_wait3A_179 = arith.constant 0 : i32
      %dma_wait3A_180 = tpu.memref_slice %arg8[%dma_wait3A, %dma_wait3A_178, %dma_wait3A_179] : memref<2x64x128xf32, #tpu.memory_space<vmem>> -> memref<1x64x128xf32, #tpu.memory_space<vmem>>
      %dma_wait3A_181 = tpu.memref_squeeze %dma_wait3A_180 : memref<1x64x128xf32, #tpu.memory_space<vmem>> -> memref<64x128xf32, #tpu.memory_space<vmem>>
      %dma_wait3A_182 = arith.constant 0 : i32
      %dma_wait3A_183 = tpu.memref_slice %arg6[%add3A_176, %dma_wait3A_182] : memref<160x64xi32, #tpu.memory_space<vmem>> -> memref<1x64xi32, #tpu.memory_space<vmem>>
      %dma_wait3A_184 = tpu.memref_squeeze %dma_wait3A_183 : memref<1x64xi32, #tpu.memory_space<vmem>> -> memref<64xi32, #tpu.memory_space<vmem>>
      %dma_wait3A_185 = arith.constant 0 : i32
      %dma_wait3A_186 = arith.constant 0 : i32
      %dma_wait3A_187 = tpu.memref_slice %arg2[%dma_wait3A_185, %dma_wait3A_186] : memref<10240x128xf32, #tpu.memory_space<hbm>> -> memref<10240x128xf32, #tpu.memory_space<hbm>>
      %dma_wait3A_188 = tpu.memref_slice %arg10[%dma_wait3A_177] : memref<2x!tpu.dma_semaphore, #tpu.memory_space<semaphore_mem>> -> memref<1x!tpu.dma_semaphore, #tpu.memory_space<semaphore_mem>>
      %dma_wait3A_189 = tpu.memref_squeeze %dma_wait3A_188 : memref<1x!tpu.dma_semaphore, #tpu.memory_space<semaphore_mem>> -> memref<!tpu.dma_semaphore, #tpu.memory_space<semaphore_mem>>
      tpu.wait_indirect_dma semaphore(%dma_wait3A_189 : memref<!tpu.dma_semaphore, #tpu.memory_space<semaphore_mem>>) src(%dma_wait3A_187 : memref<10240x128xf32, #tpu.memory_space<hbm>>) dst(%dma_wait3A_181 : memref<64x128xf32, #tpu.memory_space<vmem>>)
      %dma_start3A_190 = arith.constant 0 : i32
      %dma_start3A_191 = arith.constant 0 : i32
      %dma_start3A_192 = arith.constant 0 : i32
      %dma_start3A_193 = arith.constant 0 : i32
      %dma_start3A_194 = tpu.memref_slice %arg8[%dma_start3A_190, %dma_start3A_192, %dma_start3A_193] : memref<2x64x128xf32, #tpu.memory_space<vmem>> -> memref<1x64x128xf32, #tpu.memory_space<vmem>>
      %dma_start3A_195 = tpu.memref_squeeze %dma_start3A_194 : memref<1x64x128xf32, #tpu.memory_space<vmem>> -> memref<64x128xf32, #tpu.memory_space<vmem>>
      %dma_start3A_196 = arith.constant 0 : i32
      %dma_start3A_197 = tpu.memref_slice %arg7[%add3A_176, %dma_start3A_196] : memref<160x64xi32, #tpu.memory_space<vmem>> -> memref<1x64xi32, #tpu.memory_space<vmem>>
      %dma_start3A_198 = tpu.memref_squeeze %dma_start3A_197 : memref<1x64xi32, #tpu.memory_space<vmem>> -> memref<64xi32, #tpu.memory_space<vmem>>
      %dma_start3A_199 = arith.constant 0 : i32
      %dma_start3A_200 = arith.constant 0 : i32
      %dma_start3A_201 = tpu.memref_slice %arg9[%dma_start3A_199, %dma_start3A_200] : memref<10240x128xf32, #tpu.memory_space<vmem_shared>> -> memref<10240x128xf32, #tpu.memory_space<vmem_shared>>
      %dma_start3A_202 = tpu.memref_slice %arg11[%dma_start3A_191] : memref<2x!tpu.dma_semaphore, #tpu.memory_space<semaphore_mem>> -> memref<1x!tpu.dma_semaphore, #tpu.memory_space<semaphore_mem>>
      %dma_start3A_203 = tpu.memref_squeeze %dma_start3A_202 : memref<1x!tpu.dma_semaphore, #tpu.memory_space<semaphore_mem>> -> memref<!tpu.dma_semaphore, #tpu.memory_space<semaphore_mem>>
      tpu.enqueue_indirect_dma source(%dma_start3A_195 : memref<64x128xf32, #tpu.memory_space<vmem>>) target(%dma_start3A_201 : memref<10240x128xf32, #tpu.memory_space<vmem_shared>>) offsets(%dma_start3A_198 : memref<64xi32, #tpu.memory_space<vmem>>) semaphore(%dma_start3A_203 : memref<!tpu.dma_semaphore, #tpu.memory_space<semaphore_mem>>) {add = true}
      %mul3A_204 = arith.constant 2 : i32
      %mul3A_205 = arith.muli %scan3A_172, %mul3A_204 : i32
      %add3A_206 = arith.constant 1 : i32
      %add3A_207 = arith.addi %mul3A_205, %add3A_206 : i32
      %dma_wait3A_208 = arith.constant 1 : i32
      %dma_wait3A_209 = arith.constant 1 : i32
      %dma_wait3A_210 = arith.constant 0 : i32
      %dma_wait3A_211 = arith.constant 0 : i32
      %dma_wait3A_212 = tpu.memref_slice %arg8[%dma_wait3A_208, %dma_wait3A_210, %dma_wait3A_211] : memref<2x64x128xf32, #tpu.memory_space<vmem>> -> memref<1x64x128xf32, #tpu.memory_space<vmem>>
      %dma_wait3A_213 = tpu.memref_squeeze %dma_wait3A_212 : memref<1x64x128xf32, #tpu.memory_space<vmem>> -> memref<64x128xf32, #tpu.memory_space<vmem>>
      %dma_wait3A_214 = arith.constant 0 : i32
      %dma_wait3A_215 = tpu.memref_slice %arg6[%add3A_207, %dma_wait3A_214] : memref<160x64xi32, #tpu.memory_space<vmem>> -> memref<1x64xi32, #tpu.memory_space<vmem>>
      %dma_wait3A_216 = tpu.memref_squeeze %dma_wait3A_215 : memref<1x64xi32, #tpu.memory_space<vmem>> -> memref<64xi32, #tpu.memory_space<vmem>>
      %dma_wait3A_217 = arith.constant 0 : i32
      %dma_wait3A_218 = arith.constant 0 : i32
      %dma_wait3A_219 = tpu.memref_slice %arg2[%dma_wait3A_217, %dma_wait3A_218] : memref<10240x128xf32, #tpu.memory_space<hbm>> -> memref<10240x128xf32, #tpu.memory_space<hbm>>
      %dma_wait3A_220 = tpu.memref_slice %arg10[%dma_wait3A_209] : memref<2x!tpu.dma_semaphore, #tpu.memory_space<semaphore_mem>> -> memref<1x!tpu.dma_semaphore, #tpu.memory_space<semaphore_mem>>
      %dma_wait3A_221 = tpu.memref_squeeze %dma_wait3A_220 : memref<1x!tpu.dma_semaphore, #tpu.memory_space<semaphore_mem>> -> memref<!tpu.dma_semaphore, #tpu.memory_space<semaphore_mem>>
      tpu.wait_indirect_dma semaphore(%dma_wait3A_221 : memref<!tpu.dma_semaphore, #tpu.memory_space<semaphore_mem>>) src(%dma_wait3A_219 : memref<10240x128xf32, #tpu.memory_space<hbm>>) dst(%dma_wait3A_213 : memref<64x128xf32, #tpu.memory_space<vmem>>)
      %dma_start3A_222 = arith.constant 1 : i32
      %dma_start3A_223 = arith.constant 1 : i32
      %dma_start3A_224 = arith.constant 0 : i32
      %dma_start3A_225 = arith.constant 0 : i32
      %dma_start3A_226 = tpu.memref_slice %arg8[%dma_start3A_222, %dma_start3A_224, %dma_start3A_225] : memref<2x64x128xf32, #tpu.memory_space<vmem>> -> memref<1x64x128xf32, #tpu.memory_space<vmem>>
      %dma_start3A_227 = tpu.memref_squeeze %dma_start3A_226 : memref<1x64x128xf32, #tpu.memory_space<vmem>> -> memref<64x128xf32, #tpu.memory_space<vmem>>
      %dma_start3A_228 = arith.constant 0 : i32
      %dma_start3A_229 = tpu.memref_slice %arg7[%add3A_207, %dma_start3A_228] : memref<160x64xi32, #tpu.memory_space<vmem>> -> memref<1x64xi32, #tpu.memory_space<vmem>>
      %dma_start3A_230 = tpu.memref_squeeze %dma_start3A_229 : memref<1x64xi32, #tpu.memory_space<vmem>> -> memref<64xi32, #tpu.memory_space<vmem>>
      %dma_start3A_231 = arith.constant 0 : i32
      %dma_start3A_232 = arith.constant 0 : i32
      %dma_start3A_233 = tpu.memref_slice %arg9[%dma_start3A_231, %dma_start3A_232] : memref<10240x128xf32, #tpu.memory_space<vmem_shared>> -> memref<10240x128xf32, #tpu.memory_space<vmem_shared>>
      %dma_start3A_234 = tpu.memref_slice %arg11[%dma_start3A_223] : memref<2x!tpu.dma_semaphore, #tpu.memory_space<semaphore_mem>> -> memref<1x!tpu.dma_semaphore, #tpu.memory_space<semaphore_mem>>
      %dma_start3A_235 = tpu.memref_squeeze %dma_start3A_234 : memref<1x!tpu.dma_semaphore, #tpu.memory_space<semaphore_mem>> -> memref<!tpu.dma_semaphore, #tpu.memory_space<semaphore_mem>>
      tpu.enqueue_indirect_dma source(%dma_start3A_227 : memref<64x128xf32, #tpu.memory_space<vmem>>) target(%dma_start3A_233 : memref<10240x128xf32, #tpu.memory_space<vmem_shared>>) offsets(%dma_start3A_230 : memref<64xi32, #tpu.memory_space<vmem>>) semaphore(%dma_start3A_235 : memref<!tpu.dma_semaphore, #tpu.memory_space<semaphore_mem>>) {add = true}
      %mul3A_236 = arith.constant 2 : i32
      %mul3A_237 = arith.muli %scan3A_172, %mul3A_236 : i32
      %add3A_238 = arith.constant 0 : i32
      %add3A_239 = arith.addi %mul3A_237, %add3A_238 : i32
      %dma_wait3A_240 = arith.constant 0 : i32
      %dma_wait3A_241 = arith.constant 0 : i32
      %dma_wait3A_242 = arith.constant 0 : i32
      %dma_wait3A_243 = arith.constant 0 : i32
      %dma_wait3A_244 = tpu.memref_slice %arg8[%dma_wait3A_240, %dma_wait3A_242, %dma_wait3A_243] : memref<2x64x128xf32, #tpu.memory_space<vmem>> -> memref<1x64x128xf32, #tpu.memory_space<vmem>>
      %dma_wait3A_245 = tpu.memref_squeeze %dma_wait3A_244 : memref<1x64x128xf32, #tpu.memory_space<vmem>> -> memref<64x128xf32, #tpu.memory_space<vmem>>
      %dma_wait3A_246 = arith.constant 0 : i32
      %dma_wait3A_247 = tpu.memref_slice %arg7[%add3A_239, %dma_wait3A_246] : memref<160x64xi32, #tpu.memory_space<vmem>> -> memref<1x64xi32, #tpu.memory_space<vmem>>
      %dma_wait3A_248 = tpu.memref_squeeze %dma_wait3A_247 : memref<1x64xi32, #tpu.memory_space<vmem>> -> memref<64xi32, #tpu.memory_space<vmem>>
      %dma_wait3A_249 = arith.constant 0 : i32
      %dma_wait3A_250 = arith.constant 0 : i32
      %dma_wait3A_251 = tpu.memref_slice %arg9[%dma_wait3A_249, %dma_wait3A_250] : memref<10240x128xf32, #tpu.memory_space<vmem_shared>> -> memref<10240x128xf32, #tpu.memory_space<vmem_shared>>
      %dma_wait3A_252 = tpu.memref_slice %arg11[%dma_wait3A_241] : memref<2x!tpu.dma_semaphore, #tpu.memory_space<semaphore_mem>> -> memref<1x!tpu.dma_semaphore, #tpu.memory_space<semaphore_mem>>
      %dma_wait3A_253 = tpu.memref_squeeze %dma_wait3A_252 : memref<1x!tpu.dma_semaphore, #tpu.memory_space<semaphore_mem>> -> memref<!tpu.dma_semaphore, #tpu.memory_space<semaphore_mem>>
      tpu.wait_indirect_dma semaphore(%dma_wait3A_253 : memref<!tpu.dma_semaphore, #tpu.memory_space<semaphore_mem>>) src(%dma_wait3A_245 : memref<64x128xf32, #tpu.memory_space<vmem>>) dst(%dma_wait3A_251 : memref<10240x128xf32, #tpu.memory_space<vmem_shared>>)
      %lt3A = arith.constant 79 : i32
      %lt3A_254 = arith.cmpi slt, %scan3A_172, %lt3A : i32
      %convert_element_type3A = arith.extui %lt3A_254 : i1 to i32
      %cond3A = arith.constant 0 : i32
      %cond3A_255 = arith.cmpi ne, %convert_element_type3A, %cond3A : i32
      scf.if %cond3A_255 {
        %add3A_279 = arith.constant 2 : i32
        %add3A_280 = arith.addi %add3A_239, %add3A_279 : i32
        %dma_start3A_281 = arith.constant 0 : i32
        %dma_start3A_282 = arith.constant 0 : i32
        %dma_start3A_283 = arith.constant 0 : i32
        %dma_start3A_284 = arith.constant 0 : i32
        %dma_start3A_285 = tpu.memref_slice %arg8[%dma_start3A_281, %dma_start3A_283, %dma_start3A_284] : memref<2x64x128xf32, #tpu.memory_space<vmem>> -> memref<1x64x128xf32, #tpu.memory_space<vmem>>
        %dma_start3A_286 = tpu.memref_squeeze %dma_start3A_285 : memref<1x64x128xf32, #tpu.memory_space<vmem>> -> memref<64x128xf32, #tpu.memory_space<vmem>>
        %dma_start3A_287 = arith.constant 0 : i32
        %dma_start3A_288 = tpu.memref_slice %arg6[%add3A_280, %dma_start3A_287] : memref<160x64xi32, #tpu.memory_space<vmem>> -> memref<1x64xi32, #tpu.memory_space<vmem>>
        %dma_start3A_289 = tpu.memref_squeeze %dma_start3A_288 : memref<1x64xi32, #tpu.memory_space<vmem>> -> memref<64xi32, #tpu.memory_space<vmem>>
        %dma_start3A_290 = arith.constant 0 : i32
        %dma_start3A_291 = arith.constant 0 : i32
        %dma_start3A_292 = tpu.memref_slice %arg2[%dma_start3A_290, %dma_start3A_291] : memref<10240x128xf32, #tpu.memory_space<hbm>> -> memref<10240x128xf32, #tpu.memory_space<hbm>>
        %dma_start3A_293 = tpu.memref_slice %arg10[%dma_start3A_282] : memref<2x!tpu.dma_semaphore, #tpu.memory_space<semaphore_mem>> -> memref<1x!tpu.dma_semaphore, #tpu.memory_space<semaphore_mem>>
        %dma_start3A_294 = tpu.memref_squeeze %dma_start3A_293 : memref<1x!tpu.dma_semaphore, #tpu.memory_space<semaphore_mem>> -> memref<!tpu.dma_semaphore, #tpu.memory_space<semaphore_mem>>
        tpu.enqueue_indirect_dma source(%dma_start3A_292 : memref<10240x128xf32, #tpu.memory_space<hbm>>) target(%dma_start3A_286 : memref<64x128xf32, #tpu.memory_space<vmem>>) offsets(%dma_start3A_289 : memref<64xi32, #tpu.memory_space<vmem>>) semaphore(%dma_start3A_294 : memref<!tpu.dma_semaphore, #tpu.memory_space<semaphore_mem>>)
      } else {
      }
      %mul3A_256 = arith.constant 2 : i32
      %mul3A_257 = arith.muli %scan3A_172, %mul3A_256 : i32
      %add3A_258 = arith.constant 1 : i32
      %add3A_259 = arith.addi %mul3A_257, %add3A_258 : i32
      %dma_wait3A_260 = arith.constant 1 : i32
      %dma_wait3A_261 = arith.constant 1 : i32
      %dma_wait3A_262 = arith.constant 0 : i32
      %dma_wait3A_263 = arith.constant 0 : i32
      %dma_wait3A_264 = tpu.memref_slice %arg8[%dma_wait3A_260, %dma_wait3A_262, %dma_wait3A_263] : memref<2x64x128xf32, #tpu.memory_space<vmem>> -> memref<1x64x128xf32, #tpu.memory_space<vmem>>
      %dma_wait3A_265 = tpu.memref_squeeze %dma_wait3A_264 : memref<1x64x128xf32, #tpu.memory_space<vmem>> -> memref<64x128xf32, #tpu.memory_space<vmem>>
      %dma_wait3A_266 = arith.constant 0 : i32
      %dma_wait3A_267 = tpu.memref_slice %arg7[%add3A_259, %dma_wait3A_266] : memref<160x64xi32, #tpu.memory_space<vmem>> -> memref<1x64xi32, #tpu.memory_space<vmem>>
      %dma_wait3A_268 = tpu.memref_squeeze %dma_wait3A_267 : memref<1x64xi32, #tpu.memory_space<vmem>> -> memref<64xi32, #tpu.memory_space<vmem>>
      %dma_wait3A_269 = arith.constant 0 : i32
      %dma_wait3A_270 = arith.constant 0 : i32
      %dma_wait3A_271 = tpu.memref_slice %arg9[%dma_wait3A_269, %dma_wait3A_270] : memref<10240x128xf32, #tpu.memory_space<vmem_shared>> -> memref<10240x128xf32, #tpu.memory_space<vmem_shared>>
      %dma_wait3A_272 = tpu.memref_slice %arg11[%dma_wait3A_261] : memref<2x!tpu.dma_semaphore, #tpu.memory_space<semaphore_mem>> -> memref<1x!tpu.dma_semaphore, #tpu.memory_space<semaphore_mem>>
      %dma_wait3A_273 = tpu.memref_squeeze %dma_wait3A_272 : memref<1x!tpu.dma_semaphore, #tpu.memory_space<semaphore_mem>> -> memref<!tpu.dma_semaphore, #tpu.memory_space<semaphore_mem>>
      tpu.wait_indirect_dma semaphore(%dma_wait3A_273 : memref<!tpu.dma_semaphore, #tpu.memory_space<semaphore_mem>>) src(%dma_wait3A_265 : memref<64x128xf32, #tpu.memory_space<vmem>>) dst(%dma_wait3A_271 : memref<10240x128xf32, #tpu.memory_space<vmem_shared>>)
      %lt3A_274 = arith.constant 79 : i32
      %lt3A_275 = arith.cmpi slt, %scan3A_172, %lt3A_274 : i32
      %convert_element_type3A_276 = arith.extui %lt3A_275 : i1 to i32
      %cond3A_277 = arith.constant 0 : i32
      %cond3A_278 = arith.cmpi ne, %convert_element_type3A_276, %cond3A_277 : i32
      scf.if %cond3A_278 {
        %add3A_279 = arith.constant 2 : i32
        %add3A_280 = arith.addi %add3A_259, %add3A_279 : i32
        %dma_start3A_281 = arith.constant 1 : i32
        %dma_start3A_282 = arith.constant 1 : i32
        %dma_start3A_283 = arith.constant 0 : i32
        %dma_start3A_284 = arith.constant 0 : i32
        %dma_start3A_285 = tpu.memref_slice %arg8[%dma_start3A_281, %dma_start3A_283, %dma_start3A_284] : memref<2x64x128xf32, #tpu.memory_space<vmem>> -> memref<1x64x128xf32, #tpu.memory_space<vmem>>
        %dma_start3A_286 = tpu.memref_squeeze %dma_start3A_285 : memref<1x64x128xf32, #tpu.memory_space<vmem>> -> memref<64x128xf32, #tpu.memory_space<vmem>>
        %dma_start3A_287 = arith.constant 0 : i32
        %dma_start3A_288 = tpu.memref_slice %arg6[%add3A_280, %dma_start3A_287] : memref<160x64xi32, #tpu.memory_space<vmem>> -> memref<1x64xi32, #tpu.memory_space<vmem>>
        %dma_start3A_289 = tpu.memref_squeeze %dma_start3A_288 : memref<1x64xi32, #tpu.memory_space<vmem>> -> memref<64xi32, #tpu.memory_space<vmem>>
        %dma_start3A_290 = arith.constant 0 : i32
        %dma_start3A_291 = arith.constant 0 : i32
        %dma_start3A_292 = tpu.memref_slice %arg2[%dma_start3A_290, %dma_start3A_291] : memref<10240x128xf32, #tpu.memory_space<hbm>> -> memref<10240x128xf32, #tpu.memory_space<hbm>>
        %dma_start3A_293 = tpu.memref_slice %arg10[%dma_start3A_282] : memref<2x!tpu.dma_semaphore, #tpu.memory_space<semaphore_mem>> -> memref<1x!tpu.dma_semaphore, #tpu.memory_space<semaphore_mem>>
        %dma_start3A_294 = tpu.memref_squeeze %dma_start3A_293 : memref<1x!tpu.dma_semaphore, #tpu.memory_space<semaphore_mem>> -> memref<!tpu.dma_semaphore, #tpu.memory_space<semaphore_mem>>
        tpu.enqueue_indirect_dma source(%dma_start3A_292 : memref<10240x128xf32, #tpu.memory_space<hbm>>) target(%dma_start3A_286 : memref<64x128xf32, #tpu.memory_space<vmem>>) offsets(%dma_start3A_289 : memref<64xi32, #tpu.memory_space<vmem>>) semaphore(%dma_start3A_294 : memref<!tpu.dma_semaphore, #tpu.memory_space<semaphore_mem>>)
      } else {
      }
    }
    %scan3A_90 = arith.constant 80 : i32
    %barrier3A_91 = arith.constant 0 : index
    tpu.barrier barrier_id(%barrier3A_91)
    %mul3A_92 = arith.constant 640 : i32
    %mul3A_93 = arith.muli %arg1, %mul3A_92 : i32
    %add3A_94 = arith.constant 0 : i32
    %add3A_95 = arith.addi %mul3A_93, %add3A_94 : i32
    %mul3A_96 = arith.constant 640 : i32
    %mul3A_97 = arith.muli %arg1, %mul3A_96 : i32
    %add3A_98 = arith.constant 0 : i32
    %add3A_99 = arith.addi %mul3A_97, %add3A_98 : i32
    "tpu.region"() ({
      %run_scoped3A_172 = tpu.sem_alloc : memref<!tpu.dma_semaphore, #tpu.memory_space<semaphore_mem>>
      %dma_start3A_173 = arith.constant 0 : i32
      %dma_start3A_174 = tpu.memref_slice %arg5[%arg0, %add3A_99, %dma_start3A_173] : memref<2x10240x128xf32, #tpu.memory_space<hbm>> -> memref<1x64x128xf32, #tpu.memory_space<hbm>>
      %dma_start3A_175 = tpu.memref_squeeze %dma_start3A_174 : memref<1x64x128xf32, #tpu.memory_space<hbm>> -> memref<64x128xf32, #tpu.memory_space<hbm>>
      %dma_start3A_176 = arith.constant 0 : i32
      %dma_start3A_177 = tpu.memref_slice %arg9[%add3A_95, %dma_start3A_176] : memref<10240x128xf32, #tpu.memory_space<vmem_shared>> -> memref<64x128xf32, #tpu.memory_space<vmem_shared>>
      tpu.enqueue_dma source(%dma_start3A_177 : memref<64x128xf32, #tpu.memory_space<vmem_shared>>) target(%dma_start3A_175 : memref<64x128xf32, #tpu.memory_space<hbm>>) target_semaphore(%run_scoped3A_172 : memref<!tpu.dma_semaphore, #tpu.memory_space<semaphore_mem>>)
      %dma_wait3A = arith.constant 0 : i32
      %dma_wait3A_178 = tpu.memref_slice %arg5[%arg0, %add3A_99, %dma_wait3A] : memref<2x10240x128xf32, #tpu.memory_space<hbm>> -> memref<1x64x128xf32, #tpu.memory_space<hbm>>
      %dma_wait3A_179 = tpu.memref_squeeze %dma_wait3A_178 : memref<1x64x128xf32, #tpu.memory_space<hbm>> -> memref<64x128xf32, #tpu.memory_space<hbm>>
      %dma_wait3A_180 = arith.constant 0 : i32
      %dma_wait3A_181 = tpu.memref_slice %arg9[%add3A_95, %dma_wait3A_180] : memref<10240x128xf32, #tpu.memory_space<vmem_shared>> -> memref<64x128xf32, #tpu.memory_space<vmem_shared>>
      tpu.wait_dma2 semaphore(%run_scoped3A_172 : memref<!tpu.dma_semaphore, #tpu.memory_space<semaphore_mem>>) src(%dma_wait3A_181 : memref<64x128xf32, #tpu.memory_space<vmem_shared>>) dst(%dma_wait3A_179 : memref<64x128xf32, #tpu.memory_space<hbm>>)
      tpu.yield
    }) : () -> ()
    %mul3A_100 = arith.constant 640 : i32
    %mul3A_101 = arith.muli %arg1, %mul3A_100 : i32
    %add3A_102 = arith.constant 64 : i32
    %add3A_103 = arith.addi %mul3A_101, %add3A_102 : i32
    %mul3A_104 = arith.constant 640 : i32
    %mul3A_105 = arith.muli %arg1, %mul3A_104 : i32
    %add3A_106 = arith.constant 64 : i32
    %add3A_107 = arith.addi %mul3A_105, %add3A_106 : i32
    "tpu.region"() ({
      %run_scoped3A_172 = tpu.sem_alloc : memref<!tpu.dma_semaphore, #tpu.memory_space<semaphore_mem>>
      %dma_start3A_173 = arith.constant 0 : i32
      %dma_start3A_174 = tpu.memref_slice %arg5[%arg0, %add3A_107, %dma_start3A_173] : memref<2x10240x128xf32, #tpu.memory_space<hbm>> -> memref<1x64x128xf32, #tpu.memory_space<hbm>>
      %dma_start3A_175 = tpu.memref_squeeze %dma_start3A_174 : memref<1x64x128xf32, #tpu.memory_space<hbm>> -> memref<64x128xf32, #tpu.memory_space<hbm>>
      %dma_start3A_176 = arith.constant 0 : i32
      %dma_start3A_177 = tpu.memref_slice %arg9[%add3A_103, %dma_start3A_176] : memref<10240x128xf32, #tpu.memory_space<vmem_shared>> -> memref<64x128xf32, #tpu.memory_space<vmem_shared>>
      tpu.enqueue_dma source(%dma_start3A_177 : memref<64x128xf32, #tpu.memory_space<vmem_shared>>) target(%dma_start3A_175 : memref<64x128xf32, #tpu.memory_space<hbm>>) target_semaphore(%run_scoped3A_172 : memref<!tpu.dma_semaphore, #tpu.memory_space<semaphore_mem>>)
      %dma_wait3A = arith.constant 0 : i32
      %dma_wait3A_178 = tpu.memref_slice %arg5[%arg0, %add3A_107, %dma_wait3A] : memref<2x10240x128xf32, #tpu.memory_space<hbm>> -> memref<1x64x128xf32, #tpu.memory_space<hbm>>
      %dma_wait3A_179 = tpu.memref_squeeze %dma_wait3A_178 : memref<1x64x128xf32, #tpu.memory_space<hbm>> -> memref<64x128xf32, #tpu.memory_space<hbm>>
      %dma_wait3A_180 = arith.constant 0 : i32
      %dma_wait3A_181 = tpu.memref_slice %arg9[%add3A_103, %dma_wait3A_180] : memref<10240x128xf32, #tpu.memory_space<vmem_shared>> -> memref<64x128xf32, #tpu.memory_space<vmem_shared>>
      tpu.wait_dma2 semaphore(%run_scoped3A_172 : memref<!tpu.dma_semaphore, #tpu.memory_space<semaphore_mem>>) src(%dma_wait3A_181 : memref<64x128xf32, #tpu.memory_space<vmem_shared>>) dst(%dma_wait3A_179 : memref<64x128xf32, #tpu.memory_space<hbm>>)
      tpu.yield
    }) : () -> ()
    %mul3A_108 = arith.constant 640 : i32
    %mul3A_109 = arith.muli %arg1, %mul3A_108 : i32
    %add3A_110 = arith.constant 128 : i32
    %add3A_111 = arith.addi %mul3A_109, %add3A_110 : i32
    %mul3A_112 = arith.constant 640 : i32
    %mul3A_113 = arith.muli %arg1, %mul3A_112 : i32
    %add3A_114 = arith.constant 128 : i32
    %add3A_115 = arith.addi %mul3A_113, %add3A_114 : i32
    "tpu.region"() ({
      %run_scoped3A_172 = tpu.sem_alloc : memref<!tpu.dma_semaphore, #tpu.memory_space<semaphore_mem>>
      %dma_start3A_173 = arith.constant 0 : i32
      %dma_start3A_174 = tpu.memref_slice %arg5[%arg0, %add3A_115, %dma_start3A_173] : memref<2x10240x128xf32, #tpu.memory_space<hbm>> -> memref<1x64x128xf32, #tpu.memory_space<hbm>>
      %dma_start3A_175 = tpu.memref_squeeze %dma_start3A_174 : memref<1x64x128xf32, #tpu.memory_space<hbm>> -> memref<64x128xf32, #tpu.memory_space<hbm>>
      %dma_start3A_176 = arith.constant 0 : i32
      %dma_start3A_177 = tpu.memref_slice %arg9[%add3A_111, %dma_start3A_176] : memref<10240x128xf32, #tpu.memory_space<vmem_shared>> -> memref<64x128xf32, #tpu.memory_space<vmem_shared>>
      tpu.enqueue_dma source(%dma_start3A_177 : memref<64x128xf32, #tpu.memory_space<vmem_shared>>) target(%dma_start3A_175 : memref<64x128xf32, #tpu.memory_space<hbm>>) target_semaphore(%run_scoped3A_172 : memref<!tpu.dma_semaphore, #tpu.memory_space<semaphore_mem>>)
      %dma_wait3A = arith.constant 0 : i32
      %dma_wait3A_178 = tpu.memref_slice %arg5[%arg0, %add3A_115, %dma_wait3A] : memref<2x10240x128xf32, #tpu.memory_space<hbm>> -> memref<1x64x128xf32, #tpu.memory_space<hbm>>
      %dma_wait3A_179 = tpu.memref_squeeze %dma_wait3A_178 : memref<1x64x128xf32, #tpu.memory_space<hbm>> -> memref<64x128xf32, #tpu.memory_space<hbm>>
      %dma_wait3A_180 = arith.constant 0 : i32
      %dma_wait3A_181 = tpu.memref_slice %arg9[%add3A_111, %dma_wait3A_180] : memref<10240x128xf32, #tpu.memory_space<vmem_shared>> -> memref<64x128xf32, #tpu.memory_space<vmem_shared>>
      tpu.wait_dma2 semaphore(%run_scoped3A_172 : memref<!tpu.dma_semaphore, #tpu.memory_space<semaphore_mem>>) src(%dma_wait3A_181 : memref<64x128xf32, #tpu.memory_space<vmem_shared>>) dst(%dma_wait3A_179 : memref<64x128xf32, #tpu.memory_space<hbm>>)
      tpu.yield
    }) : () -> ()
    %mul3A_116 = arith.constant 640 : i32
    %mul3A_117 = arith.muli %arg1, %mul3A_116 : i32
    %add3A_118 = arith.constant 192 : i32
    %add3A_119 = arith.addi %mul3A_117, %add3A_118 : i32
    %mul3A_120 = arith.constant 640 : i32
    %mul3A_121 = arith.muli %arg1, %mul3A_120 : i32
    %add3A_122 = arith.constant 192 : i32
    %add3A_123 = arith.addi %mul3A_121, %add3A_122 : i32
    "tpu.region"() ({
      %run_scoped3A_172 = tpu.sem_alloc : memref<!tpu.dma_semaphore, #tpu.memory_space<semaphore_mem>>
      %dma_start3A_173 = arith.constant 0 : i32
      %dma_start3A_174 = tpu.memref_slice %arg5[%arg0, %add3A_123, %dma_start3A_173] : memref<2x10240x128xf32, #tpu.memory_space<hbm>> -> memref<1x64x128xf32, #tpu.memory_space<hbm>>
      %dma_start3A_175 = tpu.memref_squeeze %dma_start3A_174 : memref<1x64x128xf32, #tpu.memory_space<hbm>> -> memref<64x128xf32, #tpu.memory_space<hbm>>
      %dma_start3A_176 = arith.constant 0 : i32
      %dma_start3A_177 = tpu.memref_slice %arg9[%add3A_119, %dma_start3A_176] : memref<10240x128xf32, #tpu.memory_space<vmem_shared>> -> memref<64x128xf32, #tpu.memory_space<vmem_shared>>
      tpu.enqueue_dma source(%dma_start3A_177 : memref<64x128xf32, #tpu.memory_space<vmem_shared>>) target(%dma_start3A_175 : memref<64x128xf32, #tpu.memory_space<hbm>>) target_semaphore(%run_scoped3A_172 : memref<!tpu.dma_semaphore, #tpu.memory_space<semaphore_mem>>)
      %dma_wait3A = arith.constant 0 : i32
      %dma_wait3A_178 = tpu.memref_slice %arg5[%arg0, %add3A_123, %dma_wait3A] : memref<2x10240x128xf32, #tpu.memory_space<hbm>> -> memref<1x64x128xf32, #tpu.memory_space<hbm>>
      %dma_wait3A_179 = tpu.memref_squeeze %dma_wait3A_178 : memref<1x64x128xf32, #tpu.memory_space<hbm>> -> memref<64x128xf32, #tpu.memory_space<hbm>>
      %dma_wait3A_180 = arith.constant 0 : i32
      %dma_wait3A_181 = tpu.memref_slice %arg9[%add3A_119, %dma_wait3A_180] : memref<10240x128xf32, #tpu.memory_space<vmem_shared>> -> memref<64x128xf32, #tpu.memory_space<vmem_shared>>
      tpu.wait_dma2 semaphore(%run_scoped3A_172 : memref<!tpu.dma_semaphore, #tpu.memory_space<semaphore_mem>>) src(%dma_wait3A_181 : memref<64x128xf32, #tpu.memory_space<vmem_shared>>) dst(%dma_wait3A_179 : memref<64x128xf32, #tpu.memory_space<hbm>>)
      tpu.yield
    }) : () -> ()
    %mul3A_124 = arith.constant 640 : i32
    %mul3A_125 = arith.muli %arg1, %mul3A_124 : i32
    %add3A_126 = arith.constant 256 : i32
    %add3A_127 = arith.addi %mul3A_125, %add3A_126 : i32
    %mul3A_128 = arith.constant 640 : i32
    %mul3A_129 = arith.muli %arg1, %mul3A_128 : i32
    %add3A_130 = arith.constant 256 : i32
    %add3A_131 = arith.addi %mul3A_129, %add3A_130 : i32
    "tpu.region"() ({
      %run_scoped3A_172 = tpu.sem_alloc : memref<!tpu.dma_semaphore, #tpu.memory_space<semaphore_mem>>
      %dma_start3A_173 = arith.constant 0 : i32
      %dma_start3A_174 = tpu.memref_slice %arg5[%arg0, %add3A_131, %dma_start3A_173] : memref<2x10240x128xf32, #tpu.memory_space<hbm>> -> memref<1x64x128xf32, #tpu.memory_space<hbm>>
      %dma_start3A_175 = tpu.memref_squeeze %dma_start3A_174 : memref<1x64x128xf32, #tpu.memory_space<hbm>> -> memref<64x128xf32, #tpu.memory_space<hbm>>
      %dma_start3A_176 = arith.constant 0 : i32
      %dma_start3A_177 = tpu.memref_slice %arg9[%add3A_127, %dma_start3A_176] : memref<10240x128xf32, #tpu.memory_space<vmem_shared>> -> memref<64x128xf32, #tpu.memory_space<vmem_shared>>
      tpu.enqueue_dma source(%dma_start3A_177 : memref<64x128xf32, #tpu.memory_space<vmem_shared>>) target(%dma_start3A_175 : memref<64x128xf32, #tpu.memory_space<hbm>>) target_semaphore(%run_scoped3A_172 : memref<!tpu.dma_semaphore, #tpu.memory_space<semaphore_mem>>)
      %dma_wait3A = arith.constant 0 : i32
      %dma_wait3A_178 = tpu.memref_slice %arg5[%arg0, %add3A_131, %dma_wait3A] : memref<2x10240x128xf32, #tpu.memory_space<hbm>> -> memref<1x64x128xf32, #tpu.memory_space<hbm>>
      %dma_wait3A_179 = tpu.memref_squeeze %dma_wait3A_178 : memref<1x64x128xf32, #tpu.memory_space<hbm>> -> memref<64x128xf32, #tpu.memory_space<hbm>>
      %dma_wait3A_180 = arith.constant 0 : i32
      %dma_wait3A_181 = tpu.memref_slice %arg9[%add3A_127, %dma_wait3A_180] : memref<10240x128xf32, #tpu.memory_space<vmem_shared>> -> memref<64x128xf32, #tpu.memory_space<vmem_shared>>
      tpu.wait_dma2 semaphore(%run_scoped3A_172 : memref<!tpu.dma_semaphore, #tpu.memory_space<semaphore_mem>>) src(%dma_wait3A_181 : memref<64x128xf32, #tpu.memory_space<vmem_shared>>) dst(%dma_wait3A_179 : memref<64x128xf32, #tpu.memory_space<hbm>>)
      tpu.yield
    }) : () -> ()
    %mul3A_132 = arith.constant 640 : i32
    %mul3A_133 = arith.muli %arg1, %mul3A_132 : i32
    %add3A_134 = arith.constant 320 : i32
    %add3A_135 = arith.addi %mul3A_133, %add3A_134 : i32
    %mul3A_136 = arith.constant 640 : i32
    %mul3A_137 = arith.muli %arg1, %mul3A_136 : i32
    %add3A_138 = arith.constant 320 : i32
    %add3A_139 = arith.addi %mul3A_137, %add3A_138 : i32
    "tpu.region"() ({
      %run_scoped3A_172 = tpu.sem_alloc : memref<!tpu.dma_semaphore, #tpu.memory_space<semaphore_mem>>
      %dma_start3A_173 = arith.constant 0 : i32
      %dma_start3A_174 = tpu.memref_slice %arg5[%arg0, %add3A_139, %dma_start3A_173] : memref<2x10240x128xf32, #tpu.memory_space<hbm>> -> memref<1x64x128xf32, #tpu.memory_space<hbm>>
      %dma_start3A_175 = tpu.memref_squeeze %dma_start3A_174 : memref<1x64x128xf32, #tpu.memory_space<hbm>> -> memref<64x128xf32, #tpu.memory_space<hbm>>
      %dma_start3A_176 = arith.constant 0 : i32
      %dma_start3A_177 = tpu.memref_slice %arg9[%add3A_135, %dma_start3A_176] : memref<10240x128xf32, #tpu.memory_space<vmem_shared>> -> memref<64x128xf32, #tpu.memory_space<vmem_shared>>
      tpu.enqueue_dma source(%dma_start3A_177 : memref<64x128xf32, #tpu.memory_space<vmem_shared>>) target(%dma_start3A_175 : memref<64x128xf32, #tpu.memory_space<hbm>>) target_semaphore(%run_scoped3A_172 : memref<!tpu.dma_semaphore, #tpu.memory_space<semaphore_mem>>)
      %dma_wait3A = arith.constant 0 : i32
      %dma_wait3A_178 = tpu.memref_slice %arg5[%arg0, %add3A_139, %dma_wait3A] : memref<2x10240x128xf32, #tpu.memory_space<hbm>> -> memref<1x64x128xf32, #tpu.memory_space<hbm>>
      %dma_wait3A_179 = tpu.memref_squeeze %dma_wait3A_178 : memref<1x64x128xf32, #tpu.memory_space<hbm>> -> memref<64x128xf32, #tpu.memory_space<hbm>>
      %dma_wait3A_180 = arith.constant 0 : i32
      %dma_wait3A_181 = tpu.memref_slice %arg9[%add3A_135, %dma_wait3A_180] : memref<10240x128xf32, #tpu.memory_space<vmem_shared>> -> memref<64x128xf32, #tpu.memory_space<vmem_shared>>
      tpu.wait_dma2 semaphore(%run_scoped3A_172 : memref<!tpu.dma_semaphore, #tpu.memory_space<semaphore_mem>>) src(%dma_wait3A_181 : memref<64x128xf32, #tpu.memory_space<vmem_shared>>) dst(%dma_wait3A_179 : memref<64x128xf32, #tpu.memory_space<hbm>>)
      tpu.yield
    }) : () -> ()
    %mul3A_140 = arith.constant 640 : i32
    %mul3A_141 = arith.muli %arg1, %mul3A_140 : i32
    %add3A_142 = arith.constant 384 : i32
    %add3A_143 = arith.addi %mul3A_141, %add3A_142 : i32
    %mul3A_144 = arith.constant 640 : i32
    %mul3A_145 = arith.muli %arg1, %mul3A_144 : i32
    %add3A_146 = arith.constant 384 : i32
    %add3A_147 = arith.addi %mul3A_145, %add3A_146 : i32
    "tpu.region"() ({
      %run_scoped3A_172 = tpu.sem_alloc : memref<!tpu.dma_semaphore, #tpu.memory_space<semaphore_mem>>
      %dma_start3A_173 = arith.constant 0 : i32
      %dma_start3A_174 = tpu.memref_slice %arg5[%arg0, %add3A_147, %dma_start3A_173] : memref<2x10240x128xf32, #tpu.memory_space<hbm>> -> memref<1x64x128xf32, #tpu.memory_space<hbm>>
      %dma_start3A_175 = tpu.memref_squeeze %dma_start3A_174 : memref<1x64x128xf32, #tpu.memory_space<hbm>> -> memref<64x128xf32, #tpu.memory_space<hbm>>
      %dma_start3A_176 = arith.constant 0 : i32
      %dma_start3A_177 = tpu.memref_slice %arg9[%add3A_143, %dma_start3A_176] : memref<10240x128xf32, #tpu.memory_space<vmem_shared>> -> memref<64x128xf32, #tpu.memory_space<vmem_shared>>
      tpu.enqueue_dma source(%dma_start3A_177 : memref<64x128xf32, #tpu.memory_space<vmem_shared>>) target(%dma_start3A_175 : memref<64x128xf32, #tpu.memory_space<hbm>>) target_semaphore(%run_scoped3A_172 : memref<!tpu.dma_semaphore, #tpu.memory_space<semaphore_mem>>)
      %dma_wait3A = arith.constant 0 : i32
      %dma_wait3A_178 = tpu.memref_slice %arg5[%arg0, %add3A_147, %dma_wait3A] : memref<2x10240x128xf32, #tpu.memory_space<hbm>> -> memref<1x64x128xf32, #tpu.memory_space<hbm>>
      %dma_wait3A_179 = tpu.memref_squeeze %dma_wait3A_178 : memref<1x64x128xf32, #tpu.memory_space<hbm>> -> memref<64x128xf32, #tpu.memory_space<hbm>>
      %dma_wait3A_180 = arith.constant 0 : i32
      %dma_wait3A_181 = tpu.memref_slice %arg9[%add3A_143, %dma_wait3A_180] : memref<10240x128xf32, #tpu.memory_space<vmem_shared>> -> memref<64x128xf32, #tpu.memory_space<vmem_shared>>
      tpu.wait_dma2 semaphore(%run_scoped3A_172 : memref<!tpu.dma_semaphore, #tpu.memory_space<semaphore_mem>>) src(%dma_wait3A_181 : memref<64x128xf32, #tpu.memory_space<vmem_shared>>) dst(%dma_wait3A_179 : memref<64x128xf32, #tpu.memory_space<hbm>>)
      tpu.yield
    }) : () -> ()
    %mul3A_148 = arith.constant 640 : i32
    %mul3A_149 = arith.muli %arg1, %mul3A_148 : i32
    %add3A_150 = arith.constant 448 : i32
    %add3A_151 = arith.addi %mul3A_149, %add3A_150 : i32
    %mul3A_152 = arith.constant 640 : i32
    %mul3A_153 = arith.muli %arg1, %mul3A_152 : i32
    %add3A_154 = arith.constant 448 : i32
    %add3A_155 = arith.addi %mul3A_153, %add3A_154 : i32
    "tpu.region"() ({
      %run_scoped3A_172 = tpu.sem_alloc : memref<!tpu.dma_semaphore, #tpu.memory_space<semaphore_mem>>
      %dma_start3A_173 = arith.constant 0 : i32
      %dma_start3A_174 = tpu.memref_slice %arg5[%arg0, %add3A_155, %dma_start3A_173] : memref<2x10240x128xf32, #tpu.memory_space<hbm>> -> memref<1x64x128xf32, #tpu.memory_space<hbm>>
      %dma_start3A_175 = tpu.memref_squeeze %dma_start3A_174 : memref<1x64x128xf32, #tpu.memory_space<hbm>> -> memref<64x128xf32, #tpu.memory_space<hbm>>
      %dma_start3A_176 = arith.constant 0 : i32
      %dma_start3A_177 = tpu.memref_slice %arg9[%add3A_151, %dma_start3A_176] : memref<10240x128xf32, #tpu.memory_space<vmem_shared>> -> memref<64x128xf32, #tpu.memory_space<vmem_shared>>
      tpu.enqueue_dma source(%dma_start3A_177 : memref<64x128xf32, #tpu.memory_space<vmem_shared>>) target(%dma_start3A_175 : memref<64x128xf32, #tpu.memory_space<hbm>>) target_semaphore(%run_scoped3A_172 : memref<!tpu.dma_semaphore, #tpu.memory_space<semaphore_mem>>)
      %dma_wait3A = arith.constant 0 : i32
      %dma_wait3A_178 = tpu.memref_slice %arg5[%arg0, %add3A_155, %dma_wait3A] : memref<2x10240x128xf32, #tpu.memory_space<hbm>> -> memref<1x64x128xf32, #tpu.memory_space<hbm>>
      %dma_wait3A_179 = tpu.memref_squeeze %dma_wait3A_178 : memref<1x64x128xf32, #tpu.memory_space<hbm>> -> memref<64x128xf32, #tpu.memory_space<hbm>>
      %dma_wait3A_180 = arith.constant 0 : i32
      %dma_wait3A_181 = tpu.memref_slice %arg9[%add3A_151, %dma_wait3A_180] : memref<10240x128xf32, #tpu.memory_space<vmem_shared>> -> memref<64x128xf32, #tpu.memory_space<vmem_shared>>
      tpu.wait_dma2 semaphore(%run_scoped3A_172 : memref<!tpu.dma_semaphore, #tpu.memory_space<semaphore_mem>>) src(%dma_wait3A_181 : memref<64x128xf32, #tpu.memory_space<vmem_shared>>) dst(%dma_wait3A_179 : memref<64x128xf32, #tpu.memory_space<hbm>>)
      tpu.yield
    }) : () -> ()
    %mul3A_156 = arith.constant 640 : i32
    %mul3A_157 = arith.muli %arg1, %mul3A_156 : i32
    %add3A_158 = arith.constant 512 : i32
    %add3A_159 = arith.addi %mul3A_157, %add3A_158 : i32
    %mul3A_160 = arith.constant 640 : i32
    %mul3A_161 = arith.muli %arg1, %mul3A_160 : i32
    %add3A_162 = arith.constant 512 : i32
    %add3A_163 = arith.addi %mul3A_161, %add3A_162 : i32
    "tpu.region"() ({
      %run_scoped3A_172 = tpu.sem_alloc : memref<!tpu.dma_semaphore, #tpu.memory_space<semaphore_mem>>
      %dma_start3A_173 = arith.constant 0 : i32
      %dma_start3A_174 = tpu.memref_slice %arg5[%arg0, %add3A_163, %dma_start3A_173] : memref<2x10240x128xf32, #tpu.memory_space<hbm>> -> memref<1x64x128xf32, #tpu.memory_space<hbm>>
      %dma_start3A_175 = tpu.memref_squeeze %dma_start3A_174 : memref<1x64x128xf32, #tpu.memory_space<hbm>> -> memref<64x128xf32, #tpu.memory_space<hbm>>
      %dma_start3A_176 = arith.constant 0 : i32
      %dma_start3A_177 = tpu.memref_slice %arg9[%add3A_159, %dma_start3A_176] : memref<10240x128xf32, #tpu.memory_space<vmem_shared>> -> memref<64x128xf32, #tpu.memory_space<vmem_shared>>
      tpu.enqueue_dma source(%dma_start3A_177 : memref<64x128xf32, #tpu.memory_space<vmem_shared>>) target(%dma_start3A_175 : memref<64x128xf32, #tpu.memory_space<hbm>>) target_semaphore(%run_scoped3A_172 : memref<!tpu.dma_semaphore, #tpu.memory_space<semaphore_mem>>)
      %dma_wait3A = arith.constant 0 : i32
      %dma_wait3A_178 = tpu.memref_slice %arg5[%arg0, %add3A_163, %dma_wait3A] : memref<2x10240x128xf32, #tpu.memory_space<hbm>> -> memref<1x64x128xf32, #tpu.memory_space<hbm>>
      %dma_wait3A_179 = tpu.memref_squeeze %dma_wait3A_178 : memref<1x64x128xf32, #tpu.memory_space<hbm>> -> memref<64x128xf32, #tpu.memory_space<hbm>>
      %dma_wait3A_180 = arith.constant 0 : i32
      %dma_wait3A_181 = tpu.memref_slice %arg9[%add3A_159, %dma_wait3A_180] : memref<10240x128xf32, #tpu.memory_space<vmem_shared>> -> memref<64x128xf32, #tpu.memory_space<vmem_shared>>
      tpu.wait_dma2 semaphore(%run_scoped3A_172 : memref<!tpu.dma_semaphore, #tpu.memory_space<semaphore_mem>>) src(%dma_wait3A_181 : memref<64x128xf32, #tpu.memory_space<vmem_shared>>) dst(%dma_wait3A_179 : memref<64x128xf32, #tpu.memory_space<hbm>>)
      tpu.yield
    }) : () -> ()
    %mul3A_164 = arith.constant 640 : i32
    %mul3A_165 = arith.muli %arg1, %mul3A_164 : i32
    %add3A_166 = arith.constant 576 : i32
    %add3A_167 = arith.addi %mul3A_165, %add3A_166 : i32
    %mul3A_168 = arith.constant 640 : i32
    %mul3A_169 = arith.muli %arg1, %mul3A_168 : i32
    %add3A_170 = arith.constant 576 : i32
    %add3A_171 = arith.addi %mul3A_169, %add3A_170 : i32
    "tpu.region"() ({
      %run_scoped3A_172 = tpu.sem_alloc : memref<!tpu.dma_semaphore, #tpu.memory_space<semaphore_mem>>
      %dma_start3A_173 = arith.constant 0 : i32
      %dma_start3A_174 = tpu.memref_slice %arg5[%arg0, %add3A_171, %dma_start3A_173] : memref<2x10240x128xf32, #tpu.memory_space<hbm>> -> memref<1x64x128xf32, #tpu.memory_space<hbm>>
      %dma_start3A_175 = tpu.memref_squeeze %dma_start3A_174 : memref<1x64x128xf32, #tpu.memory_space<hbm>> -> memref<64x128xf32, #tpu.memory_space<hbm>>
      %dma_start3A_176 = arith.constant 0 : i32
      %dma_start3A_177 = tpu.memref_slice %arg9[%add3A_167, %dma_start3A_176] : memref<10240x128xf32, #tpu.memory_space<vmem_shared>> -> memref<64x128xf32, #tpu.memory_space<vmem_shared>>
      tpu.enqueue_dma source(%dma_start3A_177 : memref<64x128xf32, #tpu.memory_space<vmem_shared>>) target(%dma_start3A_175 : memref<64x128xf32, #tpu.memory_space<hbm>>) target_semaphore(%run_scoped3A_172 : memref<!tpu.dma_semaphore, #tpu.memory_space<semaphore_mem>>)
      %dma_wait3A = arith.constant 0 : i32
      %dma_wait3A_178 = tpu.memref_slice %arg5[%arg0, %add3A_171, %dma_wait3A] : memref<2x10240x128xf32, #tpu.memory_space<hbm>> -> memref<1x64x128xf32, #tpu.memory_space<hbm>>
      %dma_wait3A_179 = tpu.memref_squeeze %dma_wait3A_178 : memref<1x64x128xf32, #tpu.memory_space<hbm>> -> memref<64x128xf32, #tpu.memory_space<hbm>>
      %dma_wait3A_180 = arith.constant 0 : i32
      %dma_wait3A_181 = tpu.memref_slice %arg9[%add3A_167, %dma_wait3A_180] : memref<10240x128xf32, #tpu.memory_space<vmem_shared>> -> memref<64x128xf32, #tpu.memory_space<vmem_shared>>
      tpu.wait_dma2 semaphore(%run_scoped3A_172 : memref<!tpu.dma_semaphore, #tpu.memory_space<semaphore_mem>>) src(%dma_wait3A_181 : memref<64x128xf32, #tpu.memory_space<vmem_shared>>) dst(%dma_wait3A_179 : memref<64x128xf32, #tpu.memory_space<hbm>>)
      tpu.yield
    }) : () -> ()
    return
  }
}

#map = affine_map<(d0, d1) -> (0, 0, 0)>
#map1 = affine_map<(d0, d1) -> (0, 0)>
module attributes {stable_mosaic.version = 14 : i64} {
  func.func @_deg_body(%arg0: i32, %arg1: i32, %arg2: memref<32x160x64xi32, #tpu.memory_space<hbm>>, %arg3: memref<2x10240xf32, #tpu.memory_space<hbm>>, %arg4: memref<160x64xi32, #tpu.memory_space<vmem>>, %arg5: memref<64xf32, #tpu.memory_space<vmem>>, %arg6: memref<640xf32, #tpu.memory_space<vmem>>, %arg7: memref<10240xf32, #tpu.memory_space<vmem_shared>>) attributes {dimension_semantics = [#tpu.dimension_semantics<core_parallel>, #tpu.dimension_semantics<subcore_parallel>], iteration_bounds = array<i64: 2, 16>, scalar_prefetch = 0 : i64, scratch_operands = 4 : i64, tpu.core_type = #tpu.core_type<sc_vector_subcore>, window_params = [{transform_indices = #map}, {transform_indices = #map1}]} {
    %mul3A = arith.constant 2 : i32
    %mul3A_0 = arith.muli %arg1, %mul3A : i32
    %add3A = arith.addi %mul3A_0, %arg0 : i32
    %scan3A = arith.constant 0 : i32
    %scan3A_1 = arith.constant 0 : i32
    %scan3A_2 = arith.constant 40 : i32
    %scan3A_3 = arith.addi %scan3A_1, %scan3A_2 : i32
    %scan3A_4 = arith.constant 1 : i32
    scf.for %scan3A_25 = %scan3A_1 to %scan3A_3 step %scan3A_4  : i32 {
      %broadcast_in_dim3A = arith.constant 0.000000e+00 : f32
      %broadcast_in_dim3A_26 = vector.broadcast %broadcast_in_dim3A : f32 to vector<16xf32>
      %mul3A_27 = arith.constant 16 : i32
      %mul3A_28 = arith.muli %scan3A_25, %mul3A_27 : i32
      %swap3A = arith.index_cast %mul3A_28 : i32 to index
      %swap3A_29 = tpu.vector_load %arg6[%swap3A] {strides = array<i32>} : memref<640xf32, #tpu.memory_space<vmem>>, vector<16xf32>,
      %swap3A_30 = vector.shape_cast %swap3A_29 : vector<16xf32> to vector<16xf32>
      %swap3A_31 = vector.shape_cast %broadcast_in_dim3A_26 : vector<16xf32> to vector<16xf32>
      tpu.vector_store %arg6[%swap3A], %swap3A_31 {strides = array<i32>} : memref<640xf32, #tpu.memory_space<vmem>>, vector<16xf32>,
    }
    %scan3A_5 = arith.constant 40 : i32
    %scan3A_6 = arith.constant 0 : i32
    %scan3A_7 = arith.constant 0 : i32
    %scan3A_8 = arith.constant 4 : i32
    %scan3A_9 = arith.addi %scan3A_7, %scan3A_8 : i32
    %scan3A_10 = arith.constant 1 : i32
    scf.for %scan3A_25 = %scan3A_7 to %scan3A_9 step %scan3A_10  : i32 {
      %broadcast_in_dim3A = arith.constant 1.000000e+00 : f32
      %broadcast_in_dim3A_26 = vector.broadcast %broadcast_in_dim3A : f32 to vector<16xf32>
      %mul3A_27 = arith.constant 16 : i32
      %mul3A_28 = arith.muli %scan3A_25, %mul3A_27 : i32
      %swap3A = arith.index_cast %mul3A_28 : i32 to index
      %swap3A_29 = tpu.vector_load %arg5[%swap3A] {strides = array<i32>} : memref<64xf32, #tpu.memory_space<vmem>>, vector<16xf32>,
      %swap3A_30 = vector.shape_cast %swap3A_29 : vector<16xf32> to vector<16xf32>
      %swap3A_31 = vector.shape_cast %broadcast_in_dim3A_26 : vector<16xf32> to vector<16xf32>
      tpu.vector_store %arg5[%swap3A], %swap3A_31 {strides = array<i32>} : memref<64xf32, #tpu.memory_space<vmem>>, vector<16xf32>,
    }
    %scan3A_11 = arith.constant 4 : i32
    %mul3A_12 = arith.constant 640 : i32
    %mul3A_13 = arith.muli %arg1, %mul3A_12 : i32
    "tpu.region"() ({
      %run_scoped3A = tpu.sem_alloc : memref<!tpu.dma_semaphore, #tpu.memory_space<semaphore_mem>>
      %dma_start3A = tpu.memref_slice %arg7[%mul3A_13] : memref<10240xf32, #tpu.memory_space<vmem_shared>> -> memref<640xf32, #tpu.memory_space<vmem_shared>>
      %dma_start3A_25 = tpu.memref_slice %arg7[%mul3A_13] : memref<10240xf32, #tpu.memory_space<vmem_shared>> -> memref<640xf32, #tpu.memory_space<vmem_shared>>
      tpu.enqueue_dma source(%arg6 : memref<640xf32, #tpu.memory_space<vmem>>) target(%dma_start3A_25 : memref<640xf32, #tpu.memory_space<vmem_shared>>) target_semaphore(%run_scoped3A : memref<!tpu.dma_semaphore, #tpu.memory_space<semaphore_mem>>)
      %dma_wait3A = tpu.memref_slice %arg7[%mul3A_13] : memref<10240xf32, #tpu.memory_space<vmem_shared>> -> memref<640xf32, #tpu.memory_space<vmem_shared>>
      %dma_wait3A_26 = tpu.memref_slice %arg7[%mul3A_13] : memref<10240xf32, #tpu.memory_space<vmem_shared>> -> memref<640xf32, #tpu.memory_space<vmem_shared>>
      tpu.wait_dma2 semaphore(%run_scoped3A : memref<!tpu.dma_semaphore, #tpu.memory_space<semaphore_mem>>) src(%arg6 : memref<640xf32, #tpu.memory_space<vmem>>) dst(%dma_wait3A_26 : memref<640xf32, #tpu.memory_space<vmem_shared>>)
      tpu.yield
    }) : () -> ()
    %barrier3A = arith.constant 0 : index
    tpu.barrier barrier_id(%barrier3A)
    "tpu.region"() ({
      %run_scoped3A = tpu.sem_alloc : memref<!tpu.dma_semaphore, #tpu.memory_space<semaphore_mem>>
      %dma_start3A = arith.constant 0 : i32
      %dma_start3A_25 = arith.constant 0 : i32
      %dma_start3A_26 = tpu.memref_slice %arg2[%add3A, %dma_start3A, %dma_start3A_25] : memref<32x160x64xi32, #tpu.memory_space<hbm>> -> memref<1x160x64xi32, #tpu.memory_space<hbm>>
      %dma_start3A_27 = tpu.memref_squeeze %dma_start3A_26 : memref<1x160x64xi32, #tpu.memory_space<hbm>> -> memref<160x64xi32, #tpu.memory_space<hbm>>
      %dma_start3A_28 = arith.constant 0 : i32
      %dma_start3A_29 = arith.constant 0 : i32
      %dma_start3A_30 = tpu.memref_slice %arg2[%add3A, %dma_start3A_28, %dma_start3A_29] : memref<32x160x64xi32, #tpu.memory_space<hbm>> -> memref<1x160x64xi32, #tpu.memory_space<hbm>>
      %dma_start3A_31 = tpu.memref_squeeze %dma_start3A_30 : memref<1x160x64xi32, #tpu.memory_space<hbm>> -> memref<160x64xi32, #tpu.memory_space<hbm>>
      tpu.enqueue_dma source(%dma_start3A_31 : memref<160x64xi32, #tpu.memory_space<hbm>>) target(%arg4 : memref<160x64xi32, #tpu.memory_space<vmem>>) target_semaphore(%run_scoped3A : memref<!tpu.dma_semaphore, #tpu.memory_space<semaphore_mem>>)
      %dma_wait3A = arith.constant 0 : i32
      %dma_wait3A_32 = arith.constant 0 : i32
      %dma_wait3A_33 = tpu.memref_slice %arg2[%add3A, %dma_wait3A, %dma_wait3A_32] : memref<32x160x64xi32, #tpu.memory_space<hbm>> -> memref<1x160x64xi32, #tpu.memory_space<hbm>>
      %dma_wait3A_34 = tpu.memref_squeeze %dma_wait3A_33 : memref<1x160x64xi32, #tpu.memory_space<hbm>> -> memref<160x64xi32, #tpu.memory_space<hbm>>
      %dma_wait3A_35 = arith.constant 0 : i32
      %dma_wait3A_36 = arith.constant 0 : i32
      %dma_wait3A_37 = tpu.memref_slice %arg2[%add3A, %dma_wait3A_35, %dma_wait3A_36] : memref<32x160x64xi32, #tpu.memory_space<hbm>> -> memref<1x160x64xi32, #tpu.memory_space<hbm>>
      %dma_wait3A_38 = tpu.memref_squeeze %dma_wait3A_37 : memref<1x160x64xi32, #tpu.memory_space<hbm>> -> memref<160x64xi32, #tpu.memory_space<hbm>>
      tpu.wait_dma2 semaphore(%run_scoped3A : memref<!tpu.dma_semaphore, #tpu.memory_space<semaphore_mem>>) src(%dma_wait3A_38 : memref<160x64xi32, #tpu.memory_space<hbm>>) dst(%arg4 : memref<160x64xi32, #tpu.memory_space<vmem>>)
      tpu.yield
    }) : () -> ()
    %scan3A_14 = arith.constant 0 : i32
    %scan3A_15 = arith.constant 0 : i32
    %scan3A_16 = arith.constant 160 : i32
    %scan3A_17 = arith.addi %scan3A_15, %scan3A_16 : i32
    %scan3A_18 = arith.constant 1 : i32
    scf.for %scan3A_25 = %scan3A_15 to %scan3A_17 step %scan3A_18  : i32 {
      "tpu.region"() ({
        %run_scoped3A = tpu.sem_alloc : memref<!tpu.dma_semaphore, #tpu.memory_space<semaphore_mem>>
        %dma_start3A = arith.constant 0 : i32
        %dma_start3A_26 = tpu.memref_slice %arg4[%scan3A_25, %dma_start3A] : memref<160x64xi32, #tpu.memory_space<vmem>> -> memref<1x64xi32, #tpu.memory_space<vmem>>
        %dma_start3A_27 = tpu.memref_squeeze %dma_start3A_26 : memref<1x64xi32, #tpu.memory_space<vmem>> -> memref<64xi32, #tpu.memory_space<vmem>>
        %dma_start3A_28 = arith.constant 0 : i32
        %dma_start3A_29 = tpu.memref_slice %arg7[%dma_start3A_28] : memref<10240xf32, #tpu.memory_space<vmem_shared>> -> memref<10240xf32, #tpu.memory_space<vmem_shared>>
        tpu.enqueue_indirect_dma source(%arg5 : memref<64xf32, #tpu.memory_space<vmem>>) target(%dma_start3A_29 : memref<10240xf32, #tpu.memory_space<vmem_shared>>) offsets(%dma_start3A_27 : memref<64xi32, #tpu.memory_space<vmem>>) semaphore(%run_scoped3A : memref<!tpu.dma_semaphore, #tpu.memory_space<semaphore_mem>>) {add = true}
        %dma_wait3A = arith.constant 0 : i32
        %dma_wait3A_30 = tpu.memref_slice %arg4[%scan3A_25, %dma_wait3A] : memref<160x64xi32, #tpu.memory_space<vmem>> -> memref<1x64xi32, #tpu.memory_space<vmem>>
        %dma_wait3A_31 = tpu.memref_squeeze %dma_wait3A_30 : memref<1x64xi32, #tpu.memory_space<vmem>> -> memref<64xi32, #tpu.memory_space<vmem>>
        %dma_wait3A_32 = arith.constant 0 : i32
        %dma_wait3A_33 = tpu.memref_slice %arg7[%dma_wait3A_32] : memref<10240xf32, #tpu.memory_space<vmem_shared>> -> memref<10240xf32, #tpu.memory_space<vmem_shared>>
        tpu.wait_indirect_dma semaphore(%run_scoped3A : memref<!tpu.dma_semaphore, #tpu.memory_space<semaphore_mem>>) src(%arg5 : memref<64xf32, #tpu.memory_space<vmem>>) dst(%dma_wait3A_33 : memref<10240xf32, #tpu.memory_space<vmem_shared>>)
        tpu.yield
      }) : () -> ()
    }
    %scan3A_19 = arith.constant 160 : i32
    %barrier3A_20 = arith.constant 0 : index
    tpu.barrier barrier_id(%barrier3A_20)
    %mul3A_21 = arith.constant 640 : i32
    %mul3A_22 = arith.muli %arg1, %mul3A_21 : i32
    %mul3A_23 = arith.constant 640 : i32
    %mul3A_24 = arith.muli %arg1, %mul3A_23 : i32
    "tpu.region"() ({
      %run_scoped3A = tpu.sem_alloc : memref<!tpu.dma_semaphore, #tpu.memory_space<semaphore_mem>>
      %dma_start3A = tpu.memref_slice %arg3[%arg0, %mul3A_24] : memref<2x10240xf32, #tpu.memory_space<hbm>> -> memref<1x640xf32, #tpu.memory_space<hbm>>
      %dma_start3A_25 = tpu.memref_squeeze %dma_start3A : memref<1x640xf32, #tpu.memory_space<hbm>> -> memref<640xf32, #tpu.memory_space<hbm>>
      %dma_start3A_26 = tpu.memref_slice %arg7[%mul3A_22] : memref<10240xf32, #tpu.memory_space<vmem_shared>> -> memref<640xf32, #tpu.memory_space<vmem_shared>>
      tpu.enqueue_dma source(%dma_start3A_26 : memref<640xf32, #tpu.memory_space<vmem_shared>>) target(%dma_start3A_25 : memref<640xf32, #tpu.memory_space<hbm>>) target_semaphore(%run_scoped3A : memref<!tpu.dma_semaphore, #tpu.memory_space<semaphore_mem>>)
      %dma_wait3A = tpu.memref_slice %arg3[%arg0, %mul3A_24] : memref<2x10240xf32, #tpu.memory_space<hbm>> -> memref<1x640xf32, #tpu.memory_space<hbm>>
      %dma_wait3A_27 = tpu.memref_squeeze %dma_wait3A : memref<1x640xf32, #tpu.memory_space<hbm>> -> memref<640xf32, #tpu.memory_space<hbm>>
      %dma_wait3A_28 = tpu.memref_slice %arg7[%mul3A_22] : memref<10240xf32, #tpu.memory_space<vmem_shared>> -> memref<640xf32, #tpu.memory_space<vmem_shared>>
      tpu.wait_dma2 semaphore(%run_scoped3A : memref<!tpu.dma_semaphore, #tpu.memory_space<semaphore_mem>>) src(%dma_wait3A_28 : memref<640xf32, #tpu.memory_space<vmem_shared>>) dst(%dma_wait3A_27 : memref<640xf32, #tpu.memory_space<hbm>>)
      tpu.yield
    }) : () -> ()
    return
  }
}

#map = affine_map<(d0, d1) -> (0, 0)>
#map1 = affine_map<(d0, d1) -> (0, 0, 0)>
module attributes {stable_mosaic.version = 14 : i64} {
  func.func @_scatter_body(%arg0: i32, %arg1: i32, %arg2: memref<10240x128xf32, #tpu.memory_space<hbm>>, %arg3: memref<32x160x64xi32, #tpu.memory_space<hbm>>, %arg4: memref<32x160x64xi32, #tpu.memory_space<hbm>>, %arg5: memref<2x10240x128xf32, #tpu.memory_space<hbm>>, %arg6: memref<160x64xi32, #tpu.memory_space<vmem>>, %arg7: memref<160x64xi32, #tpu.memory_space<vmem>>, %arg8: memref<2x64x128xf32, #tpu.memory_space<vmem>>, %arg9: memref<10240x128xf32, #tpu.memory_space<vmem_shared>>, %arg10: memref<2x!tpu.dma_semaphore, #tpu.memory_space<semaphore_mem>>, %arg11: memref<2x!tpu.dma_semaphore, #tpu.memory_space<semaphore_mem>>) attributes {dimension_semantics = [#tpu.dimension_semantics<core_parallel>, #tpu.dimension_semantics<subcore_parallel>], iteration_bounds = array<i64: 2, 16>, scalar_prefetch = 0 : i64, scratch_operands = 6 : i64, tpu.core_type = #tpu.core_type<sc_vector_subcore>, window_params = [{transform_indices = #map}, {transform_indices = #map1}, {transform_indices = #map1}, {transform_indices = #map1}]} {
    %scan3A = arith.constant 0 : i32
    %scan3A_0 = arith.constant 0 : i32
    %scan3A_1 = arith.constant 0 : i32
    %scan3A_2 = arith.constant 512 : i32
    %scan3A_3 = arith.addi %scan3A_1, %scan3A_2 : i32
    %scan3A_4 = arith.constant 1 : i32
    scf.for %scan3A_172 = %scan3A_1 to %scan3A_3 step %scan3A_4  : i32 {
      %broadcast_in_dim3A = arith.constant 0.000000e+00 : f32
      %broadcast_in_dim3A_173 = vector.broadcast %broadcast_in_dim3A : f32 to vector<16xf32>
      %jit3A = arith.constant 8 : i32
      %div3A = arith.divsi %scan3A_172, %jit3A : i32
      %sign3A = arith.constant 0 : i32
      %sign3A_174 = arith.cmpi sgt, %scan3A_172, %sign3A : i32
      %sign3A_175 = arith.extui %sign3A_174 : i1 to i32
      %sign3A_176 = arith.constant 0 : i32
      %sign3A_177 = arith.cmpi slt, %scan3A_172, %sign3A_176 : i32
      %sign3A_178 = arith.extui %sign3A_177 : i1 to i32
      %sign3A_179 = arith.subi %sign3A_175, %sign3A_178 : i32
      %sign3A_180 = arith.constant 0 : i32
      %sign3A_181 = arith.cmpi sgt, %jit3A, %sign3A_180 : i32
      %sign3A_182 = arith.extui %sign3A_181 : i1 to i32
      %sign3A_183 = arith.constant 0 : i32
      %sign3A_184 = arith.cmpi slt, %jit3A, %sign3A_183 : i32
      %sign3A_185 = arith.extui %sign3A_184 : i1 to i32
      %sign3A_186 = arith.subi %sign3A_182, %sign3A_185 : i32
      %ne3A = arith.cmpi ne, %sign3A_179, %sign3A_186 : i32
      %rem3A = arith.remsi %scan3A_172, %jit3A : i32
      %ne3A_187 = arith.constant 0 : i32
      %ne3A_188 = arith.cmpi ne, %rem3A, %ne3A_187 : i32
      %and3A = arith.andi %ne3A, %ne3A_188 : i1
      %sub3A = arith.constant 1 : i32
      %sub3A_189 = arith.subi %div3A, %sub3A : i32
      %select_n3A = arith.select %and3A, %sub3A_189, %div3A : i32
      %jit3A_190 = arith.constant 8 : i32
      %eq3A = arith.constant 0 : i32
      %eq3A_191 = arith.cmpi eq, %jit3A_190, %eq3A : i32
      %jit3A_192 = arith.constant 1 : i32
      %select_n3A_193 = arith.select %eq3A_191, %jit3A_192, %jit3A_190 : i32
      %rem3A_194 = arith.remsi %scan3A_172, %select_n3A_193 : i32
      %ne3A_195 = arith.constant 0 : i32
      %ne3A_196 = arith.cmpi ne, %rem3A_194, %ne3A_195 : i32
      %lt3A = arith.constant 0 : i32
      %lt3A_197 = arith.cmpi slt, %rem3A_194, %lt3A : i32
      %lt3A_198 = arith.constant 0 : i32
      %lt3A_199 = arith.cmpi slt, %select_n3A_193, %lt3A_198 : i32
      %ne3A_200 = arith.xori %lt3A_197, %lt3A_199 : i1
      %and3A_201 = arith.andi %ne3A_200, %ne3A_196 : i1
      %add3A_202 = arith.addi %rem3A_194, %select_n3A_193 : i32
      %select_n3A_203 = arith.select %and3A_201, %add3A_202, %rem3A_194 : i32
      %mul3A_204 = arith.constant 16 : i32
      %mul3A_205 = arith.muli %select_n3A_203, %mul3A_204 : i32
      %swap3A = arith.constant 0 : i32
      %swap3A_206 = arith.constant 0 : i32
      %swap3A_207 = tpu.memref_slice %arg8[%scan3A_0, %swap3A, %swap3A_206] : memref<2x64x128xf32, #tpu.memory_space<vmem>> -> memref<1x64x128xf32, #tpu.memory_space<vmem>>
      %swap3A_208 = tpu.memref_squeeze %swap3A_207 : memref<1x64x128xf32, #tpu.memory_space<vmem>> -> memref<64x128xf32, #tpu.memory_space<vmem>>
      %swap3A_209 = arith.index_cast %select_n3A : i32 to index
      %swap3A_210 = arith.index_cast %mul3A_205 : i32 to index
      %swap3A_211 = tpu.vector_load %swap3A_208[%swap3A_209, %swap3A_210] {strides = array<i32>} : memref<64x128xf32, #tpu.memory_space<vmem>>, vector<1x16xf32>,
      %swap3A_212 = vector.shape_cast %swap3A_211 : vector<1x16xf32> to vector<16xf32>
      %swap3A_213 = vector.shape_cast %broadcast_in_dim3A_173 : vector<16xf32> to vector<1x16xf32>
      tpu.vector_store %swap3A_208[%swap3A_209, %swap3A_210], %swap3A_213 {strides = array<i32>} : memref<64x128xf32, #tpu.memory_space<vmem>>, vector<1x16xf32>,
    }
    %scan3A_5 = arith.constant 512 : i32
    %mul3A = arith.constant 640 : i32
    %mul3A_6 = arith.muli %arg1, %mul3A : i32
    %add3A = arith.constant 0 : i32
    %add3A_7 = arith.addi %mul3A_6, %add3A : i32
    %run_scoped3A = arith.constant 0 : i32
    "tpu.region"() ({
      %run_scoped3A_172 = tpu.sem_alloc : memref<!tpu.dma_semaphore, #tpu.memory_space<semaphore_mem>>
      %dma_start3A_173 = arith.constant 0 : i32
      %dma_start3A_174 = arith.constant 0 : i32
      %dma_start3A_175 = tpu.memref_slice %arg8[%run_scoped3A, %dma_start3A_173, %dma_start3A_174] : memref<2x64x128xf32, #tpu.memory_space<vmem>> -> memref<1x64x128xf32, #tpu.memory_space<vmem>>
      %dma_start3A_176 = tpu.memref_squeeze %dma_start3A_175 : memref<1x64x128xf32, #tpu.memory_space<vmem>> -> memref<64x128xf32, #tpu.memory_space<vmem>>
      %dma_start3A_177 = arith.constant 0 : i32
      %dma_start3A_178 = tpu.memref_slice %arg9[%add3A_7, %dma_start3A_177] : memref<10240x128xf32, #tpu.memory_space<vmem_shared>> -> memref<64x128xf32, #tpu.memory_space<vmem_shared>>
      %dma_start3A_179 = arith.constant 0 : i32
      %dma_start3A_180 = tpu.memref_slice %arg9[%add3A_7, %dma_start3A_179] : memref<10240x128xf32, #tpu.memory_space<vmem_shared>> -> memref<64x128xf32, #tpu.memory_space<vmem_shared>>
      %dma_start3A_181 = arith.constant 0 : i32
      %dma_start3A_182 = arith.constant 0 : i32
      %dma_start3A_183 = tpu.memref_slice %arg8[%run_scoped3A, %dma_start3A_181, %dma_start3A_182] : memref<2x64x128xf32, #tpu.memory_space<vmem>> -> memref<1x64x128xf32, #tpu.memory_space<vmem>>
      %dma_start3A_184 = tpu.memref_squeeze %dma_start3A_183 : memref<1x64x128xf32, #tpu.memory_space<vmem>> -> memref<64x128xf32, #tpu.memory_space<vmem>>
      tpu.enqueue_dma source(%dma_start3A_184 : memref<64x128xf32, #tpu.memory_space<vmem>>) target(%dma_start3A_180 : memref<64x128xf32, #tpu.memory_space<vmem_shared>>) target_semaphore(%run_scoped3A_172 : memref<!tpu.dma_semaphore, #tpu.memory_space<semaphore_mem>>)
      %dma_wait3A = arith.constant 0 : i32
      %dma_wait3A_185 = arith.constant 0 : i32
      %dma_wait3A_186 = tpu.memref_slice %arg8[%run_scoped3A, %dma_wait3A, %dma_wait3A_185] : memref<2x64x128xf32, #tpu.memory_space<vmem>> -> memref<1x64x128xf32, #tpu.memory_space<vmem>>
      %dma_wait3A_187 = tpu.memref_squeeze %dma_wait3A_186 : memref<1x64x128xf32, #tpu.memory_space<vmem>> -> memref<64x128xf32, #tpu.memory_space<vmem>>
      %dma_wait3A_188 = arith.constant 0 : i32
      %dma_wait3A_189 = tpu.memref_slice %arg9[%add3A_7, %dma_wait3A_188] : memref<10240x128xf32, #tpu.memory_space<vmem_shared>> -> memref<64x128xf32, #tpu.memory_space<vmem_shared>>
      %dma_wait3A_190 = arith.constant 0 : i32
      %dma_wait3A_191 = tpu.memref_slice %arg9[%add3A_7, %dma_wait3A_190] : memref<10240x128xf32, #tpu.memory_space<vmem_shared>> -> memref<64x128xf32, #tpu.memory_space<vmem_shared>>
      %dma_wait3A_192 = arith.constant 0 : i32
      %dma_wait3A_193 = arith.constant 0 : i32
      %dma_wait3A_194 = tpu.memref_slice %arg8[%run_scoped3A, %dma_wait3A_192, %dma_wait3A_193] : memref<2x64x128xf32, #tpu.memory_space<vmem>> -> memref<1x64x128xf32, #tpu.memory_space<vmem>>
      %dma_wait3A_195 = tpu.memref_squeeze %dma_wait3A_194 : memref<1x64x128xf32, #tpu.memory_space<vmem>> -> memref<64x128xf32, #tpu.memory_space<vmem>>
      tpu.wait_dma2 semaphore(%run_scoped3A_172 : memref<!tpu.dma_semaphore, #tpu.memory_space<semaphore_mem>>) src(%dma_wait3A_195 : memref<64x128xf32, #tpu.memory_space<vmem>>) dst(%dma_wait3A_191 : memref<64x128xf32, #tpu.memory_space<vmem_shared>>)
      tpu.yield
    }) : () -> ()
    %mul3A_8 = arith.constant 640 : i32
    %mul3A_9 = arith.muli %arg1, %mul3A_8 : i32
    %add3A_10 = arith.constant 64 : i32
    %add3A_11 = arith.addi %mul3A_9, %add3A_10 : i32
    %run_scoped3A_12 = arith.constant 0 : i32
    "tpu.region"() ({
      %run_scoped3A_172 = tpu.sem_alloc : memref<!tpu.dma_semaphore, #tpu.memory_space<semaphore_mem>>
      %dma_start3A_173 = arith.constant 0 : i32
      %dma_start3A_174 = arith.constant 0 : i32
      %dma_start3A_175 = tpu.memref_slice %arg8[%run_scoped3A_12, %dma_start3A_173, %dma_start3A_174] : memref<2x64x128xf32, #tpu.memory_space<vmem>> -> memref<1x64x128xf32, #tpu.memory_space<vmem>>
      %dma_start3A_176 = tpu.memref_squeeze %dma_start3A_175 : memref<1x64x128xf32, #tpu.memory_space<vmem>> -> memref<64x128xf32, #tpu.memory_space<vmem>>
      %dma_start3A_177 = arith.constant 0 : i32
      %dma_start3A_178 = tpu.memref_slice %arg9[%add3A_11, %dma_start3A_177] : memref<10240x128xf32, #tpu.memory_space<vmem_shared>> -> memref<64x128xf32, #tpu.memory_space<vmem_shared>>
      %dma_start3A_179 = arith.constant 0 : i32
      %dma_start3A_180 = tpu.memref_slice %arg9[%add3A_11, %dma_start3A_179] : memref<10240x128xf32, #tpu.memory_space<vmem_shared>> -> memref<64x128xf32, #tpu.memory_space<vmem_shared>>
      %dma_start3A_181 = arith.constant 0 : i32
      %dma_start3A_182 = arith.constant 0 : i32
      %dma_start3A_183 = tpu.memref_slice %arg8[%run_scoped3A_12, %dma_start3A_181, %dma_start3A_182] : memref<2x64x128xf32, #tpu.memory_space<vmem>> -> memref<1x64x128xf32, #tpu.memory_space<vmem>>
      %dma_start3A_184 = tpu.memref_squeeze %dma_start3A_183 : memref<1x64x128xf32, #tpu.memory_space<vmem>> -> memref<64x128xf32, #tpu.memory_space<vmem>>
      tpu.enqueue_dma source(%dma_start3A_184 : memref<64x128xf32, #tpu.memory_space<vmem>>) target(%dma_start3A_180 : memref<64x128xf32, #tpu.memory_space<vmem_shared>>) target_semaphore(%run_scoped3A_172 : memref<!tpu.dma_semaphore, #tpu.memory_space<semaphore_mem>>)
      %dma_wait3A = arith.constant 0 : i32
      %dma_wait3A_185 = arith.constant 0 : i32
      %dma_wait3A_186 = tpu.memref_slice %arg8[%run_scoped3A_12, %dma_wait3A, %dma_wait3A_185] : memref<2x64x128xf32, #tpu.memory_space<vmem>> -> memref<1x64x128xf32, #tpu.memory_space<vmem>>
      %dma_wait3A_187 = tpu.memref_squeeze %dma_wait3A_186 : memref<1x64x128xf32, #tpu.memory_space<vmem>> -> memref<64x128xf32, #tpu.memory_space<vmem>>
      %dma_wait3A_188 = arith.constant 0 : i32
      %dma_wait3A_189 = tpu.memref_slice %arg9[%add3A_11, %dma_wait3A_188] : memref<10240x128xf32, #tpu.memory_space<vmem_shared>> -> memref<64x128xf32, #tpu.memory_space<vmem_shared>>
      %dma_wait3A_190 = arith.constant 0 : i32
      %dma_wait3A_191 = tpu.memref_slice %arg9[%add3A_11, %dma_wait3A_190] : memref<10240x128xf32, #tpu.memory_space<vmem_shared>> -> memref<64x128xf32, #tpu.memory_space<vmem_shared>>
      %dma_wait3A_192 = arith.constant 0 : i32
      %dma_wait3A_193 = arith.constant 0 : i32
      %dma_wait3A_194 = tpu.memref_slice %arg8[%run_scoped3A_12, %dma_wait3A_192, %dma_wait3A_193] : memref<2x64x128xf32, #tpu.memory_space<vmem>> -> memref<1x64x128xf32, #tpu.memory_space<vmem>>
      %dma_wait3A_195 = tpu.memref_squeeze %dma_wait3A_194 : memref<1x64x128xf32, #tpu.memory_space<vmem>> -> memref<64x128xf32, #tpu.memory_space<vmem>>
      tpu.wait_dma2 semaphore(%run_scoped3A_172 : memref<!tpu.dma_semaphore, #tpu.memory_space<semaphore_mem>>) src(%dma_wait3A_195 : memref<64x128xf32, #tpu.memory_space<vmem>>) dst(%dma_wait3A_191 : memref<64x128xf32, #tpu.memory_space<vmem_shared>>)
      tpu.yield
    }) : () -> ()
    %mul3A_13 = arith.constant 640 : i32
    %mul3A_14 = arith.muli %arg1, %mul3A_13 : i32
    %add3A_15 = arith.constant 128 : i32
    %add3A_16 = arith.addi %mul3A_14, %add3A_15 : i32
    %run_scoped3A_17 = arith.constant 0 : i32
    "tpu.region"() ({
      %run_scoped3A_172 = tpu.sem_alloc : memref<!tpu.dma_semaphore, #tpu.memory_space<semaphore_mem>>
      %dma_start3A_173 = arith.constant 0 : i32
      %dma_start3A_174 = arith.constant 0 : i32
      %dma_start3A_175 = tpu.memref_slice %arg8[%run_scoped3A_17, %dma_start3A_173, %dma_start3A_174] : memref<2x64x128xf32, #tpu.memory_space<vmem>> -> memref<1x64x128xf32, #tpu.memory_space<vmem>>
      %dma_start3A_176 = tpu.memref_squeeze %dma_start3A_175 : memref<1x64x128xf32, #tpu.memory_space<vmem>> -> memref<64x128xf32, #tpu.memory_space<vmem>>
      %dma_start3A_177 = arith.constant 0 : i32
      %dma_start3A_178 = tpu.memref_slice %arg9[%add3A_16, %dma_start3A_177] : memref<10240x128xf32, #tpu.memory_space<vmem_shared>> -> memref<64x128xf32, #tpu.memory_space<vmem_shared>>
      %dma_start3A_179 = arith.constant 0 : i32
      %dma_start3A_180 = tpu.memref_slice %arg9[%add3A_16, %dma_start3A_179] : memref<10240x128xf32, #tpu.memory_space<vmem_shared>> -> memref<64x128xf32, #tpu.memory_space<vmem_shared>>
      %dma_start3A_181 = arith.constant 0 : i32
      %dma_start3A_182 = arith.constant 0 : i32
      %dma_start3A_183 = tpu.memref_slice %arg8[%run_scoped3A_17, %dma_start3A_181, %dma_start3A_182] : memref<2x64x128xf32, #tpu.memory_space<vmem>> -> memref<1x64x128xf32, #tpu.memory_space<vmem>>
      %dma_start3A_184 = tpu.memref_squeeze %dma_start3A_183 : memref<1x64x128xf32, #tpu.memory_space<vmem>> -> memref<64x128xf32, #tpu.memory_space<vmem>>
      tpu.enqueue_dma source(%dma_start3A_184 : memref<64x128xf32, #tpu.memory_space<vmem>>) target(%dma_start3A_180 : memref<64x128xf32, #tpu.memory_space<vmem_shared>>) target_semaphore(%run_scoped3A_172 : memref<!tpu.dma_semaphore, #tpu.memory_space<semaphore_mem>>)
      %dma_wait3A = arith.constant 0 : i32
      %dma_wait3A_185 = arith.constant 0 : i32
      %dma_wait3A_186 = tpu.memref_slice %arg8[%run_scoped3A_17, %dma_wait3A, %dma_wait3A_185] : memref<2x64x128xf32, #tpu.memory_space<vmem>> -> memref<1x64x128xf32, #tpu.memory_space<vmem>>
      %dma_wait3A_187 = tpu.memref_squeeze %dma_wait3A_186 : memref<1x64x128xf32, #tpu.memory_space<vmem>> -> memref<64x128xf32, #tpu.memory_space<vmem>>
      %dma_wait3A_188 = arith.constant 0 : i32
      %dma_wait3A_189 = tpu.memref_slice %arg9[%add3A_16, %dma_wait3A_188] : memref<10240x128xf32, #tpu.memory_space<vmem_shared>> -> memref<64x128xf32, #tpu.memory_space<vmem_shared>>
      %dma_wait3A_190 = arith.constant 0 : i32
      %dma_wait3A_191 = tpu.memref_slice %arg9[%add3A_16, %dma_wait3A_190] : memref<10240x128xf32, #tpu.memory_space<vmem_shared>> -> memref<64x128xf32, #tpu.memory_space<vmem_shared>>
      %dma_wait3A_192 = arith.constant 0 : i32
      %dma_wait3A_193 = arith.constant 0 : i32
      %dma_wait3A_194 = tpu.memref_slice %arg8[%run_scoped3A_17, %dma_wait3A_192, %dma_wait3A_193] : memref<2x64x128xf32, #tpu.memory_space<vmem>> -> memref<1x64x128xf32, #tpu.memory_space<vmem>>
      %dma_wait3A_195 = tpu.memref_squeeze %dma_wait3A_194 : memref<1x64x128xf32, #tpu.memory_space<vmem>> -> memref<64x128xf32, #tpu.memory_space<vmem>>
      tpu.wait_dma2 semaphore(%run_scoped3A_172 : memref<!tpu.dma_semaphore, #tpu.memory_space<semaphore_mem>>) src(%dma_wait3A_195 : memref<64x128xf32, #tpu.memory_space<vmem>>) dst(%dma_wait3A_191 : memref<64x128xf32, #tpu.memory_space<vmem_shared>>)
      tpu.yield
    }) : () -> ()
    %mul3A_18 = arith.constant 640 : i32
    %mul3A_19 = arith.muli %arg1, %mul3A_18 : i32
    %add3A_20 = arith.constant 192 : i32
    %add3A_21 = arith.addi %mul3A_19, %add3A_20 : i32
    %run_scoped3A_22 = arith.constant 0 : i32
    "tpu.region"() ({
      %run_scoped3A_172 = tpu.sem_alloc : memref<!tpu.dma_semaphore, #tpu.memory_space<semaphore_mem>>
      %dma_start3A_173 = arith.constant 0 : i32
      %dma_start3A_174 = arith.constant 0 : i32
      %dma_start3A_175 = tpu.memref_slice %arg8[%run_scoped3A_22, %dma_start3A_173, %dma_start3A_174] : memref<2x64x128xf32, #tpu.memory_space<vmem>> -> memref<1x64x128xf32, #tpu.memory_space<vmem>>
      %dma_start3A_176 = tpu.memref_squeeze %dma_start3A_175 : memref<1x64x128xf32, #tpu.memory_space<vmem>> -> memref<64x128xf32, #tpu.memory_space<vmem>>
      %dma_start3A_177 = arith.constant 0 : i32
      %dma_start3A_178 = tpu.memref_slice %arg9[%add3A_21, %dma_start3A_177] : memref<10240x128xf32, #tpu.memory_space<vmem_shared>> -> memref<64x128xf32, #tpu.memory_space<vmem_shared>>
      %dma_start3A_179 = arith.constant 0 : i32
      %dma_start3A_180 = tpu.memref_slice %arg9[%add3A_21, %dma_start3A_179] : memref<10240x128xf32, #tpu.memory_space<vmem_shared>> -> memref<64x128xf32, #tpu.memory_space<vmem_shared>>
      %dma_start3A_181 = arith.constant 0 : i32
      %dma_start3A_182 = arith.constant 0 : i32
      %dma_start3A_183 = tpu.memref_slice %arg8[%run_scoped3A_22, %dma_start3A_181, %dma_start3A_182] : memref<2x64x128xf32, #tpu.memory_space<vmem>> -> memref<1x64x128xf32, #tpu.memory_space<vmem>>
      %dma_start3A_184 = tpu.memref_squeeze %dma_start3A_183 : memref<1x64x128xf32, #tpu.memory_space<vmem>> -> memref<64x128xf32, #tpu.memory_space<vmem>>
      tpu.enqueue_dma source(%dma_start3A_184 : memref<64x128xf32, #tpu.memory_space<vmem>>) target(%dma_start3A_180 : memref<64x128xf32, #tpu.memory_space<vmem_shared>>) target_semaphore(%run_scoped3A_172 : memref<!tpu.dma_semaphore, #tpu.memory_space<semaphore_mem>>)
      %dma_wait3A = arith.constant 0 : i32
      %dma_wait3A_185 = arith.constant 0 : i32
      %dma_wait3A_186 = tpu.memref_slice %arg8[%run_scoped3A_22, %dma_wait3A, %dma_wait3A_185] : memref<2x64x128xf32, #tpu.memory_space<vmem>> -> memref<1x64x128xf32, #tpu.memory_space<vmem>>
      %dma_wait3A_187 = tpu.memref_squeeze %dma_wait3A_186 : memref<1x64x128xf32, #tpu.memory_space<vmem>> -> memref<64x128xf32, #tpu.memory_space<vmem>>
      %dma_wait3A_188 = arith.constant 0 : i32
      %dma_wait3A_189 = tpu.memref_slice %arg9[%add3A_21, %dma_wait3A_188] : memref<10240x128xf32, #tpu.memory_space<vmem_shared>> -> memref<64x128xf32, #tpu.memory_space<vmem_shared>>
      %dma_wait3A_190 = arith.constant 0 : i32
      %dma_wait3A_191 = tpu.memref_slice %arg9[%add3A_21, %dma_wait3A_190] : memref<10240x128xf32, #tpu.memory_space<vmem_shared>> -> memref<64x128xf32, #tpu.memory_space<vmem_shared>>
      %dma_wait3A_192 = arith.constant 0 : i32
      %dma_wait3A_193 = arith.constant 0 : i32
      %dma_wait3A_194 = tpu.memref_slice %arg8[%run_scoped3A_22, %dma_wait3A_192, %dma_wait3A_193] : memref<2x64x128xf32, #tpu.memory_space<vmem>> -> memref<1x64x128xf32, #tpu.memory_space<vmem>>
      %dma_wait3A_195 = tpu.memref_squeeze %dma_wait3A_194 : memref<1x64x128xf32, #tpu.memory_space<vmem>> -> memref<64x128xf32, #tpu.memory_space<vmem>>
      tpu.wait_dma2 semaphore(%run_scoped3A_172 : memref<!tpu.dma_semaphore, #tpu.memory_space<semaphore_mem>>) src(%dma_wait3A_195 : memref<64x128xf32, #tpu.memory_space<vmem>>) dst(%dma_wait3A_191 : memref<64x128xf32, #tpu.memory_space<vmem_shared>>)
      tpu.yield
    }) : () -> ()
    %mul3A_23 = arith.constant 640 : i32
    %mul3A_24 = arith.muli %arg1, %mul3A_23 : i32
    %add3A_25 = arith.constant 256 : i32
    %add3A_26 = arith.addi %mul3A_24, %add3A_25 : i32
    %run_scoped3A_27 = arith.constant 0 : i32
    "tpu.region"() ({
      %run_scoped3A_172 = tpu.sem_alloc : memref<!tpu.dma_semaphore, #tpu.memory_space<semaphore_mem>>
      %dma_start3A_173 = arith.constant 0 : i32
      %dma_start3A_174 = arith.constant 0 : i32
      %dma_start3A_175 = tpu.memref_slice %arg8[%run_scoped3A_27, %dma_start3A_173, %dma_start3A_174] : memref<2x64x128xf32, #tpu.memory_space<vmem>> -> memref<1x64x128xf32, #tpu.memory_space<vmem>>
      %dma_start3A_176 = tpu.memref_squeeze %dma_start3A_175 : memref<1x64x128xf32, #tpu.memory_space<vmem>> -> memref<64x128xf32, #tpu.memory_space<vmem>>
      %dma_start3A_177 = arith.constant 0 : i32
      %dma_start3A_178 = tpu.memref_slice %arg9[%add3A_26, %dma_start3A_177] : memref<10240x128xf32, #tpu.memory_space<vmem_shared>> -> memref<64x128xf32, #tpu.memory_space<vmem_shared>>
      %dma_start3A_179 = arith.constant 0 : i32
      %dma_start3A_180 = tpu.memref_slice %arg9[%add3A_26, %dma_start3A_179] : memref<10240x128xf32, #tpu.memory_space<vmem_shared>> -> memref<64x128xf32, #tpu.memory_space<vmem_shared>>
      %dma_start3A_181 = arith.constant 0 : i32
      %dma_start3A_182 = arith.constant 0 : i32
      %dma_start3A_183 = tpu.memref_slice %arg8[%run_scoped3A_27, %dma_start3A_181, %dma_start3A_182] : memref<2x64x128xf32, #tpu.memory_space<vmem>> -> memref<1x64x128xf32, #tpu.memory_space<vmem>>
      %dma_start3A_184 = tpu.memref_squeeze %dma_start3A_183 : memref<1x64x128xf32, #tpu.memory_space<vmem>> -> memref<64x128xf32, #tpu.memory_space<vmem>>
      tpu.enqueue_dma source(%dma_start3A_184 : memref<64x128xf32, #tpu.memory_space<vmem>>) target(%dma_start3A_180 : memref<64x128xf32, #tpu.memory_space<vmem_shared>>) target_semaphore(%run_scoped3A_172 : memref<!tpu.dma_semaphore, #tpu.memory_space<semaphore_mem>>)
      %dma_wait3A = arith.constant 0 : i32
      %dma_wait3A_185 = arith.constant 0 : i32
      %dma_wait3A_186 = tpu.memref_slice %arg8[%run_scoped3A_27, %dma_wait3A, %dma_wait3A_185] : memref<2x64x128xf32, #tpu.memory_space<vmem>> -> memref<1x64x128xf32, #tpu.memory_space<vmem>>
      %dma_wait3A_187 = tpu.memref_squeeze %dma_wait3A_186 : memref<1x64x128xf32, #tpu.memory_space<vmem>> -> memref<64x128xf32, #tpu.memory_space<vmem>>
      %dma_wait3A_188 = arith.constant 0 : i32
      %dma_wait3A_189 = tpu.memref_slice %arg9[%add3A_26, %dma_wait3A_188] : memref<10240x128xf32, #tpu.memory_space<vmem_shared>> -> memref<64x128xf32, #tpu.memory_space<vmem_shared>>
      %dma_wait3A_190 = arith.constant 0 : i32
      %dma_wait3A_191 = tpu.memref_slice %arg9[%add3A_26, %dma_wait3A_190] : memref<10240x128xf32, #tpu.memory_space<vmem_shared>> -> memref<64x128xf32, #tpu.memory_space<vmem_shared>>
      %dma_wait3A_192 = arith.constant 0 : i32
      %dma_wait3A_193 = arith.constant 0 : i32
      %dma_wait3A_194 = tpu.memref_slice %arg8[%run_scoped3A_27, %dma_wait3A_192, %dma_wait3A_193] : memref<2x64x128xf32, #tpu.memory_space<vmem>> -> memref<1x64x128xf32, #tpu.memory_space<vmem>>
      %dma_wait3A_195 = tpu.memref_squeeze %dma_wait3A_194 : memref<1x64x128xf32, #tpu.memory_space<vmem>> -> memref<64x128xf32, #tpu.memory_space<vmem>>
      tpu.wait_dma2 semaphore(%run_scoped3A_172 : memref<!tpu.dma_semaphore, #tpu.memory_space<semaphore_mem>>) src(%dma_wait3A_195 : memref<64x128xf32, #tpu.memory_space<vmem>>) dst(%dma_wait3A_191 : memref<64x128xf32, #tpu.memory_space<vmem_shared>>)
      tpu.yield
    }) : () -> ()
    %mul3A_28 = arith.constant 640 : i32
    %mul3A_29 = arith.muli %arg1, %mul3A_28 : i32
    %add3A_30 = arith.constant 320 : i32
    %add3A_31 = arith.addi %mul3A_29, %add3A_30 : i32
    %run_scoped3A_32 = arith.constant 0 : i32
    "tpu.region"() ({
      %run_scoped3A_172 = tpu.sem_alloc : memref<!tpu.dma_semaphore, #tpu.memory_space<semaphore_mem>>
      %dma_start3A_173 = arith.constant 0 : i32
      %dma_start3A_174 = arith.constant 0 : i32
      %dma_start3A_175 = tpu.memref_slice %arg8[%run_scoped3A_32, %dma_start3A_173, %dma_start3A_174] : memref<2x64x128xf32, #tpu.memory_space<vmem>> -> memref<1x64x128xf32, #tpu.memory_space<vmem>>
      %dma_start3A_176 = tpu.memref_squeeze %dma_start3A_175 : memref<1x64x128xf32, #tpu.memory_space<vmem>> -> memref<64x128xf32, #tpu.memory_space<vmem>>
      %dma_start3A_177 = arith.constant 0 : i32
      %dma_start3A_178 = tpu.memref_slice %arg9[%add3A_31, %dma_start3A_177] : memref<10240x128xf32, #tpu.memory_space<vmem_shared>> -> memref<64x128xf32, #tpu.memory_space<vmem_shared>>
      %dma_start3A_179 = arith.constant 0 : i32
      %dma_start3A_180 = tpu.memref_slice %arg9[%add3A_31, %dma_start3A_179] : memref<10240x128xf32, #tpu.memory_space<vmem_shared>> -> memref<64x128xf32, #tpu.memory_space<vmem_shared>>
      %dma_start3A_181 = arith.constant 0 : i32
      %dma_start3A_182 = arith.constant 0 : i32
      %dma_start3A_183 = tpu.memref_slice %arg8[%run_scoped3A_32, %dma_start3A_181, %dma_start3A_182] : memref<2x64x128xf32, #tpu.memory_space<vmem>> -> memref<1x64x128xf32, #tpu.memory_space<vmem>>
      %dma_start3A_184 = tpu.memref_squeeze %dma_start3A_183 : memref<1x64x128xf32, #tpu.memory_space<vmem>> -> memref<64x128xf32, #tpu.memory_space<vmem>>
      tpu.enqueue_dma source(%dma_start3A_184 : memref<64x128xf32, #tpu.memory_space<vmem>>) target(%dma_start3A_180 : memref<64x128xf32, #tpu.memory_space<vmem_shared>>) target_semaphore(%run_scoped3A_172 : memref<!tpu.dma_semaphore, #tpu.memory_space<semaphore_mem>>)
      %dma_wait3A = arith.constant 0 : i32
      %dma_wait3A_185 = arith.constant 0 : i32
      %dma_wait3A_186 = tpu.memref_slice %arg8[%run_scoped3A_32, %dma_wait3A, %dma_wait3A_185] : memref<2x64x128xf32, #tpu.memory_space<vmem>> -> memref<1x64x128xf32, #tpu.memory_space<vmem>>
      %dma_wait3A_187 = tpu.memref_squeeze %dma_wait3A_186 : memref<1x64x128xf32, #tpu.memory_space<vmem>> -> memref<64x128xf32, #tpu.memory_space<vmem>>
      %dma_wait3A_188 = arith.constant 0 : i32
      %dma_wait3A_189 = tpu.memref_slice %arg9[%add3A_31, %dma_wait3A_188] : memref<10240x128xf32, #tpu.memory_space<vmem_shared>> -> memref<64x128xf32, #tpu.memory_space<vmem_shared>>
      %dma_wait3A_190 = arith.constant 0 : i32
      %dma_wait3A_191 = tpu.memref_slice %arg9[%add3A_31, %dma_wait3A_190] : memref<10240x128xf32, #tpu.memory_space<vmem_shared>> -> memref<64x128xf32, #tpu.memory_space<vmem_shared>>
      %dma_wait3A_192 = arith.constant 0 : i32
      %dma_wait3A_193 = arith.constant 0 : i32
      %dma_wait3A_194 = tpu.memref_slice %arg8[%run_scoped3A_32, %dma_wait3A_192, %dma_wait3A_193] : memref<2x64x128xf32, #tpu.memory_space<vmem>> -> memref<1x64x128xf32, #tpu.memory_space<vmem>>
      %dma_wait3A_195 = tpu.memref_squeeze %dma_wait3A_194 : memref<1x64x128xf32, #tpu.memory_space<vmem>> -> memref<64x128xf32, #tpu.memory_space<vmem>>
      tpu.wait_dma2 semaphore(%run_scoped3A_172 : memref<!tpu.dma_semaphore, #tpu.memory_space<semaphore_mem>>) src(%dma_wait3A_195 : memref<64x128xf32, #tpu.memory_space<vmem>>) dst(%dma_wait3A_191 : memref<64x128xf32, #tpu.memory_space<vmem_shared>>)
      tpu.yield
    }) : () -> ()
    %mul3A_33 = arith.constant 640 : i32
    %mul3A_34 = arith.muli %arg1, %mul3A_33 : i32
    %add3A_35 = arith.constant 384 : i32
    %add3A_36 = arith.addi %mul3A_34, %add3A_35 : i32
    %run_scoped3A_37 = arith.constant 0 : i32
    "tpu.region"() ({
      %run_scoped3A_172 = tpu.sem_alloc : memref<!tpu.dma_semaphore, #tpu.memory_space<semaphore_mem>>
      %dma_start3A_173 = arith.constant 0 : i32
      %dma_start3A_174 = arith.constant 0 : i32
      %dma_start3A_175 = tpu.memref_slice %arg8[%run_scoped3A_37, %dma_start3A_173, %dma_start3A_174] : memref<2x64x128xf32, #tpu.memory_space<vmem>> -> memref<1x64x128xf32, #tpu.memory_space<vmem>>
      %dma_start3A_176 = tpu.memref_squeeze %dma_start3A_175 : memref<1x64x128xf32, #tpu.memory_space<vmem>> -> memref<64x128xf32, #tpu.memory_space<vmem>>
      %dma_start3A_177 = arith.constant 0 : i32
      %dma_start3A_178 = tpu.memref_slice %arg9[%add3A_36, %dma_start3A_177] : memref<10240x128xf32, #tpu.memory_space<vmem_shared>> -> memref<64x128xf32, #tpu.memory_space<vmem_shared>>
      %dma_start3A_179 = arith.constant 0 : i32
      %dma_start3A_180 = tpu.memref_slice %arg9[%add3A_36, %dma_start3A_179] : memref<10240x128xf32, #tpu.memory_space<vmem_shared>> -> memref<64x128xf32, #tpu.memory_space<vmem_shared>>
      %dma_start3A_181 = arith.constant 0 : i32
      %dma_start3A_182 = arith.constant 0 : i32
      %dma_start3A_183 = tpu.memref_slice %arg8[%run_scoped3A_37, %dma_start3A_181, %dma_start3A_182] : memref<2x64x128xf32, #tpu.memory_space<vmem>> -> memref<1x64x128xf32, #tpu.memory_space<vmem>>
      %dma_start3A_184 = tpu.memref_squeeze %dma_start3A_183 : memref<1x64x128xf32, #tpu.memory_space<vmem>> -> memref<64x128xf32, #tpu.memory_space<vmem>>
      tpu.enqueue_dma source(%dma_start3A_184 : memref<64x128xf32, #tpu.memory_space<vmem>>) target(%dma_start3A_180 : memref<64x128xf32, #tpu.memory_space<vmem_shared>>) target_semaphore(%run_scoped3A_172 : memref<!tpu.dma_semaphore, #tpu.memory_space<semaphore_mem>>)
      %dma_wait3A = arith.constant 0 : i32
      %dma_wait3A_185 = arith.constant 0 : i32
      %dma_wait3A_186 = tpu.memref_slice %arg8[%run_scoped3A_37, %dma_wait3A, %dma_wait3A_185] : memref<2x64x128xf32, #tpu.memory_space<vmem>> -> memref<1x64x128xf32, #tpu.memory_space<vmem>>
      %dma_wait3A_187 = tpu.memref_squeeze %dma_wait3A_186 : memref<1x64x128xf32, #tpu.memory_space<vmem>> -> memref<64x128xf32, #tpu.memory_space<vmem>>
      %dma_wait3A_188 = arith.constant 0 : i32
      %dma_wait3A_189 = tpu.memref_slice %arg9[%add3A_36, %dma_wait3A_188] : memref<10240x128xf32, #tpu.memory_space<vmem_shared>> -> memref<64x128xf32, #tpu.memory_space<vmem_shared>>
      %dma_wait3A_190 = arith.constant 0 : i32
      %dma_wait3A_191 = tpu.memref_slice %arg9[%add3A_36, %dma_wait3A_190] : memref<10240x128xf32, #tpu.memory_space<vmem_shared>> -> memref<64x128xf32, #tpu.memory_space<vmem_shared>>
      %dma_wait3A_192 = arith.constant 0 : i32
      %dma_wait3A_193 = arith.constant 0 : i32
      %dma_wait3A_194 = tpu.memref_slice %arg8[%run_scoped3A_37, %dma_wait3A_192, %dma_wait3A_193] : memref<2x64x128xf32, #tpu.memory_space<vmem>> -> memref<1x64x128xf32, #tpu.memory_space<vmem>>
      %dma_wait3A_195 = tpu.memref_squeeze %dma_wait3A_194 : memref<1x64x128xf32, #tpu.memory_space<vmem>> -> memref<64x128xf32, #tpu.memory_space<vmem>>
      tpu.wait_dma2 semaphore(%run_scoped3A_172 : memref<!tpu.dma_semaphore, #tpu.memory_space<semaphore_mem>>) src(%dma_wait3A_195 : memref<64x128xf32, #tpu.memory_space<vmem>>) dst(%dma_wait3A_191 : memref<64x128xf32, #tpu.memory_space<vmem_shared>>)
      tpu.yield
    }) : () -> ()
    %mul3A_38 = arith.constant 640 : i32
    %mul3A_39 = arith.muli %arg1, %mul3A_38 : i32
    %add3A_40 = arith.constant 448 : i32
    %add3A_41 = arith.addi %mul3A_39, %add3A_40 : i32
    %run_scoped3A_42 = arith.constant 0 : i32
    "tpu.region"() ({
      %run_scoped3A_172 = tpu.sem_alloc : memref<!tpu.dma_semaphore, #tpu.memory_space<semaphore_mem>>
      %dma_start3A_173 = arith.constant 0 : i32
      %dma_start3A_174 = arith.constant 0 : i32
      %dma_start3A_175 = tpu.memref_slice %arg8[%run_scoped3A_42, %dma_start3A_173, %dma_start3A_174] : memref<2x64x128xf32, #tpu.memory_space<vmem>> -> memref<1x64x128xf32, #tpu.memory_space<vmem>>
      %dma_start3A_176 = tpu.memref_squeeze %dma_start3A_175 : memref<1x64x128xf32, #tpu.memory_space<vmem>> -> memref<64x128xf32, #tpu.memory_space<vmem>>
      %dma_start3A_177 = arith.constant 0 : i32
      %dma_start3A_178 = tpu.memref_slice %arg9[%add3A_41, %dma_start3A_177] : memref<10240x128xf32, #tpu.memory_space<vmem_shared>> -> memref<64x128xf32, #tpu.memory_space<vmem_shared>>
      %dma_start3A_179 = arith.constant 0 : i32
      %dma_start3A_180 = tpu.memref_slice %arg9[%add3A_41, %dma_start3A_179] : memref<10240x128xf32, #tpu.memory_space<vmem_shared>> -> memref<64x128xf32, #tpu.memory_space<vmem_shared>>
      %dma_start3A_181 = arith.constant 0 : i32
      %dma_start3A_182 = arith.constant 0 : i32
      %dma_start3A_183 = tpu.memref_slice %arg8[%run_scoped3A_42, %dma_start3A_181, %dma_start3A_182] : memref<2x64x128xf32, #tpu.memory_space<vmem>> -> memref<1x64x128xf32, #tpu.memory_space<vmem>>
      %dma_start3A_184 = tpu.memref_squeeze %dma_start3A_183 : memref<1x64x128xf32, #tpu.memory_space<vmem>> -> memref<64x128xf32, #tpu.memory_space<vmem>>
      tpu.enqueue_dma source(%dma_start3A_184 : memref<64x128xf32, #tpu.memory_space<vmem>>) target(%dma_start3A_180 : memref<64x128xf32, #tpu.memory_space<vmem_shared>>) target_semaphore(%run_scoped3A_172 : memref<!tpu.dma_semaphore, #tpu.memory_space<semaphore_mem>>)
      %dma_wait3A = arith.constant 0 : i32
      %dma_wait3A_185 = arith.constant 0 : i32
      %dma_wait3A_186 = tpu.memref_slice %arg8[%run_scoped3A_42, %dma_wait3A, %dma_wait3A_185] : memref<2x64x128xf32, #tpu.memory_space<vmem>> -> memref<1x64x128xf32, #tpu.memory_space<vmem>>
      %dma_wait3A_187 = tpu.memref_squeeze %dma_wait3A_186 : memref<1x64x128xf32, #tpu.memory_space<vmem>> -> memref<64x128xf32, #tpu.memory_space<vmem>>
      %dma_wait3A_188 = arith.constant 0 : i32
      %dma_wait3A_189 = tpu.memref_slice %arg9[%add3A_41, %dma_wait3A_188] : memref<10240x128xf32, #tpu.memory_space<vmem_shared>> -> memref<64x128xf32, #tpu.memory_space<vmem_shared>>
      %dma_wait3A_190 = arith.constant 0 : i32
      %dma_wait3A_191 = tpu.memref_slice %arg9[%add3A_41, %dma_wait3A_190] : memref<10240x128xf32, #tpu.memory_space<vmem_shared>> -> memref<64x128xf32, #tpu.memory_space<vmem_shared>>
      %dma_wait3A_192 = arith.constant 0 : i32
      %dma_wait3A_193 = arith.constant 0 : i32
      %dma_wait3A_194 = tpu.memref_slice %arg8[%run_scoped3A_42, %dma_wait3A_192, %dma_wait3A_193] : memref<2x64x128xf32, #tpu.memory_space<vmem>> -> memref<1x64x128xf32, #tpu.memory_space<vmem>>
      %dma_wait3A_195 = tpu.memref_squeeze %dma_wait3A_194 : memref<1x64x128xf32, #tpu.memory_space<vmem>> -> memref<64x128xf32, #tpu.memory_space<vmem>>
      tpu.wait_dma2 semaphore(%run_scoped3A_172 : memref<!tpu.dma_semaphore, #tpu.memory_space<semaphore_mem>>) src(%dma_wait3A_195 : memref<64x128xf32, #tpu.memory_space<vmem>>) dst(%dma_wait3A_191 : memref<64x128xf32, #tpu.memory_space<vmem_shared>>)
      tpu.yield
    }) : () -> ()
    %mul3A_43 = arith.constant 640 : i32
    %mul3A_44 = arith.muli %arg1, %mul3A_43 : i32
    %add3A_45 = arith.constant 512 : i32
    %add3A_46 = arith.addi %mul3A_44, %add3A_45 : i32
    %run_scoped3A_47 = arith.constant 0 : i32
    "tpu.region"() ({
      %run_scoped3A_172 = tpu.sem_alloc : memref<!tpu.dma_semaphore, #tpu.memory_space<semaphore_mem>>
      %dma_start3A_173 = arith.constant 0 : i32
      %dma_start3A_174 = arith.constant 0 : i32
      %dma_start3A_175 = tpu.memref_slice %arg8[%run_scoped3A_47, %dma_start3A_173, %dma_start3A_174] : memref<2x64x128xf32, #tpu.memory_space<vmem>> -> memref<1x64x128xf32, #tpu.memory_space<vmem>>
      %dma_start3A_176 = tpu.memref_squeeze %dma_start3A_175 : memref<1x64x128xf32, #tpu.memory_space<vmem>> -> memref<64x128xf32, #tpu.memory_space<vmem>>
      %dma_start3A_177 = arith.constant 0 : i32
      %dma_start3A_178 = tpu.memref_slice %arg9[%add3A_46, %dma_start3A_177] : memref<10240x128xf32, #tpu.memory_space<vmem_shared>> -> memref<64x128xf32, #tpu.memory_space<vmem_shared>>
      %dma_start3A_179 = arith.constant 0 : i32
      %dma_start3A_180 = tpu.memref_slice %arg9[%add3A_46, %dma_start3A_179] : memref<10240x128xf32, #tpu.memory_space<vmem_shared>> -> memref<64x128xf32, #tpu.memory_space<vmem_shared>>
      %dma_start3A_181 = arith.constant 0 : i32
      %dma_start3A_182 = arith.constant 0 : i32
      %dma_start3A_183 = tpu.memref_slice %arg8[%run_scoped3A_47, %dma_start3A_181, %dma_start3A_182] : memref<2x64x128xf32, #tpu.memory_space<vmem>> -> memref<1x64x128xf32, #tpu.memory_space<vmem>>
      %dma_start3A_184 = tpu.memref_squeeze %dma_start3A_183 : memref<1x64x128xf32, #tpu.memory_space<vmem>> -> memref<64x128xf32, #tpu.memory_space<vmem>>
      tpu.enqueue_dma source(%dma_start3A_184 : memref<64x128xf32, #tpu.memory_space<vmem>>) target(%dma_start3A_180 : memref<64x128xf32, #tpu.memory_space<vmem_shared>>) target_semaphore(%run_scoped3A_172 : memref<!tpu.dma_semaphore, #tpu.memory_space<semaphore_mem>>)
      %dma_wait3A = arith.constant 0 : i32
      %dma_wait3A_185 = arith.constant 0 : i32
      %dma_wait3A_186 = tpu.memref_slice %arg8[%run_scoped3A_47, %dma_wait3A, %dma_wait3A_185] : memref<2x64x128xf32, #tpu.memory_space<vmem>> -> memref<1x64x128xf32, #tpu.memory_space<vmem>>
      %dma_wait3A_187 = tpu.memref_squeeze %dma_wait3A_186 : memref<1x64x128xf32, #tpu.memory_space<vmem>> -> memref<64x128xf32, #tpu.memory_space<vmem>>
      %dma_wait3A_188 = arith.constant 0 : i32
      %dma_wait3A_189 = tpu.memref_slice %arg9[%add3A_46, %dma_wait3A_188] : memref<10240x128xf32, #tpu.memory_space<vmem_shared>> -> memref<64x128xf32, #tpu.memory_space<vmem_shared>>
      %dma_wait3A_190 = arith.constant 0 : i32
      %dma_wait3A_191 = tpu.memref_slice %arg9[%add3A_46, %dma_wait3A_190] : memref<10240x128xf32, #tpu.memory_space<vmem_shared>> -> memref<64x128xf32, #tpu.memory_space<vmem_shared>>
      %dma_wait3A_192 = arith.constant 0 : i32
      %dma_wait3A_193 = arith.constant 0 : i32
      %dma_wait3A_194 = tpu.memref_slice %arg8[%run_scoped3A_47, %dma_wait3A_192, %dma_wait3A_193] : memref<2x64x128xf32, #tpu.memory_space<vmem>> -> memref<1x64x128xf32, #tpu.memory_space<vmem>>
      %dma_wait3A_195 = tpu.memref_squeeze %dma_wait3A_194 : memref<1x64x128xf32, #tpu.memory_space<vmem>> -> memref<64x128xf32, #tpu.memory_space<vmem>>
      tpu.wait_dma2 semaphore(%run_scoped3A_172 : memref<!tpu.dma_semaphore, #tpu.memory_space<semaphore_mem>>) src(%dma_wait3A_195 : memref<64x128xf32, #tpu.memory_space<vmem>>) dst(%dma_wait3A_191 : memref<64x128xf32, #tpu.memory_space<vmem_shared>>)
      tpu.yield
    }) : () -> ()
    %mul3A_48 = arith.constant 640 : i32
    %mul3A_49 = arith.muli %arg1, %mul3A_48 : i32
    %add3A_50 = arith.constant 576 : i32
    %add3A_51 = arith.addi %mul3A_49, %add3A_50 : i32
    %run_scoped3A_52 = arith.constant 0 : i32
    "tpu.region"() ({
      %run_scoped3A_172 = tpu.sem_alloc : memref<!tpu.dma_semaphore, #tpu.memory_space<semaphore_mem>>
      %dma_start3A_173 = arith.constant 0 : i32
      %dma_start3A_174 = arith.constant 0 : i32
      %dma_start3A_175 = tpu.memref_slice %arg8[%run_scoped3A_52, %dma_start3A_173, %dma_start3A_174] : memref<2x64x128xf32, #tpu.memory_space<vmem>> -> memref<1x64x128xf32, #tpu.memory_space<vmem>>
      %dma_start3A_176 = tpu.memref_squeeze %dma_start3A_175 : memref<1x64x128xf32, #tpu.memory_space<vmem>> -> memref<64x128xf32, #tpu.memory_space<vmem>>
      %dma_start3A_177 = arith.constant 0 : i32
      %dma_start3A_178 = tpu.memref_slice %arg9[%add3A_51, %dma_start3A_177] : memref<10240x128xf32, #tpu.memory_space<vmem_shared>> -> memref<64x128xf32, #tpu.memory_space<vmem_shared>>
      %dma_start3A_179 = arith.constant 0 : i32
      %dma_start3A_180 = tpu.memref_slice %arg9[%add3A_51, %dma_start3A_179] : memref<10240x128xf32, #tpu.memory_space<vmem_shared>> -> memref<64x128xf32, #tpu.memory_space<vmem_shared>>
      %dma_start3A_181 = arith.constant 0 : i32
      %dma_start3A_182 = arith.constant 0 : i32
      %dma_start3A_183 = tpu.memref_slice %arg8[%run_scoped3A_52, %dma_start3A_181, %dma_start3A_182] : memref<2x64x128xf32, #tpu.memory_space<vmem>> -> memref<1x64x128xf32, #tpu.memory_space<vmem>>
      %dma_start3A_184 = tpu.memref_squeeze %dma_start3A_183 : memref<1x64x128xf32, #tpu.memory_space<vmem>> -> memref<64x128xf32, #tpu.memory_space<vmem>>
      tpu.enqueue_dma source(%dma_start3A_184 : memref<64x128xf32, #tpu.memory_space<vmem>>) target(%dma_start3A_180 : memref<64x128xf32, #tpu.memory_space<vmem_shared>>) target_semaphore(%run_scoped3A_172 : memref<!tpu.dma_semaphore, #tpu.memory_space<semaphore_mem>>)
      %dma_wait3A = arith.constant 0 : i32
      %dma_wait3A_185 = arith.constant 0 : i32
      %dma_wait3A_186 = tpu.memref_slice %arg8[%run_scoped3A_52, %dma_wait3A, %dma_wait3A_185] : memref<2x64x128xf32, #tpu.memory_space<vmem>> -> memref<1x64x128xf32, #tpu.memory_space<vmem>>
      %dma_wait3A_187 = tpu.memref_squeeze %dma_wait3A_186 : memref<1x64x128xf32, #tpu.memory_space<vmem>> -> memref<64x128xf32, #tpu.memory_space<vmem>>
      %dma_wait3A_188 = arith.constant 0 : i32
      %dma_wait3A_189 = tpu.memref_slice %arg9[%add3A_51, %dma_wait3A_188] : memref<10240x128xf32, #tpu.memory_space<vmem_shared>> -> memref<64x128xf32, #tpu.memory_space<vmem_shared>>
      %dma_wait3A_190 = arith.constant 0 : i32
      %dma_wait3A_191 = tpu.memref_slice %arg9[%add3A_51, %dma_wait3A_190] : memref<10240x128xf32, #tpu.memory_space<vmem_shared>> -> memref<64x128xf32, #tpu.memory_space<vmem_shared>>
      %dma_wait3A_192 = arith.constant 0 : i32
      %dma_wait3A_193 = arith.constant 0 : i32
      %dma_wait3A_194 = tpu.memref_slice %arg8[%run_scoped3A_52, %dma_wait3A_192, %dma_wait3A_193] : memref<2x64x128xf32, #tpu.memory_space<vmem>> -> memref<1x64x128xf32, #tpu.memory_space<vmem>>
      %dma_wait3A_195 = tpu.memref_squeeze %dma_wait3A_194 : memref<1x64x128xf32, #tpu.memory_space<vmem>> -> memref<64x128xf32, #tpu.memory_space<vmem>>
      tpu.wait_dma2 semaphore(%run_scoped3A_172 : memref<!tpu.dma_semaphore, #tpu.memory_space<semaphore_mem>>) src(%dma_wait3A_195 : memref<64x128xf32, #tpu.memory_space<vmem>>) dst(%dma_wait3A_191 : memref<64x128xf32, #tpu.memory_space<vmem_shared>>)
      tpu.yield
    }) : () -> ()
    %barrier3A = arith.constant 0 : index
    tpu.barrier barrier_id(%barrier3A)
    %mul3A_53 = arith.constant 2 : i32
    %mul3A_54 = arith.muli %arg1, %mul3A_53 : i32
    %add3A_55 = arith.addi %mul3A_54, %arg0 : i32
    "tpu.region"() ({
      %run_scoped3A_172 = tpu.sem_alloc : memref<!tpu.dma_semaphore, #tpu.memory_space<semaphore_mem>>
      %dma_start3A_173 = arith.constant 0 : i32
      %dma_start3A_174 = arith.constant 0 : i32
      %dma_start3A_175 = tpu.memref_slice %arg3[%add3A_55, %dma_start3A_173, %dma_start3A_174] : memref<32x160x64xi32, #tpu.memory_space<hbm>> -> memref<1x160x64xi32, #tpu.memory_space<hbm>>
      %dma_start3A_176 = tpu.memref_squeeze %dma_start3A_175 : memref<1x160x64xi32, #tpu.memory_space<hbm>> -> memref<160x64xi32, #tpu.memory_space<hbm>>
      %dma_start3A_177 = arith.constant 0 : i32
      %dma_start3A_178 = arith.constant 0 : i32
      %dma_start3A_179 = tpu.memref_slice %arg3[%add3A_55, %dma_start3A_177, %dma_start3A_178] : memref<32x160x64xi32, #tpu.memory_space<hbm>> -> memref<1x160x64xi32, #tpu.memory_space<hbm>>
      %dma_start3A_180 = tpu.memref_squeeze %dma_start3A_179 : memref<1x160x64xi32, #tpu.memory_space<hbm>> -> memref<160x64xi32, #tpu.memory_space<hbm>>
      tpu.enqueue_dma source(%dma_start3A_180 : memref<160x64xi32, #tpu.memory_space<hbm>>) target(%arg6 : memref<160x64xi32, #tpu.memory_space<vmem>>) target_semaphore(%run_scoped3A_172 : memref<!tpu.dma_semaphore, #tpu.memory_space<semaphore_mem>>)
      %dma_wait3A = arith.constant 0 : i32
      %dma_wait3A_181 = arith.constant 0 : i32
      %dma_wait3A_182 = tpu.memref_slice %arg3[%add3A_55, %dma_wait3A, %dma_wait3A_181] : memref<32x160x64xi32, #tpu.memory_space<hbm>> -> memref<1x160x64xi32, #tpu.memory_space<hbm>>
      %dma_wait3A_183 = tpu.memref_squeeze %dma_wait3A_182 : memref<1x160x64xi32, #tpu.memory_space<hbm>> -> memref<160x64xi32, #tpu.memory_space<hbm>>
      %dma_wait3A_184 = arith.constant 0 : i32
      %dma_wait3A_185 = arith.constant 0 : i32
      %dma_wait3A_186 = tpu.memref_slice %arg3[%add3A_55, %dma_wait3A_184, %dma_wait3A_185] : memref<32x160x64xi32, #tpu.memory_space<hbm>> -> memref<1x160x64xi32, #tpu.memory_space<hbm>>
      %dma_wait3A_187 = tpu.memref_squeeze %dma_wait3A_186 : memref<1x160x64xi32, #tpu.memory_space<hbm>> -> memref<160x64xi32, #tpu.memory_space<hbm>>
      tpu.wait_dma2 semaphore(%run_scoped3A_172 : memref<!tpu.dma_semaphore, #tpu.memory_space<semaphore_mem>>) src(%dma_wait3A_187 : memref<160x64xi32, #tpu.memory_space<hbm>>) dst(%arg6 : memref<160x64xi32, #tpu.memory_space<vmem>>)
      tpu.yield
    }) : () -> ()
    "tpu.region"() ({
      %run_scoped3A_172 = tpu.sem_alloc : memref<!tpu.dma_semaphore, #tpu.memory_space<semaphore_mem>>
      %dma_start3A_173 = arith.constant 0 : i32
      %dma_start3A_174 = arith.constant 0 : i32
      %dma_start3A_175 = tpu.memref_slice %arg4[%add3A_55, %dma_start3A_173, %dma_start3A_174] : memref<32x160x64xi32, #tpu.memory_space<hbm>> -> memref<1x160x64xi32, #tpu.memory_space<hbm>>
      %dma_start3A_176 = tpu.memref_squeeze %dma_start3A_175 : memref<1x160x64xi32, #tpu.memory_space<hbm>> -> memref<160x64xi32, #tpu.memory_space<hbm>>
      %dma_start3A_177 = arith.constant 0 : i32
      %dma_start3A_178 = arith.constant 0 : i32
      %dma_start3A_179 = tpu.memref_slice %arg4[%add3A_55, %dma_start3A_177, %dma_start3A_178] : memref<32x160x64xi32, #tpu.memory_space<hbm>> -> memref<1x160x64xi32, #tpu.memory_space<hbm>>
      %dma_start3A_180 = tpu.memref_squeeze %dma_start3A_179 : memref<1x160x64xi32, #tpu.memory_space<hbm>> -> memref<160x64xi32, #tpu.memory_space<hbm>>
      tpu.enqueue_dma source(%dma_start3A_180 : memref<160x64xi32, #tpu.memory_space<hbm>>) target(%arg7 : memref<160x64xi32, #tpu.memory_space<vmem>>) target_semaphore(%run_scoped3A_172 : memref<!tpu.dma_semaphore, #tpu.memory_space<semaphore_mem>>)
      %dma_wait3A = arith.constant 0 : i32
      %dma_wait3A_181 = arith.constant 0 : i32
      %dma_wait3A_182 = tpu.memref_slice %arg4[%add3A_55, %dma_wait3A, %dma_wait3A_181] : memref<32x160x64xi32, #tpu.memory_space<hbm>> -> memref<1x160x64xi32, #tpu.memory_space<hbm>>
      %dma_wait3A_183 = tpu.memref_squeeze %dma_wait3A_182 : memref<1x160x64xi32, #tpu.memory_space<hbm>> -> memref<160x64xi32, #tpu.memory_space<hbm>>
      %dma_wait3A_184 = arith.constant 0 : i32
      %dma_wait3A_185 = arith.constant 0 : i32
      %dma_wait3A_186 = tpu.memref_slice %arg4[%add3A_55, %dma_wait3A_184, %dma_wait3A_185] : memref<32x160x64xi32, #tpu.memory_space<hbm>> -> memref<1x160x64xi32, #tpu.memory_space<hbm>>
      %dma_wait3A_187 = tpu.memref_squeeze %dma_wait3A_186 : memref<1x160x64xi32, #tpu.memory_space<hbm>> -> memref<160x64xi32, #tpu.memory_space<hbm>>
      tpu.wait_dma2 semaphore(%run_scoped3A_172 : memref<!tpu.dma_semaphore, #tpu.memory_space<semaphore_mem>>) src(%dma_wait3A_187 : memref<160x64xi32, #tpu.memory_space<hbm>>) dst(%arg7 : memref<160x64xi32, #tpu.memory_space<vmem>>)
      tpu.yield
    }) : () -> ()
    %dma_start3A = arith.constant 0 : i32
    %dma_start3A_56 = arith.constant 0 : i32
    %dma_start3A_57 = arith.constant 0 : i32
    %dma_start3A_58 = arith.constant 0 : i32
    %dma_start3A_59 = arith.constant 0 : i32
    %dma_start3A_60 = tpu.memref_slice %arg8[%dma_start3A_56, %dma_start3A_58, %dma_start3A_59] : memref<2x64x128xf32, #tpu.memory_space<vmem>> -> memref<1x64x128xf32, #tpu.memory_space<vmem>>
    %dma_start3A_61 = tpu.memref_squeeze %dma_start3A_60 : memref<1x64x128xf32, #tpu.memory_space<vmem>> -> memref<64x128xf32, #tpu.memory_space<vmem>>
    %dma_start3A_62 = arith.constant 0 : i32
    %dma_start3A_63 = tpu.memref_slice %arg6[%dma_start3A, %dma_start3A_62] : memref<160x64xi32, #tpu.memory_space<vmem>> -> memref<1x64xi32, #tpu.memory_space<vmem>>
    %dma_start3A_64 = tpu.memref_squeeze %dma_start3A_63 : memref<1x64xi32, #tpu.memory_space<vmem>> -> memref<64xi32, #tpu.memory_space<vmem>>
    %dma_start3A_65 = arith.constant 0 : i32
    %dma_start3A_66 = arith.constant 0 : i32
    %dma_start3A_67 = tpu.memref_slice %arg2[%dma_start3A_65, %dma_start3A_66] : memref<10240x128xf32, #tpu.memory_space<hbm>> -> memref<10240x128xf32, #tpu.memory_space<hbm>>
    %dma_start3A_68 = tpu.memref_slice %arg10[%dma_start3A_57] : memref<2x!tpu.dma_semaphore, #tpu.memory_space<semaphore_mem>> -> memref<1x!tpu.dma_semaphore, #tpu.memory_space<semaphore_mem>>
    %dma_start3A_69 = tpu.memref_squeeze %dma_start3A_68 : memref<1x!tpu.dma_semaphore, #tpu.memory_space<semaphore_mem>> -> memref<!tpu.dma_semaphore, #tpu.memory_space<semaphore_mem>>
    tpu.enqueue_indirect_dma source(%dma_start3A_67 : memref<10240x128xf32, #tpu.memory_space<hbm>>) target(%dma_start3A_61 : memref<64x128xf32, #tpu.memory_space<vmem>>) offsets(%dma_start3A_64 : memref<64xi32, #tpu.memory_space<vmem>>) semaphore(%dma_start3A_69 : memref<!tpu.dma_semaphore, #tpu.memory_space<semaphore_mem>>)
    %dma_start3A_70 = arith.constant 1 : i32
    %dma_start3A_71 = arith.constant 1 : i32
    %dma_start3A_72 = arith.constant 1 : i32
    %dma_start3A_73 = arith.constant 0 : i32
    %dma_start3A_74 = arith.constant 0 : i32
    %dma_start3A_75 = tpu.memref_slice %arg8[%dma_start3A_71, %dma_start3A_73, %dma_start3A_74] : memref<2x64x128xf32, #tpu.memory_space<vmem>> -> memref<1x64x128xf32, #tpu.memory_space<vmem>>
    %dma_start3A_76 = tpu.memref_squeeze %dma_start3A_75 : memref<1x64x128xf32, #tpu.memory_space<vmem>> -> memref<64x128xf32, #tpu.memory_space<vmem>>
    %dma_start3A_77 = arith.constant 0 : i32
    %dma_start3A_78 = tpu.memref_slice %arg6[%dma_start3A_70, %dma_start3A_77] : memref<160x64xi32, #tpu.memory_space<vmem>> -> memref<1x64xi32, #tpu.memory_space<vmem>>
    %dma_start3A_79 = tpu.memref_squeeze %dma_start3A_78 : memref<1x64xi32, #tpu.memory_space<vmem>> -> memref<64xi32, #tpu.memory_space<vmem>>
    %dma_start3A_80 = arith.constant 0 : i32
    %dma_start3A_81 = arith.constant 0 : i32
    %dma_start3A_82 = tpu.memref_slice %arg2[%dma_start3A_80, %dma_start3A_81] : memref<10240x128xf32, #tpu.memory_space<hbm>> -> memref<10240x128xf32, #tpu.memory_space<hbm>>
    %dma_start3A_83 = tpu.memref_slice %arg10[%dma_start3A_72] : memref<2x!tpu.dma_semaphore, #tpu.memory_space<semaphore_mem>> -> memref<1x!tpu.dma_semaphore, #tpu.memory_space<semaphore_mem>>
    %dma_start3A_84 = tpu.memref_squeeze %dma_start3A_83 : memref<1x!tpu.dma_semaphore, #tpu.memory_space<semaphore_mem>> -> memref<!tpu.dma_semaphore, #tpu.memory_space<semaphore_mem>>
    tpu.enqueue_indirect_dma source(%dma_start3A_82 : memref<10240x128xf32, #tpu.memory_space<hbm>>) target(%dma_start3A_76 : memref<64x128xf32, #tpu.memory_space<vmem>>) offsets(%dma_start3A_79 : memref<64xi32, #tpu.memory_space<vmem>>) semaphore(%dma_start3A_84 : memref<!tpu.dma_semaphore, #tpu.memory_space<semaphore_mem>>)
    %scan3A_85 = arith.constant 0 : i32
    %scan3A_86 = arith.constant 0 : i32
    %scan3A_87 = arith.constant 80 : i32
    %scan3A_88 = arith.addi %scan3A_86, %scan3A_87 : i32
    %scan3A_89 = arith.constant 1 : i32
    scf.for %scan3A_172 = %scan3A_86 to %scan3A_88 step %scan3A_89  : i32 {
      %mul3A_173 = arith.constant 2 : i32
      %mul3A_174 = arith.muli %scan3A_172, %mul3A_173 : i32
      %add3A_175 = arith.constant 0 : i32
      %add3A_176 = arith.addi %mul3A_174, %add3A_175 : i32
      %dma_wait3A = arith.constant 0 : i32
      %dma_wait3A_177 = arith.constant 0 : i32
      %dma_wait3A_178 = arith.constant 0 : i32
      %dma_wait3A_179 = arith.constant 0 : i32
      %dma_wait3A_180 = tpu.memref_slice %arg8[%dma_wait3A, %dma_wait3A_178, %dma_wait3A_179] : memref<2x64x128xf32, #tpu.memory_space<vmem>> -> memref<1x64x128xf32, #tpu.memory_space<vmem>>
      %dma_wait3A_181 = tpu.memref_squeeze %dma_wait3A_180 : memref<1x64x128xf32, #tpu.memory_space<vmem>> -> memref<64x128xf32, #tpu.memory_space<vmem>>
      %dma_wait3A_182 = arith.constant 0 : i32
      %dma_wait3A_183 = tpu.memref_slice %arg6[%add3A_176, %dma_wait3A_182] : memref<160x64xi32, #tpu.memory_space<vmem>> -> memref<1x64xi32, #tpu.memory_space<vmem>>
      %dma_wait3A_184 = tpu.memref_squeeze %dma_wait3A_183 : memref<1x64xi32, #tpu.memory_space<vmem>> -> memref<64xi32, #tpu.memory_space<vmem>>
      %dma_wait3A_185 = arith.constant 0 : i32
      %dma_wait3A_186 = arith.constant 0 : i32
      %dma_wait3A_187 = tpu.memref_slice %arg2[%dma_wait3A_185, %dma_wait3A_186] : memref<10240x128xf32, #tpu.memory_space<hbm>> -> memref<10240x128xf32, #tpu.memory_space<hbm>>
      %dma_wait3A_188 = tpu.memref_slice %arg10[%dma_wait3A_177] : memref<2x!tpu.dma_semaphore, #tpu.memory_space<semaphore_mem>> -> memref<1x!tpu.dma_semaphore, #tpu.memory_space<semaphore_mem>>
      %dma_wait3A_189 = tpu.memref_squeeze %dma_wait3A_188 : memref<1x!tpu.dma_semaphore, #tpu.memory_space<semaphore_mem>> -> memref<!tpu.dma_semaphore, #tpu.memory_space<semaphore_mem>>
      tpu.wait_indirect_dma semaphore(%dma_wait3A_189 : memref<!tpu.dma_semaphore, #tpu.memory_space<semaphore_mem>>) src(%dma_wait3A_187 : memref<10240x128xf32, #tpu.memory_space<hbm>>) dst(%dma_wait3A_181 : memref<64x128xf32, #tpu.memory_space<vmem>>)
      %dma_start3A_190 = arith.constant 0 : i32
      %dma_start3A_191 = arith.constant 0 : i32
      %dma_start3A_192 = arith.constant 0 : i32
      %dma_start3A_193 = arith.constant 0 : i32
      %dma_start3A_194 = tpu.memref_slice %arg8[%dma_start3A_190, %dma_start3A_192, %dma_start3A_193] : memref<2x64x128xf32, #tpu.memory_space<vmem>> -> memref<1x64x128xf32, #tpu.memory_space<vmem>>
      %dma_start3A_195 = tpu.memref_squeeze %dma_start3A_194 : memref<1x64x128xf32, #tpu.memory_space<vmem>> -> memref<64x128xf32, #tpu.memory_space<vmem>>
      %dma_start3A_196 = arith.constant 0 : i32
      %dma_start3A_197 = tpu.memref_slice %arg7[%add3A_176, %dma_start3A_196] : memref<160x64xi32, #tpu.memory_space<vmem>> -> memref<1x64xi32, #tpu.memory_space<vmem>>
      %dma_start3A_198 = tpu.memref_squeeze %dma_start3A_197 : memref<1x64xi32, #tpu.memory_space<vmem>> -> memref<64xi32, #tpu.memory_space<vmem>>
      %dma_start3A_199 = arith.constant 0 : i32
      %dma_start3A_200 = arith.constant 0 : i32
      %dma_start3A_201 = tpu.memref_slice %arg9[%dma_start3A_199, %dma_start3A_200] : memref<10240x128xf32, #tpu.memory_space<vmem_shared>> -> memref<10240x128xf32, #tpu.memory_space<vmem_shared>>
      %dma_start3A_202 = tpu.memref_slice %arg11[%dma_start3A_191] : memref<2x!tpu.dma_semaphore, #tpu.memory_space<semaphore_mem>> -> memref<1x!tpu.dma_semaphore, #tpu.memory_space<semaphore_mem>>
      %dma_start3A_203 = tpu.memref_squeeze %dma_start3A_202 : memref<1x!tpu.dma_semaphore, #tpu.memory_space<semaphore_mem>> -> memref<!tpu.dma_semaphore, #tpu.memory_space<semaphore_mem>>
      tpu.enqueue_indirect_dma source(%dma_start3A_195 : memref<64x128xf32, #tpu.memory_space<vmem>>) target(%dma_start3A_201 : memref<10240x128xf32, #tpu.memory_space<vmem_shared>>) offsets(%dma_start3A_198 : memref<64xi32, #tpu.memory_space<vmem>>) semaphore(%dma_start3A_203 : memref<!tpu.dma_semaphore, #tpu.memory_space<semaphore_mem>>) {add = true}
      %mul3A_204 = arith.constant 2 : i32
      %mul3A_205 = arith.muli %scan3A_172, %mul3A_204 : i32
      %add3A_206 = arith.constant 1 : i32
      %add3A_207 = arith.addi %mul3A_205, %add3A_206 : i32
      %dma_wait3A_208 = arith.constant 1 : i32
      %dma_wait3A_209 = arith.constant 1 : i32
      %dma_wait3A_210 = arith.constant 0 : i32
      %dma_wait3A_211 = arith.constant 0 : i32
      %dma_wait3A_212 = tpu.memref_slice %arg8[%dma_wait3A_208, %dma_wait3A_210, %dma_wait3A_211] : memref<2x64x128xf32, #tpu.memory_space<vmem>> -> memref<1x64x128xf32, #tpu.memory_space<vmem>>
      %dma_wait3A_213 = tpu.memref_squeeze %dma_wait3A_212 : memref<1x64x128xf32, #tpu.memory_space<vmem>> -> memref<64x128xf32, #tpu.memory_space<vmem>>
      %dma_wait3A_214 = arith.constant 0 : i32
      %dma_wait3A_215 = tpu.memref_slice %arg6[%add3A_207, %dma_wait3A_214] : memref<160x64xi32, #tpu.memory_space<vmem>> -> memref<1x64xi32, #tpu.memory_space<vmem>>
      %dma_wait3A_216 = tpu.memref_squeeze %dma_wait3A_215 : memref<1x64xi32, #tpu.memory_space<vmem>> -> memref<64xi32, #tpu.memory_space<vmem>>
      %dma_wait3A_217 = arith.constant 0 : i32
      %dma_wait3A_218 = arith.constant 0 : i32
      %dma_wait3A_219 = tpu.memref_slice %arg2[%dma_wait3A_217, %dma_wait3A_218] : memref<10240x128xf32, #tpu.memory_space<hbm>> -> memref<10240x128xf32, #tpu.memory_space<hbm>>
      %dma_wait3A_220 = tpu.memref_slice %arg10[%dma_wait3A_209] : memref<2x!tpu.dma_semaphore, #tpu.memory_space<semaphore_mem>> -> memref<1x!tpu.dma_semaphore, #tpu.memory_space<semaphore_mem>>
      %dma_wait3A_221 = tpu.memref_squeeze %dma_wait3A_220 : memref<1x!tpu.dma_semaphore, #tpu.memory_space<semaphore_mem>> -> memref<!tpu.dma_semaphore, #tpu.memory_space<semaphore_mem>>
      tpu.wait_indirect_dma semaphore(%dma_wait3A_221 : memref<!tpu.dma_semaphore, #tpu.memory_space<semaphore_mem>>) src(%dma_wait3A_219 : memref<10240x128xf32, #tpu.memory_space<hbm>>) dst(%dma_wait3A_213 : memref<64x128xf32, #tpu.memory_space<vmem>>)
      %dma_start3A_222 = arith.constant 1 : i32
      %dma_start3A_223 = arith.constant 1 : i32
      %dma_start3A_224 = arith.constant 0 : i32
      %dma_start3A_225 = arith.constant 0 : i32
      %dma_start3A_226 = tpu.memref_slice %arg8[%dma_start3A_222, %dma_start3A_224, %dma_start3A_225] : memref<2x64x128xf32, #tpu.memory_space<vmem>> -> memref<1x64x128xf32, #tpu.memory_space<vmem>>
      %dma_start3A_227 = tpu.memref_squeeze %dma_start3A_226 : memref<1x64x128xf32, #tpu.memory_space<vmem>> -> memref<64x128xf32, #tpu.memory_space<vmem>>
      %dma_start3A_228 = arith.constant 0 : i32
      %dma_start3A_229 = tpu.memref_slice %arg7[%add3A_207, %dma_start3A_228] : memref<160x64xi32, #tpu.memory_space<vmem>> -> memref<1x64xi32, #tpu.memory_space<vmem>>
      %dma_start3A_230 = tpu.memref_squeeze %dma_start3A_229 : memref<1x64xi32, #tpu.memory_space<vmem>> -> memref<64xi32, #tpu.memory_space<vmem>>
      %dma_start3A_231 = arith.constant 0 : i32
      %dma_start3A_232 = arith.constant 0 : i32
      %dma_start3A_233 = tpu.memref_slice %arg9[%dma_start3A_231, %dma_start3A_232] : memref<10240x128xf32, #tpu.memory_space<vmem_shared>> -> memref<10240x128xf32, #tpu.memory_space<vmem_shared>>
      %dma_start3A_234 = tpu.memref_slice %arg11[%dma_start3A_223] : memref<2x!tpu.dma_semaphore, #tpu.memory_space<semaphore_mem>> -> memref<1x!tpu.dma_semaphore, #tpu.memory_space<semaphore_mem>>
      %dma_start3A_235 = tpu.memref_squeeze %dma_start3A_234 : memref<1x!tpu.dma_semaphore, #tpu.memory_space<semaphore_mem>> -> memref<!tpu.dma_semaphore, #tpu.memory_space<semaphore_mem>>
      tpu.enqueue_indirect_dma source(%dma_start3A_227 : memref<64x128xf32, #tpu.memory_space<vmem>>) target(%dma_start3A_233 : memref<10240x128xf32, #tpu.memory_space<vmem_shared>>) offsets(%dma_start3A_230 : memref<64xi32, #tpu.memory_space<vmem>>) semaphore(%dma_start3A_235 : memref<!tpu.dma_semaphore, #tpu.memory_space<semaphore_mem>>) {add = true}
      %mul3A_236 = arith.constant 2 : i32
      %mul3A_237 = arith.muli %scan3A_172, %mul3A_236 : i32
      %add3A_238 = arith.constant 0 : i32
      %add3A_239 = arith.addi %mul3A_237, %add3A_238 : i32
      %dma_wait3A_240 = arith.constant 0 : i32
      %dma_wait3A_241 = arith.constant 0 : i32
      %dma_wait3A_242 = arith.constant 0 : i32
      %dma_wait3A_243 = arith.constant 0 : i32
      %dma_wait3A_244 = tpu.memref_slice %arg8[%dma_wait3A_240, %dma_wait3A_242, %dma_wait3A_243] : memref<2x64x128xf32, #tpu.memory_space<vmem>> -> memref<1x64x128xf32, #tpu.memory_space<vmem>>
      %dma_wait3A_245 = tpu.memref_squeeze %dma_wait3A_244 : memref<1x64x128xf32, #tpu.memory_space<vmem>> -> memref<64x128xf32, #tpu.memory_space<vmem>>
      %dma_wait3A_246 = arith.constant 0 : i32
      %dma_wait3A_247 = tpu.memref_slice %arg7[%add3A_239, %dma_wait3A_246] : memref<160x64xi32, #tpu.memory_space<vmem>> -> memref<1x64xi32, #tpu.memory_space<vmem>>
      %dma_wait3A_248 = tpu.memref_squeeze %dma_wait3A_247 : memref<1x64xi32, #tpu.memory_space<vmem>> -> memref<64xi32, #tpu.memory_space<vmem>>
      %dma_wait3A_249 = arith.constant 0 : i32
      %dma_wait3A_250 = arith.constant 0 : i32
      %dma_wait3A_251 = tpu.memref_slice %arg9[%dma_wait3A_249, %dma_wait3A_250] : memref<10240x128xf32, #tpu.memory_space<vmem_shared>> -> memref<10240x128xf32, #tpu.memory_space<vmem_shared>>
      %dma_wait3A_252 = tpu.memref_slice %arg11[%dma_wait3A_241] : memref<2x!tpu.dma_semaphore, #tpu.memory_space<semaphore_mem>> -> memref<1x!tpu.dma_semaphore, #tpu.memory_space<semaphore_mem>>
      %dma_wait3A_253 = tpu.memref_squeeze %dma_wait3A_252 : memref<1x!tpu.dma_semaphore, #tpu.memory_space<semaphore_mem>> -> memref<!tpu.dma_semaphore, #tpu.memory_space<semaphore_mem>>
      tpu.wait_indirect_dma semaphore(%dma_wait3A_253 : memref<!tpu.dma_semaphore, #tpu.memory_space<semaphore_mem>>) src(%dma_wait3A_245 : memref<64x128xf32, #tpu.memory_space<vmem>>) dst(%dma_wait3A_251 : memref<10240x128xf32, #tpu.memory_space<vmem_shared>>)
      %lt3A = arith.constant 79 : i32
      %lt3A_254 = arith.cmpi slt, %scan3A_172, %lt3A : i32
      %convert_element_type3A = arith.extui %lt3A_254 : i1 to i32
      %cond3A = arith.constant 0 : i32
      %cond3A_255 = arith.cmpi ne, %convert_element_type3A, %cond3A : i32
      scf.if %cond3A_255 {
        %add3A_279 = arith.constant 2 : i32
        %add3A_280 = arith.addi %add3A_239, %add3A_279 : i32
        %dma_start3A_281 = arith.constant 0 : i32
        %dma_start3A_282 = arith.constant 0 : i32
        %dma_start3A_283 = arith.constant 0 : i32
        %dma_start3A_284 = arith.constant 0 : i32
        %dma_start3A_285 = tpu.memref_slice %arg8[%dma_start3A_281, %dma_start3A_283, %dma_start3A_284] : memref<2x64x128xf32, #tpu.memory_space<vmem>> -> memref<1x64x128xf32, #tpu.memory_space<vmem>>
        %dma_start3A_286 = tpu.memref_squeeze %dma_start3A_285 : memref<1x64x128xf32, #tpu.memory_space<vmem>> -> memref<64x128xf32, #tpu.memory_space<vmem>>
        %dma_start3A_287 = arith.constant 0 : i32
        %dma_start3A_288 = tpu.memref_slice %arg6[%add3A_280, %dma_start3A_287] : memref<160x64xi32, #tpu.memory_space<vmem>> -> memref<1x64xi32, #tpu.memory_space<vmem>>
        %dma_start3A_289 = tpu.memref_squeeze %dma_start3A_288 : memref<1x64xi32, #tpu.memory_space<vmem>> -> memref<64xi32, #tpu.memory_space<vmem>>
        %dma_start3A_290 = arith.constant 0 : i32
        %dma_start3A_291 = arith.constant 0 : i32
        %dma_start3A_292 = tpu.memref_slice %arg2[%dma_start3A_290, %dma_start3A_291] : memref<10240x128xf32, #tpu.memory_space<hbm>> -> memref<10240x128xf32, #tpu.memory_space<hbm>>
        %dma_start3A_293 = tpu.memref_slice %arg10[%dma_start3A_282] : memref<2x!tpu.dma_semaphore, #tpu.memory_space<semaphore_mem>> -> memref<1x!tpu.dma_semaphore, #tpu.memory_space<semaphore_mem>>
        %dma_start3A_294 = tpu.memref_squeeze %dma_start3A_293 : memref<1x!tpu.dma_semaphore, #tpu.memory_space<semaphore_mem>> -> memref<!tpu.dma_semaphore, #tpu.memory_space<semaphore_mem>>
        tpu.enqueue_indirect_dma source(%dma_start3A_292 : memref<10240x128xf32, #tpu.memory_space<hbm>>) target(%dma_start3A_286 : memref<64x128xf32, #tpu.memory_space<vmem>>) offsets(%dma_start3A_289 : memref<64xi32, #tpu.memory_space<vmem>>) semaphore(%dma_start3A_294 : memref<!tpu.dma_semaphore, #tpu.memory_space<semaphore_mem>>)
      } else {
      }
      %mul3A_256 = arith.constant 2 : i32
      %mul3A_257 = arith.muli %scan3A_172, %mul3A_256 : i32
      %add3A_258 = arith.constant 1 : i32
      %add3A_259 = arith.addi %mul3A_257, %add3A_258 : i32
      %dma_wait3A_260 = arith.constant 1 : i32
      %dma_wait3A_261 = arith.constant 1 : i32
      %dma_wait3A_262 = arith.constant 0 : i32
      %dma_wait3A_263 = arith.constant 0 : i32
      %dma_wait3A_264 = tpu.memref_slice %arg8[%dma_wait3A_260, %dma_wait3A_262, %dma_wait3A_263] : memref<2x64x128xf32, #tpu.memory_space<vmem>> -> memref<1x64x128xf32, #tpu.memory_space<vmem>>
      %dma_wait3A_265 = tpu.memref_squeeze %dma_wait3A_264 : memref<1x64x128xf32, #tpu.memory_space<vmem>> -> memref<64x128xf32, #tpu.memory_space<vmem>>
      %dma_wait3A_266 = arith.constant 0 : i32
      %dma_wait3A_267 = tpu.memref_slice %arg7[%add3A_259, %dma_wait3A_266] : memref<160x64xi32, #tpu.memory_space<vmem>> -> memref<1x64xi32, #tpu.memory_space<vmem>>
      %dma_wait3A_268 = tpu.memref_squeeze %dma_wait3A_267 : memref<1x64xi32, #tpu.memory_space<vmem>> -> memref<64xi32, #tpu.memory_space<vmem>>
      %dma_wait3A_269 = arith.constant 0 : i32
      %dma_wait3A_270 = arith.constant 0 : i32
      %dma_wait3A_271 = tpu.memref_slice %arg9[%dma_wait3A_269, %dma_wait3A_270] : memref<10240x128xf32, #tpu.memory_space<vmem_shared>> -> memref<10240x128xf32, #tpu.memory_space<vmem_shared>>
      %dma_wait3A_272 = tpu.memref_slice %arg11[%dma_wait3A_261] : memref<2x!tpu.dma_semaphore, #tpu.memory_space<semaphore_mem>> -> memref<1x!tpu.dma_semaphore, #tpu.memory_space<semaphore_mem>>
      %dma_wait3A_273 = tpu.memref_squeeze %dma_wait3A_272 : memref<1x!tpu.dma_semaphore, #tpu.memory_space<semaphore_mem>> -> memref<!tpu.dma_semaphore, #tpu.memory_space<semaphore_mem>>
      tpu.wait_indirect_dma semaphore(%dma_wait3A_273 : memref<!tpu.dma_semaphore, #tpu.memory_space<semaphore_mem>>) src(%dma_wait3A_265 : memref<64x128xf32, #tpu.memory_space<vmem>>) dst(%dma_wait3A_271 : memref<10240x128xf32, #tpu.memory_space<vmem_shared>>)
      %lt3A_274 = arith.constant 79 : i32
      %lt3A_275 = arith.cmpi slt, %scan3A_172, %lt3A_274 : i32
      %convert_element_type3A_276 = arith.extui %lt3A_275 : i1 to i32
      %cond3A_277 = arith.constant 0 : i32
      %cond3A_278 = arith.cmpi ne, %convert_element_type3A_276, %cond3A_277 : i32
      scf.if %cond3A_278 {
        %add3A_279 = arith.constant 2 : i32
        %add3A_280 = arith.addi %add3A_259, %add3A_279 : i32
        %dma_start3A_281 = arith.constant 1 : i32
        %dma_start3A_282 = arith.constant 1 : i32
        %dma_start3A_283 = arith.constant 0 : i32
        %dma_start3A_284 = arith.constant 0 : i32
        %dma_start3A_285 = tpu.memref_slice %arg8[%dma_start3A_281, %dma_start3A_283, %dma_start3A_284] : memref<2x64x128xf32, #tpu.memory_space<vmem>> -> memref<1x64x128xf32, #tpu.memory_space<vmem>>
        %dma_start3A_286 = tpu.memref_squeeze %dma_start3A_285 : memref<1x64x128xf32, #tpu.memory_space<vmem>> -> memref<64x128xf32, #tpu.memory_space<vmem>>
        %dma_start3A_287 = arith.constant 0 : i32
        %dma_start3A_288 = tpu.memref_slice %arg6[%add3A_280, %dma_start3A_287] : memref<160x64xi32, #tpu.memory_space<vmem>> -> memref<1x64xi32, #tpu.memory_space<vmem>>
        %dma_start3A_289 = tpu.memref_squeeze %dma_start3A_288 : memref<1x64xi32, #tpu.memory_space<vmem>> -> memref<64xi32, #tpu.memory_space<vmem>>
        %dma_start3A_290 = arith.constant 0 : i32
        %dma_start3A_291 = arith.constant 0 : i32
        %dma_start3A_292 = tpu.memref_slice %arg2[%dma_start3A_290, %dma_start3A_291] : memref<10240x128xf32, #tpu.memory_space<hbm>> -> memref<10240x128xf32, #tpu.memory_space<hbm>>
        %dma_start3A_293 = tpu.memref_slice %arg10[%dma_start3A_282] : memref<2x!tpu.dma_semaphore, #tpu.memory_space<semaphore_mem>> -> memref<1x!tpu.dma_semaphore, #tpu.memory_space<semaphore_mem>>
        %dma_start3A_294 = tpu.memref_squeeze %dma_start3A_293 : memref<1x!tpu.dma_semaphore, #tpu.memory_space<semaphore_mem>> -> memref<!tpu.dma_semaphore, #tpu.memory_space<semaphore_mem>>
        tpu.enqueue_indirect_dma source(%dma_start3A_292 : memref<10240x128xf32, #tpu.memory_space<hbm>>) target(%dma_start3A_286 : memref<64x128xf32, #tpu.memory_space<vmem>>) offsets(%dma_start3A_289 : memref<64xi32, #tpu.memory_space<vmem>>) semaphore(%dma_start3A_294 : memref<!tpu.dma_semaphore, #tpu.memory_space<semaphore_mem>>)
      } else {
      }
    }
    %scan3A_90 = arith.constant 80 : i32
    %barrier3A_91 = arith.constant 0 : index
    tpu.barrier barrier_id(%barrier3A_91)
    %mul3A_92 = arith.constant 640 : i32
    %mul3A_93 = arith.muli %arg1, %mul3A_92 : i32
    %add3A_94 = arith.constant 0 : i32
    %add3A_95 = arith.addi %mul3A_93, %add3A_94 : i32
    %mul3A_96 = arith.constant 640 : i32
    %mul3A_97 = arith.muli %arg1, %mul3A_96 : i32
    %add3A_98 = arith.constant 0 : i32
    %add3A_99 = arith.addi %mul3A_97, %add3A_98 : i32
    "tpu.region"() ({
      %run_scoped3A_172 = tpu.sem_alloc : memref<!tpu.dma_semaphore, #tpu.memory_space<semaphore_mem>>
      %dma_start3A_173 = arith.constant 0 : i32
      %dma_start3A_174 = tpu.memref_slice %arg5[%arg0, %add3A_99, %dma_start3A_173] : memref<2x10240x128xf32, #tpu.memory_space<hbm>> -> memref<1x64x128xf32, #tpu.memory_space<hbm>>
      %dma_start3A_175 = tpu.memref_squeeze %dma_start3A_174 : memref<1x64x128xf32, #tpu.memory_space<hbm>> -> memref<64x128xf32, #tpu.memory_space<hbm>>
      %dma_start3A_176 = arith.constant 0 : i32
      %dma_start3A_177 = tpu.memref_slice %arg9[%add3A_95, %dma_start3A_176] : memref<10240x128xf32, #tpu.memory_space<vmem_shared>> -> memref<64x128xf32, #tpu.memory_space<vmem_shared>>
      tpu.enqueue_dma source(%dma_start3A_177 : memref<64x128xf32, #tpu.memory_space<vmem_shared>>) target(%dma_start3A_175 : memref<64x128xf32, #tpu.memory_space<hbm>>) target_semaphore(%run_scoped3A_172 : memref<!tpu.dma_semaphore, #tpu.memory_space<semaphore_mem>>)
      %dma_wait3A = arith.constant 0 : i32
      %dma_wait3A_178 = tpu.memref_slice %arg5[%arg0, %add3A_99, %dma_wait3A] : memref<2x10240x128xf32, #tpu.memory_space<hbm>> -> memref<1x64x128xf32, #tpu.memory_space<hbm>>
      %dma_wait3A_179 = tpu.memref_squeeze %dma_wait3A_178 : memref<1x64x128xf32, #tpu.memory_space<hbm>> -> memref<64x128xf32, #tpu.memory_space<hbm>>
      %dma_wait3A_180 = arith.constant 0 : i32
      %dma_wait3A_181 = tpu.memref_slice %arg9[%add3A_95, %dma_wait3A_180] : memref<10240x128xf32, #tpu.memory_space<vmem_shared>> -> memref<64x128xf32, #tpu.memory_space<vmem_shared>>
      tpu.wait_dma2 semaphore(%run_scoped3A_172 : memref<!tpu.dma_semaphore, #tpu.memory_space<semaphore_mem>>) src(%dma_wait3A_181 : memref<64x128xf32, #tpu.memory_space<vmem_shared>>) dst(%dma_wait3A_179 : memref<64x128xf32, #tpu.memory_space<hbm>>)
      tpu.yield
    }) : () -> ()
    %mul3A_100 = arith.constant 640 : i32
    %mul3A_101 = arith.muli %arg1, %mul3A_100 : i32
    %add3A_102 = arith.constant 64 : i32
    %add3A_103 = arith.addi %mul3A_101, %add3A_102 : i32
    %mul3A_104 = arith.constant 640 : i32
    %mul3A_105 = arith.muli %arg1, %mul3A_104 : i32
    %add3A_106 = arith.constant 64 : i32
    %add3A_107 = arith.addi %mul3A_105, %add3A_106 : i32
    "tpu.region"() ({
      %run_scoped3A_172 = tpu.sem_alloc : memref<!tpu.dma_semaphore, #tpu.memory_space<semaphore_mem>>
      %dma_start3A_173 = arith.constant 0 : i32
      %dma_start3A_174 = tpu.memref_slice %arg5[%arg0, %add3A_107, %dma_start3A_173] : memref<2x10240x128xf32, #tpu.memory_space<hbm>> -> memref<1x64x128xf32, #tpu.memory_space<hbm>>
      %dma_start3A_175 = tpu.memref_squeeze %dma_start3A_174 : memref<1x64x128xf32, #tpu.memory_space<hbm>> -> memref<64x128xf32, #tpu.memory_space<hbm>>
      %dma_start3A_176 = arith.constant 0 : i32
      %dma_start3A_177 = tpu.memref_slice %arg9[%add3A_103, %dma_start3A_176] : memref<10240x128xf32, #tpu.memory_space<vmem_shared>> -> memref<64x128xf32, #tpu.memory_space<vmem_shared>>
      tpu.enqueue_dma source(%dma_start3A_177 : memref<64x128xf32, #tpu.memory_space<vmem_shared>>) target(%dma_start3A_175 : memref<64x128xf32, #tpu.memory_space<hbm>>) target_semaphore(%run_scoped3A_172 : memref<!tpu.dma_semaphore, #tpu.memory_space<semaphore_mem>>)
      %dma_wait3A = arith.constant 0 : i32
      %dma_wait3A_178 = tpu.memref_slice %arg5[%arg0, %add3A_107, %dma_wait3A] : memref<2x10240x128xf32, #tpu.memory_space<hbm>> -> memref<1x64x128xf32, #tpu.memory_space<hbm>>
      %dma_wait3A_179 = tpu.memref_squeeze %dma_wait3A_178 : memref<1x64x128xf32, #tpu.memory_space<hbm>> -> memref<64x128xf32, #tpu.memory_space<hbm>>
      %dma_wait3A_180 = arith.constant 0 : i32
      %dma_wait3A_181 = tpu.memref_slice %arg9[%add3A_103, %dma_wait3A_180] : memref<10240x128xf32, #tpu.memory_space<vmem_shared>> -> memref<64x128xf32, #tpu.memory_space<vmem_shared>>
      tpu.wait_dma2 semaphore(%run_scoped3A_172 : memref<!tpu.dma_semaphore, #tpu.memory_space<semaphore_mem>>) src(%dma_wait3A_181 : memref<64x128xf32, #tpu.memory_space<vmem_shared>>) dst(%dma_wait3A_179 : memref<64x128xf32, #tpu.memory_space<hbm>>)
      tpu.yield
    }) : () -> ()
    %mul3A_108 = arith.constant 640 : i32
    %mul3A_109 = arith.muli %arg1, %mul3A_108 : i32
    %add3A_110 = arith.constant 128 : i32
    %add3A_111 = arith.addi %mul3A_109, %add3A_110 : i32
    %mul3A_112 = arith.constant 640 : i32
    %mul3A_113 = arith.muli %arg1, %mul3A_112 : i32
    %add3A_114 = arith.constant 128 : i32
    %add3A_115 = arith.addi %mul3A_113, %add3A_114 : i32
    "tpu.region"() ({
      %run_scoped3A_172 = tpu.sem_alloc : memref<!tpu.dma_semaphore, #tpu.memory_space<semaphore_mem>>
      %dma_start3A_173 = arith.constant 0 : i32
      %dma_start3A_174 = tpu.memref_slice %arg5[%arg0, %add3A_115, %dma_start3A_173] : memref<2x10240x128xf32, #tpu.memory_space<hbm>> -> memref<1x64x128xf32, #tpu.memory_space<hbm>>
      %dma_start3A_175 = tpu.memref_squeeze %dma_start3A_174 : memref<1x64x128xf32, #tpu.memory_space<hbm>> -> memref<64x128xf32, #tpu.memory_space<hbm>>
      %dma_start3A_176 = arith.constant 0 : i32
      %dma_start3A_177 = tpu.memref_slice %arg9[%add3A_111, %dma_start3A_176] : memref<10240x128xf32, #tpu.memory_space<vmem_shared>> -> memref<64x128xf32, #tpu.memory_space<vmem_shared>>
      tpu.enqueue_dma source(%dma_start3A_177 : memref<64x128xf32, #tpu.memory_space<vmem_shared>>) target(%dma_start3A_175 : memref<64x128xf32, #tpu.memory_space<hbm>>) target_semaphore(%run_scoped3A_172 : memref<!tpu.dma_semaphore, #tpu.memory_space<semaphore_mem>>)
      %dma_wait3A = arith.constant 0 : i32
      %dma_wait3A_178 = tpu.memref_slice %arg5[%arg0, %add3A_115, %dma_wait3A] : memref<2x10240x128xf32, #tpu.memory_space<hbm>> -> memref<1x64x128xf32, #tpu.memory_space<hbm>>
      %dma_wait3A_179 = tpu.memref_squeeze %dma_wait3A_178 : memref<1x64x128xf32, #tpu.memory_space<hbm>> -> memref<64x128xf32, #tpu.memory_space<hbm>>
      %dma_wait3A_180 = arith.constant 0 : i32
      %dma_wait3A_181 = tpu.memref_slice %arg9[%add3A_111, %dma_wait3A_180] : memref<10240x128xf32, #tpu.memory_space<vmem_shared>> -> memref<64x128xf32, #tpu.memory_space<vmem_shared>>
      tpu.wait_dma2 semaphore(%run_scoped3A_172 : memref<!tpu.dma_semaphore, #tpu.memory_space<semaphore_mem>>) src(%dma_wait3A_181 : memref<64x128xf32, #tpu.memory_space<vmem_shared>>) dst(%dma_wait3A_179 : memref<64x128xf32, #tpu.memory_space<hbm>>)
      tpu.yield
    }) : () -> ()
    %mul3A_116 = arith.constant 640 : i32
    %mul3A_117 = arith.muli %arg1, %mul3A_116 : i32
    %add3A_118 = arith.constant 192 : i32
    %add3A_119 = arith.addi %mul3A_117, %add3A_118 : i32
    %mul3A_120 = arith.constant 640 : i32
    %mul3A_121 = arith.muli %arg1, %mul3A_120 : i32
    %add3A_122 = arith.constant 192 : i32
    %add3A_123 = arith.addi %mul3A_121, %add3A_122 : i32
    "tpu.region"() ({
      %run_scoped3A_172 = tpu.sem_alloc : memref<!tpu.dma_semaphore, #tpu.memory_space<semaphore_mem>>
      %dma_start3A_173 = arith.constant 0 : i32
      %dma_start3A_174 = tpu.memref_slice %arg5[%arg0, %add3A_123, %dma_start3A_173] : memref<2x10240x128xf32, #tpu.memory_space<hbm>> -> memref<1x64x128xf32, #tpu.memory_space<hbm>>
      %dma_start3A_175 = tpu.memref_squeeze %dma_start3A_174 : memref<1x64x128xf32, #tpu.memory_space<hbm>> -> memref<64x128xf32, #tpu.memory_space<hbm>>
      %dma_start3A_176 = arith.constant 0 : i32
      %dma_start3A_177 = tpu.memref_slice %arg9[%add3A_119, %dma_start3A_176] : memref<10240x128xf32, #tpu.memory_space<vmem_shared>> -> memref<64x128xf32, #tpu.memory_space<vmem_shared>>
      tpu.enqueue_dma source(%dma_start3A_177 : memref<64x128xf32, #tpu.memory_space<vmem_shared>>) target(%dma_start3A_175 : memref<64x128xf32, #tpu.memory_space<hbm>>) target_semaphore(%run_scoped3A_172 : memref<!tpu.dma_semaphore, #tpu.memory_space<semaphore_mem>>)
      %dma_wait3A = arith.constant 0 : i32
      %dma_wait3A_178 = tpu.memref_slice %arg5[%arg0, %add3A_123, %dma_wait3A] : memref<2x10240x128xf32, #tpu.memory_space<hbm>> -> memref<1x64x128xf32, #tpu.memory_space<hbm>>
      %dma_wait3A_179 = tpu.memref_squeeze %dma_wait3A_178 : memref<1x64x128xf32, #tpu.memory_space<hbm>> -> memref<64x128xf32, #tpu.memory_space<hbm>>
      %dma_wait3A_180 = arith.constant 0 : i32
      %dma_wait3A_181 = tpu.memref_slice %arg9[%add3A_119, %dma_wait3A_180] : memref<10240x128xf32, #tpu.memory_space<vmem_shared>> -> memref<64x128xf32, #tpu.memory_space<vmem_shared>>
      tpu.wait_dma2 semaphore(%run_scoped3A_172 : memref<!tpu.dma_semaphore, #tpu.memory_space<semaphore_mem>>) src(%dma_wait3A_181 : memref<64x128xf32, #tpu.memory_space<vmem_shared>>) dst(%dma_wait3A_179 : memref<64x128xf32, #tpu.memory_space<hbm>>)
      tpu.yield
    }) : () -> ()
    %mul3A_124 = arith.constant 640 : i32
    %mul3A_125 = arith.muli %arg1, %mul3A_124 : i32
    %add3A_126 = arith.constant 256 : i32
    %add3A_127 = arith.addi %mul3A_125, %add3A_126 : i32
    %mul3A_128 = arith.constant 640 : i32
    %mul3A_129 = arith.muli %arg1, %mul3A_128 : i32
    %add3A_130 = arith.constant 256 : i32
    %add3A_131 = arith.addi %mul3A_129, %add3A_130 : i32
    "tpu.region"() ({
      %run_scoped3A_172 = tpu.sem_alloc : memref<!tpu.dma_semaphore, #tpu.memory_space<semaphore_mem>>
      %dma_start3A_173 = arith.constant 0 : i32
      %dma_start3A_174 = tpu.memref_slice %arg5[%arg0, %add3A_131, %dma_start3A_173] : memref<2x10240x128xf32, #tpu.memory_space<hbm>> -> memref<1x64x128xf32, #tpu.memory_space<hbm>>
      %dma_start3A_175 = tpu.memref_squeeze %dma_start3A_174 : memref<1x64x128xf32, #tpu.memory_space<hbm>> -> memref<64x128xf32, #tpu.memory_space<hbm>>
      %dma_start3A_176 = arith.constant 0 : i32
      %dma_start3A_177 = tpu.memref_slice %arg9[%add3A_127, %dma_start3A_176] : memref<10240x128xf32, #tpu.memory_space<vmem_shared>> -> memref<64x128xf32, #tpu.memory_space<vmem_shared>>
      tpu.enqueue_dma source(%dma_start3A_177 : memref<64x128xf32, #tpu.memory_space<vmem_shared>>) target(%dma_start3A_175 : memref<64x128xf32, #tpu.memory_space<hbm>>) target_semaphore(%run_scoped3A_172 : memref<!tpu.dma_semaphore, #tpu.memory_space<semaphore_mem>>)
      %dma_wait3A = arith.constant 0 : i32
      %dma_wait3A_178 = tpu.memref_slice %arg5[%arg0, %add3A_131, %dma_wait3A] : memref<2x10240x128xf32, #tpu.memory_space<hbm>> -> memref<1x64x128xf32, #tpu.memory_space<hbm>>
      %dma_wait3A_179 = tpu.memref_squeeze %dma_wait3A_178 : memref<1x64x128xf32, #tpu.memory_space<hbm>> -> memref<64x128xf32, #tpu.memory_space<hbm>>
      %dma_wait3A_180 = arith.constant 0 : i32
      %dma_wait3A_181 = tpu.memref_slice %arg9[%add3A_127, %dma_wait3A_180] : memref<10240x128xf32, #tpu.memory_space<vmem_shared>> -> memref<64x128xf32, #tpu.memory_space<vmem_shared>>
      tpu.wait_dma2 semaphore(%run_scoped3A_172 : memref<!tpu.dma_semaphore, #tpu.memory_space<semaphore_mem>>) src(%dma_wait3A_181 : memref<64x128xf32, #tpu.memory_space<vmem_shared>>) dst(%dma_wait3A_179 : memref<64x128xf32, #tpu.memory_space<hbm>>)
      tpu.yield
    }) : () -> ()
    %mul3A_132 = arith.constant 640 : i32
    %mul3A_133 = arith.muli %arg1, %mul3A_132 : i32
    %add3A_134 = arith.constant 320 : i32
    %add3A_135 = arith.addi %mul3A_133, %add3A_134 : i32
    %mul3A_136 = arith.constant 640 : i32
    %mul3A_137 = arith.muli %arg1, %mul3A_136 : i32
    %add3A_138 = arith.constant 320 : i32
    %add3A_139 = arith.addi %mul3A_137, %add3A_138 : i32
    "tpu.region"() ({
      %run_scoped3A_172 = tpu.sem_alloc : memref<!tpu.dma_semaphore, #tpu.memory_space<semaphore_mem>>
      %dma_start3A_173 = arith.constant 0 : i32
      %dma_start3A_174 = tpu.memref_slice %arg5[%arg0, %add3A_139, %dma_start3A_173] : memref<2x10240x128xf32, #tpu.memory_space<hbm>> -> memref<1x64x128xf32, #tpu.memory_space<hbm>>
      %dma_start3A_175 = tpu.memref_squeeze %dma_start3A_174 : memref<1x64x128xf32, #tpu.memory_space<hbm>> -> memref<64x128xf32, #tpu.memory_space<hbm>>
      %dma_start3A_176 = arith.constant 0 : i32
      %dma_start3A_177 = tpu.memref_slice %arg9[%add3A_135, %dma_start3A_176] : memref<10240x128xf32, #tpu.memory_space<vmem_shared>> -> memref<64x128xf32, #tpu.memory_space<vmem_shared>>
      tpu.enqueue_dma source(%dma_start3A_177 : memref<64x128xf32, #tpu.memory_space<vmem_shared>>) target(%dma_start3A_175 : memref<64x128xf32, #tpu.memory_space<hbm>>) target_semaphore(%run_scoped3A_172 : memref<!tpu.dma_semaphore, #tpu.memory_space<semaphore_mem>>)
      %dma_wait3A = arith.constant 0 : i32
      %dma_wait3A_178 = tpu.memref_slice %arg5[%arg0, %add3A_139, %dma_wait3A] : memref<2x10240x128xf32, #tpu.memory_space<hbm>> -> memref<1x64x128xf32, #tpu.memory_space<hbm>>
      %dma_wait3A_179 = tpu.memref_squeeze %dma_wait3A_178 : memref<1x64x128xf32, #tpu.memory_space<hbm>> -> memref<64x128xf32, #tpu.memory_space<hbm>>
      %dma_wait3A_180 = arith.constant 0 : i32
      %dma_wait3A_181 = tpu.memref_slice %arg9[%add3A_135, %dma_wait3A_180] : memref<10240x128xf32, #tpu.memory_space<vmem_shared>> -> memref<64x128xf32, #tpu.memory_space<vmem_shared>>
      tpu.wait_dma2 semaphore(%run_scoped3A_172 : memref<!tpu.dma_semaphore, #tpu.memory_space<semaphore_mem>>) src(%dma_wait3A_181 : memref<64x128xf32, #tpu.memory_space<vmem_shared>>) dst(%dma_wait3A_179 : memref<64x128xf32, #tpu.memory_space<hbm>>)
      tpu.yield
    }) : () -> ()
    %mul3A_140 = arith.constant 640 : i32
    %mul3A_141 = arith.muli %arg1, %mul3A_140 : i32
    %add3A_142 = arith.constant 384 : i32
    %add3A_143 = arith.addi %mul3A_141, %add3A_142 : i32
    %mul3A_144 = arith.constant 640 : i32
    %mul3A_145 = arith.muli %arg1, %mul3A_144 : i32
    %add3A_146 = arith.constant 384 : i32
    %add3A_147 = arith.addi %mul3A_145, %add3A_146 : i32
    "tpu.region"() ({
      %run_scoped3A_172 = tpu.sem_alloc : memref<!tpu.dma_semaphore, #tpu.memory_space<semaphore_mem>>
      %dma_start3A_173 = arith.constant 0 : i32
      %dma_start3A_174 = tpu.memref_slice %arg5[%arg0, %add3A_147, %dma_start3A_173] : memref<2x10240x128xf32, #tpu.memory_space<hbm>> -> memref<1x64x128xf32, #tpu.memory_space<hbm>>
      %dma_start3A_175 = tpu.memref_squeeze %dma_start3A_174 : memref<1x64x128xf32, #tpu.memory_space<hbm>> -> memref<64x128xf32, #tpu.memory_space<hbm>>
      %dma_start3A_176 = arith.constant 0 : i32
      %dma_start3A_177 = tpu.memref_slice %arg9[%add3A_143, %dma_start3A_176] : memref<10240x128xf32, #tpu.memory_space<vmem_shared>> -> memref<64x128xf32, #tpu.memory_space<vmem_shared>>
      tpu.enqueue_dma source(%dma_start3A_177 : memref<64x128xf32, #tpu.memory_space<vmem_shared>>) target(%dma_start3A_175 : memref<64x128xf32, #tpu.memory_space<hbm>>) target_semaphore(%run_scoped3A_172 : memref<!tpu.dma_semaphore, #tpu.memory_space<semaphore_mem>>)
      %dma_wait3A = arith.constant 0 : i32
      %dma_wait3A_178 = tpu.memref_slice %arg5[%arg0, %add3A_147, %dma_wait3A] : memref<2x10240x128xf32, #tpu.memory_space<hbm>> -> memref<1x64x128xf32, #tpu.memory_space<hbm>>
      %dma_wait3A_179 = tpu.memref_squeeze %dma_wait3A_178 : memref<1x64x128xf32, #tpu.memory_space<hbm>> -> memref<64x128xf32, #tpu.memory_space<hbm>>
      %dma_wait3A_180 = arith.constant 0 : i32
      %dma_wait3A_181 = tpu.memref_slice %arg9[%add3A_143, %dma_wait3A_180] : memref<10240x128xf32, #tpu.memory_space<vmem_shared>> -> memref<64x128xf32, #tpu.memory_space<vmem_shared>>
      tpu.wait_dma2 semaphore(%run_scoped3A_172 : memref<!tpu.dma_semaphore, #tpu.memory_space<semaphore_mem>>) src(%dma_wait3A_181 : memref<64x128xf32, #tpu.memory_space<vmem_shared>>) dst(%dma_wait3A_179 : memref<64x128xf32, #tpu.memory_space<hbm>>)
      tpu.yield
    }) : () -> ()
    %mul3A_148 = arith.constant 640 : i32
    %mul3A_149 = arith.muli %arg1, %mul3A_148 : i32
    %add3A_150 = arith.constant 448 : i32
    %add3A_151 = arith.addi %mul3A_149, %add3A_150 : i32
    %mul3A_152 = arith.constant 640 : i32
    %mul3A_153 = arith.muli %arg1, %mul3A_152 : i32
    %add3A_154 = arith.constant 448 : i32
    %add3A_155 = arith.addi %mul3A_153, %add3A_154 : i32
    "tpu.region"() ({
      %run_scoped3A_172 = tpu.sem_alloc : memref<!tpu.dma_semaphore, #tpu.memory_space<semaphore_mem>>
      %dma_start3A_173 = arith.constant 0 : i32
      %dma_start3A_174 = tpu.memref_slice %arg5[%arg0, %add3A_155, %dma_start3A_173] : memref<2x10240x128xf32, #tpu.memory_space<hbm>> -> memref<1x64x128xf32, #tpu.memory_space<hbm>>
      %dma_start3A_175 = tpu.memref_squeeze %dma_start3A_174 : memref<1x64x128xf32, #tpu.memory_space<hbm>> -> memref<64x128xf32, #tpu.memory_space<hbm>>
      %dma_start3A_176 = arith.constant 0 : i32
      %dma_start3A_177 = tpu.memref_slice %arg9[%add3A_151, %dma_start3A_176] : memref<10240x128xf32, #tpu.memory_space<vmem_shared>> -> memref<64x128xf32, #tpu.memory_space<vmem_shared>>
      tpu.enqueue_dma source(%dma_start3A_177 : memref<64x128xf32, #tpu.memory_space<vmem_shared>>) target(%dma_start3A_175 : memref<64x128xf32, #tpu.memory_space<hbm>>) target_semaphore(%run_scoped3A_172 : memref<!tpu.dma_semaphore, #tpu.memory_space<semaphore_mem>>)
      %dma_wait3A = arith.constant 0 : i32
      %dma_wait3A_178 = tpu.memref_slice %arg5[%arg0, %add3A_155, %dma_wait3A] : memref<2x10240x128xf32, #tpu.memory_space<hbm>> -> memref<1x64x128xf32, #tpu.memory_space<hbm>>
      %dma_wait3A_179 = tpu.memref_squeeze %dma_wait3A_178 : memref<1x64x128xf32, #tpu.memory_space<hbm>> -> memref<64x128xf32, #tpu.memory_space<hbm>>
      %dma_wait3A_180 = arith.constant 0 : i32
      %dma_wait3A_181 = tpu.memref_slice %arg9[%add3A_151, %dma_wait3A_180] : memref<10240x128xf32, #tpu.memory_space<vmem_shared>> -> memref<64x128xf32, #tpu.memory_space<vmem_shared>>
      tpu.wait_dma2 semaphore(%run_scoped3A_172 : memref<!tpu.dma_semaphore, #tpu.memory_space<semaphore_mem>>) src(%dma_wait3A_181 : memref<64x128xf32, #tpu.memory_space<vmem_shared>>) dst(%dma_wait3A_179 : memref<64x128xf32, #tpu.memory_space<hbm>>)
      tpu.yield
    }) : () -> ()
    %mul3A_156 = arith.constant 640 : i32
    %mul3A_157 = arith.muli %arg1, %mul3A_156 : i32
    %add3A_158 = arith.constant 512 : i32
    %add3A_159 = arith.addi %mul3A_157, %add3A_158 : i32
    %mul3A_160 = arith.constant 640 : i32
    %mul3A_161 = arith.muli %arg1, %mul3A_160 : i32
    %add3A_162 = arith.constant 512 : i32
    %add3A_163 = arith.addi %mul3A_161, %add3A_162 : i32
    "tpu.region"() ({
      %run_scoped3A_172 = tpu.sem_alloc : memref<!tpu.dma_semaphore, #tpu.memory_space<semaphore_mem>>
      %dma_start3A_173 = arith.constant 0 : i32
      %dma_start3A_174 = tpu.memref_slice %arg5[%arg0, %add3A_163, %dma_start3A_173] : memref<2x10240x128xf32, #tpu.memory_space<hbm>> -> memref<1x64x128xf32, #tpu.memory_space<hbm>>
      %dma_start3A_175 = tpu.memref_squeeze %dma_start3A_174 : memref<1x64x128xf32, #tpu.memory_space<hbm>> -> memref<64x128xf32, #tpu.memory_space<hbm>>
      %dma_start3A_176 = arith.constant 0 : i32
      %dma_start3A_177 = tpu.memref_slice %arg9[%add3A_159, %dma_start3A_176] : memref<10240x128xf32, #tpu.memory_space<vmem_shared>> -> memref<64x128xf32, #tpu.memory_space<vmem_shared>>
      tpu.enqueue_dma source(%dma_start3A_177 : memref<64x128xf32, #tpu.memory_space<vmem_shared>>) target(%dma_start3A_175 : memref<64x128xf32, #tpu.memory_space<hbm>>) target_semaphore(%run_scoped3A_172 : memref<!tpu.dma_semaphore, #tpu.memory_space<semaphore_mem>>)
      %dma_wait3A = arith.constant 0 : i32
      %dma_wait3A_178 = tpu.memref_slice %arg5[%arg0, %add3A_163, %dma_wait3A] : memref<2x10240x128xf32, #tpu.memory_space<hbm>> -> memref<1x64x128xf32, #tpu.memory_space<hbm>>
      %dma_wait3A_179 = tpu.memref_squeeze %dma_wait3A_178 : memref<1x64x128xf32, #tpu.memory_space<hbm>> -> memref<64x128xf32, #tpu.memory_space<hbm>>
      %dma_wait3A_180 = arith.constant 0 : i32
      %dma_wait3A_181 = tpu.memref_slice %arg9[%add3A_159, %dma_wait3A_180] : memref<10240x128xf32, #tpu.memory_space<vmem_shared>> -> memref<64x128xf32, #tpu.memory_space<vmem_shared>>
      tpu.wait_dma2 semaphore(%run_scoped3A_172 : memref<!tpu.dma_semaphore, #tpu.memory_space<semaphore_mem>>) src(%dma_wait3A_181 : memref<64x128xf32, #tpu.memory_space<vmem_shared>>) dst(%dma_wait3A_179 : memref<64x128xf32, #tpu.memory_space<hbm>>)
      tpu.yield
    }) : () -> ()
    %mul3A_164 = arith.constant 640 : i32
    %mul3A_165 = arith.muli %arg1, %mul3A_164 : i32
    %add3A_166 = arith.constant 576 : i32
    %add3A_167 = arith.addi %mul3A_165, %add3A_166 : i32
    %mul3A_168 = arith.constant 640 : i32
    %mul3A_169 = arith.muli %arg1, %mul3A_168 : i32
    %add3A_170 = arith.constant 576 : i32
    %add3A_171 = arith.addi %mul3A_169, %add3A_170 : i32
    "tpu.region"() ({
      %run_scoped3A_172 = tpu.sem_alloc : memref<!tpu.dma_semaphore, #tpu.memory_space<semaphore_mem>>
      %dma_start3A_173 = arith.constant 0 : i32
      %dma_start3A_174 = tpu.memref_slice %arg5[%arg0, %add3A_171, %dma_start3A_173] : memref<2x10240x128xf32, #tpu.memory_space<hbm>> -> memref<1x64x128xf32, #tpu.memory_space<hbm>>
      %dma_start3A_175 = tpu.memref_squeeze %dma_start3A_174 : memref<1x64x128xf32, #tpu.memory_space<hbm>> -> memref<64x128xf32, #tpu.memory_space<hbm>>
      %dma_start3A_176 = arith.constant 0 : i32
      %dma_start3A_177 = tpu.memref_slice %arg9[%add3A_167, %dma_start3A_176] : memref<10240x128xf32, #tpu.memory_space<vmem_shared>> -> memref<64x128xf32, #tpu.memory_space<vmem_shared>>
      tpu.enqueue_dma source(%dma_start3A_177 : memref<64x128xf32, #tpu.memory_space<vmem_shared>>) target(%dma_start3A_175 : memref<64x128xf32, #tpu.memory_space<hbm>>) target_semaphore(%run_scoped3A_172 : memref<!tpu.dma_semaphore, #tpu.memory_space<semaphore_mem>>)
      %dma_wait3A = arith.constant 0 : i32
      %dma_wait3A_178 = tpu.memref_slice %arg5[%arg0, %add3A_171, %dma_wait3A] : memref<2x10240x128xf32, #tpu.memory_space<hbm>> -> memref<1x64x128xf32, #tpu.memory_space<hbm>>
      %dma_wait3A_179 = tpu.memref_squeeze %dma_wait3A_178 : memref<1x64x128xf32, #tpu.memory_space<hbm>> -> memref<64x128xf32, #tpu.memory_space<hbm>>
      %dma_wait3A_180 = arith.constant 0 : i32
      %dma_wait3A_181 = tpu.memref_slice %arg9[%add3A_167, %dma_wait3A_180] : memref<10240x128xf32, #tpu.memory_space<vmem_shared>> -> memref<64x128xf32, #tpu.memory_space<vmem_shared>>
      tpu.wait_dma2 semaphore(%run_scoped3A_172 : memref<!tpu.dma_semaphore, #tpu.memory_space<semaphore_mem>>) src(%dma_wait3A_181 : memref<64x128xf32, #tpu.memory_space<vmem_shared>>) dst(%dma_wait3A_179 : memref<64x128xf32, #tpu.memory_space<hbm>>)
      tpu.yield
    }) : () -> ()
    return
  }
}

module attributes {stable_mosaic.version = 14 : i64} {
  func.func @_lap_body(%arg0: i32, %arg1: memref<1024x128xf32, #tpu.memory_space<vmem>>, %arg2: memref<2x1024x128xf32, #tpu.memory_space<vmem>>, %arg3: memref<1024x1xf32, #tpu.memory_space<vmem>>, %arg4: memref<1024x128xf32, #tpu.memory_space<vmem>>, %arg5: memref<1024x128xf32, #tpu.memory_space<vmem>>) attributes {dimension_semantics = [#tpu.dimension_semantics<arbitrary>], iteration_bounds = array<i64: 10>, scalar_prefetch = 0 : i64, scratch_operands = 0 : i64, tpu.core_type = #tpu.core_type<tc>, window_params = [{transform_indices = @transform_0, window_bounds = array<i64: 1024, 128>}, {transform_indices = @transform_1, window_bounds = array<i64: 2, 1024, 128>}, {transform_indices = @transform_2, window_bounds = array<i64: 1024, 1>}, {transform_indices = @transform_3, window_bounds = array<i64: 1024, 128>}, {transform_indices = @transform_4, window_bounds = array<i64: 1024, 128>}]} {
    %get3A = arith.constant 0 : index
    %get3A_0 = arith.constant 0 : index
    %get3A_1 = vector.load %arg3[%get3A, %get3A_0] : memref<1024x1xf32, #tpu.memory_space<vmem>>, vector<1024x1xf32>
    %get3A_2 = arith.constant 0 : index
    %get3A_3 = arith.constant 0 : index
    %get3A_4 = vector.load %arg1[%get3A_2, %get3A_3] : memref<1024x128xf32, #tpu.memory_space<vmem>>, vector<1024x128xf32>
    %get3A_5 = arith.constant 0 : index
    %get3A_6 = arith.constant 0 : index
    %get3A_7 = arith.constant 0 : index
    %get3A_8 = vector.load %arg2[%get3A_5, %get3A_6, %get3A_7] : memref<2x1024x128xf32, #tpu.memory_space<vmem>>, vector<1x1024x128xf32>
    %get3A_9 = vector.shape_cast %get3A_8 : vector<1x1024x128xf32> to vector<1024x128xf32>
    %get3A_10 = arith.constant 1 : index
    %get3A_11 = arith.constant 0 : index
    %get3A_12 = arith.constant 0 : index
    %get3A_13 = vector.load %arg2[%get3A_10, %get3A_11, %get3A_12] : memref<2x1024x128xf32, #tpu.memory_space<vmem>>, vector<1x1024x128xf32>
    %get3A_14 = vector.shape_cast %get3A_13 : vector<1x1024x128xf32> to vector<1024x128xf32>
    %add3A = arith.addf %get3A_9, %get3A_14 : vector<1024x128xf32>
    %mul3A = vector.broadcast %get3A_1 : vector<1024x1xf32> to vector<1024x128xf32>
    %mul3A_15 = arith.mulf %add3A, %mul3A : vector<1024x128xf32>
    %sub3A = arith.subf %get3A_4, %mul3A_15 : vector<1024x128xf32>
    %swap3A = arith.constant 0 : index
    %swap3A_16 = arith.constant 0 : index
    %swap3A_17 = vector.load %arg4[%swap3A, %swap3A_16] : memref<1024x128xf32, #tpu.memory_space<vmem>>, vector<1024x128xf32>
    tpu.vector_store %arg4[%swap3A, %swap3A_16], %sub3A {strides = array<i32>} : memref<1024x128xf32, #tpu.memory_space<vmem>>, vector<1024x128xf32>,
    %mul3A_18 = vector.broadcast %get3A_1 : vector<1024x1xf32> to vector<1024x128xf32>
    %mul3A_19 = arith.mulf %sub3A, %mul3A_18 : vector<1024x128xf32>
    %swap3A_20 = arith.constant 0 : index
    %swap3A_21 = arith.constant 0 : index
    %swap3A_22 = vector.load %arg5[%swap3A_20, %swap3A_21] : memref<1024x128xf32, #tpu.memory_space<vmem>>, vector<1024x128xf32>
    tpu.vector_store %arg5[%swap3A_20, %swap3A_21], %mul3A_19 {strides = array<i32>} : memref<1024x128xf32, #tpu.memory_space<vmem>>, vector<1024x128xf32>,
    return
  }
  func.func @transform_0(%arg0: i32) -> (i32, i32) {
    %c0_i32 = arith.constant 0 : i32
    %c0_i32_0 = arith.constant 0 : i32
    return %arg0, %c0_i32 : i32, i32
  }
  func.func @transform_1(%arg0: i32) -> (i32, i32, i32) {
    %c0_i32 = arith.constant 0 : i32
    %c0_i32_0 = arith.constant 0 : i32
    %c0_i32_1 = arith.constant 0 : i32
    return %c0_i32, %arg0, %c0_i32_0 : i32, i32, i32
  }
  func.func @transform_2(%arg0: i32) -> (i32, i32) {
    %c0_i32 = arith.constant 0 : i32
    %c0_i32_0 = arith.constant 0 : i32
    return %arg0, %c0_i32 : i32, i32
  }
  func.func @transform_3(%arg0: i32) -> (i32, i32) {
    %c0_i32 = arith.constant 0 : i32
    %c0_i32_0 = arith.constant 0 : i32
    return %arg0, %c0_i32 : i32, i32
  }
  func.func @transform_4(%arg0: i32) -> (i32, i32) {
    %c0_i32 = arith.constant 0 : i32
    %c0_i32_0 = arith.constant 0 : i32
    return %arg0, %c0_i32 : i32, i32
  }
}

module attributes {stable_mosaic.version = 14 : i64} {
  func.func @_mlp_body(%arg0: i32, %arg1: memref<1024x128xf32, #tpu.memory_space<vmem>>, %arg2: memref<128x128xf32, #tpu.memory_space<vmem>>, %arg3: memref<1x128xf32, #tpu.memory_space<vmem>>, %arg4: memref<128x128xf32, #tpu.memory_space<vmem>>, %arg5: memref<1x128xf32, #tpu.memory_space<vmem>>, %arg6: memref<2x1024x1xf32, #tpu.memory_space<vmem>>, %arg7: memref<1024x128xf32, #tpu.memory_space<vmem>>, %arg8: memref<1024x128xf32, #tpu.memory_space<vmem>>, %arg9: memref<1024x1xf32, #tpu.memory_space<vmem>>) attributes {dimension_semantics = [#tpu.dimension_semantics<arbitrary>], iteration_bounds = array<i64: 10>, scalar_prefetch = 0 : i64, scratch_operands = 0 : i64, tpu.core_type = #tpu.core_type<tc>, window_params = [{transform_indices = @transform_0, window_bounds = array<i64: 1024, 128>}, {pipeline_mode = #tpu.pipeline_mode<synchronous>, transform_indices = @transform_1, window_bounds = array<i64: 128, 128>}, {pipeline_mode = #tpu.pipeline_mode<synchronous>, transform_indices = @transform_2, window_bounds = array<i64: 1, 128>}, {pipeline_mode = #tpu.pipeline_mode<synchronous>, transform_indices = @transform_3, window_bounds = array<i64: 128, 128>}, {pipeline_mode = #tpu.pipeline_mode<synchronous>, transform_indices = @transform_4, window_bounds = array<i64: 1, 128>}, {transform_indices = @transform_5, window_bounds = array<i64: 2, 1024, 1>}, {transform_indices = @transform_6, window_bounds = array<i64: 1024, 128>}, {transform_indices = @transform_7, window_bounds = array<i64: 1024, 128>}, {transform_indices = @transform_8, window_bounds = array<i64: 1024, 1>}]} {
    %get3A = arith.constant 0 : index
    %get3A_0 = arith.constant 0 : index
    %get3A_1 = vector.load %arg1[%get3A, %get3A_0] : memref<1024x128xf32, #tpu.memory_space<vmem>>, vector<1024x128xf32>
    %get3A_2 = arith.constant 0 : index
    %get3A_3 = arith.constant 0 : index
    %get3A_4 = vector.load %arg2[%get3A_2, %get3A_3] : memref<128x128xf32, #tpu.memory_space<vmem>>, vector<128x128xf32>
    %dot_general3A = arith.constant dense<0.000000e+00> : vector<1024x128xf32>
    %dot_general3A_5 = tpu.matmul %get3A_1, %get3A_4, %dot_general3A {dimension_numbers = #tpu.dot_dimension_numbers<[1], [0], [0], [1], [0, 0, 1, 1], [], []>, transpose_lhs_hint = false} : vector<1024x128xf32>, vector<128x128xf32>, vector<1024x128xf32> -> vector<1024x128xf32>
    %get3A_6 = arith.constant 0 : index
    %get3A_7 = arith.constant 0 : index
    %get3A_8 = vector.load %arg3[%get3A_6, %get3A_7] : memref<1x128xf32, #tpu.memory_space<vmem>>, vector<1x128xf32>
    %add3A = vector.broadcast %get3A_8 : vector<1x128xf32> to vector<1024x128xf32>
    %add3A_9 = arith.addf %dot_general3A_5, %add3A : vector<1024x128xf32>
    %ge3A = arith.constant 0.000000e+00 : f32
    %ge3A_10 = vector.broadcast %ge3A : f32 to vector<1024x128xf32>
    %ge3A_11 = arith.cmpf oge, %add3A_9, %ge3A_10 : vector<1024x128xf32>
    %mul3A = arith.constant 0.00999999977 : f32
    %mul3A_12 = vector.broadcast %mul3A : f32 to vector<1024x128xf32>
    %mul3A_13 = arith.mulf %mul3A_12, %add3A_9 : vector<1024x128xf32>
    %select_n3A = arith.select %ge3A_11, %add3A_9, %mul3A_13 : vector<1024x128xi1>, vector<1024x128xf32>
    %get3A_14 = arith.constant 0 : index
    %get3A_15 = arith.constant 0 : index
    %get3A_16 = vector.load %arg4[%get3A_14, %get3A_15] : memref<128x128xf32, #tpu.memory_space<vmem>>, vector<128x128xf32>
    %dot_general3A_17 = arith.constant dense<0.000000e+00> : vector<1024x128xf32>
    %dot_general3A_18 = tpu.matmul %select_n3A, %get3A_16, %dot_general3A_17 {dimension_numbers = #tpu.dot_dimension_numbers<[1], [0], [0], [1], [0, 0, 1, 1], [], []>, transpose_lhs_hint = false} : vector<1024x128xf32>, vector<128x128xf32>, vector<1024x128xf32> -> vector<1024x128xf32>
    %get3A_19 = arith.constant 0 : index
    %get3A_20 = arith.constant 0 : index
    %get3A_21 = vector.load %arg5[%get3A_19, %get3A_20] : memref<1x128xf32, #tpu.memory_space<vmem>>, vector<1x128xf32>
    %add3A_22 = vector.broadcast %get3A_21 : vector<1x128xf32> to vector<1024x128xf32>
    %add3A_23 = arith.addf %dot_general3A_18, %add3A_22 : vector<1024x128xf32>
    %ge3A_24 = arith.constant 0.000000e+00 : f32
    %ge3A_25 = vector.broadcast %ge3A_24 : f32 to vector<1024x128xf32>
    %ge3A_26 = arith.cmpf oge, %add3A_23, %ge3A_25 : vector<1024x128xf32>
    %mul3A_27 = arith.constant 0.00999999977 : f32
    %mul3A_28 = vector.broadcast %mul3A_27 : f32 to vector<1024x128xf32>
    %mul3A_29 = arith.mulf %mul3A_28, %add3A_23 : vector<1024x128xf32>
    %select_n3A_30 = arith.select %ge3A_26, %add3A_23, %mul3A_29 : vector<1024x128xi1>, vector<1024x128xf32>
    %get3A_31 = arith.constant 0 : index
    %get3A_32 = arith.constant 0 : index
    %get3A_33 = arith.constant 0 : index
    %get3A_34 = vector.load %arg6[%get3A_31, %get3A_32, %get3A_33] : memref<2x1024x1xf32, #tpu.memory_space<vmem>>, vector<1x1024x1xf32>
    %get3A_35 = vector.shape_cast %get3A_34 : vector<1x1024x1xf32> to vector<1024x1xf32>
    %get3A_36 = arith.constant 1 : index
    %get3A_37 = arith.constant 0 : index
    %get3A_38 = arith.constant 0 : index
    %get3A_39 = vector.load %arg6[%get3A_36, %get3A_37, %get3A_38] : memref<2x1024x1xf32, #tpu.memory_space<vmem>>, vector<1x1024x1xf32>
    %get3A_40 = vector.shape_cast %get3A_39 : vector<1x1024x1xf32> to vector<1024x1xf32>
    %add3A_41 = arith.addf %get3A_35, %get3A_40 : vector<1024x1xf32>
    %max3A = arith.constant 1.000000e+00 : f32
    %max3A_42 = vector.broadcast %max3A : f32 to vector<1024x1xf32>
    %max3A_43 = arith.maximumf %add3A_41, %max3A_42 : vector<1024x1xf32>
    %rsqrt3A = math.rsqrt %max3A_43 : vector<1024x1xf32>
    %swap3A = arith.constant 0 : index
    %swap3A_44 = arith.constant 0 : index
    %swap3A_45 = vector.load %arg7[%swap3A, %swap3A_44] : memref<1024x128xf32, #tpu.memory_space<vmem>>, vector<1024x128xf32>
    tpu.vector_store %arg7[%swap3A, %swap3A_44], %select_n3A_30 {strides = array<i32>} : memref<1024x128xf32, #tpu.memory_space<vmem>>, vector<1024x128xf32>,
    %mul3A_46 = vector.broadcast %rsqrt3A : vector<1024x1xf32> to vector<1024x128xf32>
    %mul3A_47 = arith.mulf %select_n3A_30, %mul3A_46 : vector<1024x128xf32>
    %swap3A_48 = arith.constant 0 : index
    %swap3A_49 = arith.constant 0 : index
    %swap3A_50 = vector.load %arg8[%swap3A_48, %swap3A_49] : memref<1024x128xf32, #tpu.memory_space<vmem>>, vector<1024x128xf32>
    tpu.vector_store %arg8[%swap3A_48, %swap3A_49], %mul3A_47 {strides = array<i32>} : memref<1024x128xf32, #tpu.memory_space<vmem>>, vector<1024x128xf32>,
    %swap3A_51 = arith.constant 0 : index
    %swap3A_52 = arith.constant 0 : index
    %swap3A_53 = vector.load %arg9[%swap3A_51, %swap3A_52] : memref<1024x1xf32, #tpu.memory_space<vmem>>, vector<1024x1xf32>
    tpu.vector_store %arg9[%swap3A_51, %swap3A_52], %rsqrt3A {strides = array<i32>} : memref<1024x1xf32, #tpu.memory_space<vmem>>, vector<1024x1xf32>,
    return
  }
  func.func @transform_0(%arg0: i32) -> (i32, i32) {
    %c0_i32 = arith.constant 0 : i32
    %c0_i32_0 = arith.constant 0 : i32
    return %arg0, %c0_i32 : i32, i32
  }
  func.func @transform_1(%arg0: i32) -> (i32, i32) {
    %c0_i32 = arith.constant 0 : i32
    %c0_i32_0 = arith.constant 0 : i32
    %c0_i32_1 = arith.constant 0 : i32
    return %c0_i32, %c0_i32_0 : i32, i32
  }
  func.func @transform_2(%arg0: i32) -> (i32, i32) {
    %c0_i32 = arith.constant 0 : i32
    %c0_i32_0 = arith.constant 0 : i32
    %c0_i32_1 = arith.constant 0 : i32
    return %c0_i32, %c0_i32_0 : i32, i32
  }
  func.func @transform_3(%arg0: i32) -> (i32, i32) {
    %c0_i32 = arith.constant 0 : i32
    %c0_i32_0 = arith.constant 0 : i32
    %c0_i32_1 = arith.constant 0 : i32
    return %c0_i32, %c0_i32_0 : i32, i32
  }
  func.func @transform_4(%arg0: i32) -> (i32, i32) {
    %c0_i32 = arith.constant 0 : i32
    %c0_i32_0 = arith.constant 0 : i32
    %c0_i32_1 = arith.constant 0 : i32
    return %c0_i32, %c0_i32_0 : i32, i32
  }
  func.func @transform_5(%arg0: i32) -> (i32, i32, i32) {
    %c0_i32 = arith.constant 0 : i32
    %c0_i32_0 = arith.constant 0 : i32
    %c0_i32_1 = arith.constant 0 : i32
    return %c0_i32, %arg0, %c0_i32_0 : i32, i32, i32
  }
  func.func @transform_6(%arg0: i32) -> (i32, i32) {
    %c0_i32 = arith.constant 0 : i32
    %c0_i32_0 = arith.constant 0 : i32
    return %arg0, %c0_i32 : i32, i32
  }
  func.func @transform_7(%arg0: i32) -> (i32, i32) {
    %c0_i32 = arith.constant 0 : i32
    %c0_i32_0 = arith.constant 0 : i32
    return %arg0, %c0_i32 : i32, i32
  }
  func.func @transform_8(%arg0: i32) -> (i32, i32) {
    %c0_i32 = arith.constant 0 : i32
    %c0_i32_0 = arith.constant 0 : i32
    return %arg0, %c0_i32 : i32, i32
  }
}

module attributes {stable_mosaic.version = 14 : i64} {
  func.func @_out_body(%arg0: i32, %arg1: memref<1024x128xf32, #tpu.memory_space<vmem>>, %arg2: memref<1024x128xf32, #tpu.memory_space<vmem>>, %arg3: memref<2x1024x128xf32, #tpu.memory_space<vmem>>, %arg4: memref<1024x1xf32, #tpu.memory_space<vmem>>, %arg5: memref<3x128x128xf32, #tpu.memory_space<vmem>>, %arg6: memref<1x128xf32, #tpu.memory_space<vmem>>, %arg7: memref<1024x128xf32, #tpu.memory_space<vmem>>) attributes {dimension_semantics = [#tpu.dimension_semantics<arbitrary>], iteration_bounds = array<i64: 10>, scalar_prefetch = 0 : i64, scratch_operands = 0 : i64, tpu.core_type = #tpu.core_type<tc>, window_params = [{transform_indices = @transform_0, window_bounds = array<i64: 1024, 128>}, {transform_indices = @transform_1, window_bounds = array<i64: 1024, 128>}, {transform_indices = @transform_2, window_bounds = array<i64: 2, 1024, 128>}, {transform_indices = @transform_3, window_bounds = array<i64: 1024, 1>}, {pipeline_mode = #tpu.pipeline_mode<synchronous>, transform_indices = @transform_4, window_bounds = array<i64: 3, 128, 128>}, {pipeline_mode = #tpu.pipeline_mode<synchronous>, transform_indices = @transform_5, window_bounds = array<i64: 1, 128>}, {transform_indices = @transform_6, window_bounds = array<i64: 1024, 128>}]} {
    %get3A = arith.constant 0 : index
    %get3A_0 = arith.constant 0 : index
    %get3A_1 = vector.load %arg2[%get3A, %get3A_0] : memref<1024x128xf32, #tpu.memory_space<vmem>>, vector<1024x128xf32>
    %get3A_2 = arith.constant 0 : index
    %get3A_3 = arith.constant 0 : index
    %get3A_4 = arith.constant 0 : index
    %get3A_5 = vector.load %arg3[%get3A_2, %get3A_3, %get3A_4] : memref<2x1024x128xf32, #tpu.memory_space<vmem>>, vector<1x1024x128xf32>
    %get3A_6 = vector.shape_cast %get3A_5 : vector<1x1024x128xf32> to vector<1024x128xf32>
    %get3A_7 = arith.constant 1 : index
    %get3A_8 = arith.constant 0 : index
    %get3A_9 = arith.constant 0 : index
    %get3A_10 = vector.load %arg3[%get3A_7, %get3A_8, %get3A_9] : memref<2x1024x128xf32, #tpu.memory_space<vmem>>, vector<1x1024x128xf32>
    %get3A_11 = vector.shape_cast %get3A_10 : vector<1x1024x128xf32> to vector<1024x128xf32>
    %add3A = arith.addf %get3A_6, %get3A_11 : vector<1024x128xf32>
    %get3A_12 = arith.constant 0 : index
    %get3A_13 = arith.constant 0 : index
    %get3A_14 = vector.load %arg4[%get3A_12, %get3A_13] : memref<1024x1xf32, #tpu.memory_space<vmem>>, vector<1024x1xf32>
    %mul3A = vector.broadcast %get3A_14 : vector<1024x1xf32> to vector<1024x128xf32>
    %mul3A_15 = arith.mulf %add3A, %mul3A : vector<1024x128xf32>
    %sub3A = arith.subf %get3A_1, %mul3A_15 : vector<1024x128xf32>
    %get3A_16 = arith.constant 0 : index
    %get3A_17 = arith.constant 0 : index
    %get3A_18 = vector.load %arg1[%get3A_16, %get3A_17] : memref<1024x128xf32, #tpu.memory_space<vmem>>, vector<1024x128xf32>
    %mul3A_19 = arith.constant 3.000000e+00 : f32
    %mul3A_20 = vector.broadcast %mul3A_19 : f32 to vector<1024x128xf32>
    %mul3A_21 = arith.mulf %mul3A_20, %get3A_18 : vector<1024x128xf32>
    %mul3A_22 = arith.constant 3.000000e+00 : f32
    %mul3A_23 = vector.broadcast %mul3A_22 : f32 to vector<1024x128xf32>
    %mul3A_24 = arith.mulf %mul3A_23, %get3A_1 : vector<1024x128xf32>
    %sub3A_25 = arith.subf %mul3A_21, %mul3A_24 : vector<1024x128xf32>
    %mul3A_26 = arith.constant 7.500000e-01 : f32
    %mul3A_27 = vector.broadcast %mul3A_26 : f32 to vector<1024x128xf32>
    %mul3A_28 = arith.mulf %mul3A_27, %sub3A : vector<1024x128xf32>
    %add3A_29 = arith.addf %sub3A_25, %mul3A_28 : vector<1024x128xf32>
    %mul3A_30 = arith.constant 3.000000e+00 : f32
    %mul3A_31 = vector.broadcast %mul3A_30 : f32 to vector<1024x128xf32>
    %mul3A_32 = arith.mulf %mul3A_31, %get3A_1 : vector<1024x128xf32>
    %mul3A_33 = arith.constant 1.500000e+00 : f32
    %mul3A_34 = vector.broadcast %mul3A_33 : f32 to vector<1024x128xf32>
    %mul3A_35 = arith.mulf %mul3A_34, %sub3A : vector<1024x128xf32>
    %sub3A_36 = arith.subf %mul3A_32, %mul3A_35 : vector<1024x128xf32>
    %mul3A_37 = arith.constant 7.500000e-01 : f32
    %mul3A_38 = vector.broadcast %mul3A_37 : f32 to vector<1024x128xf32>
    %mul3A_39 = arith.mulf %mul3A_38, %sub3A : vector<1024x128xf32>
    %get3A_40 = arith.constant 0 : index
    %get3A_41 = arith.constant 0 : index
    %get3A_42 = arith.constant 0 : index
    %get3A_43 = vector.load %arg5[%get3A_40, %get3A_41, %get3A_42] : memref<3x128x128xf32, #tpu.memory_space<vmem>>, vector<1x128x128xf32>
    %get3A_44 = vector.shape_cast %get3A_43 : vector<1x128x128xf32> to vector<128x128xf32>
    %dot_general3A = arith.constant dense<0.000000e+00> : vector<1024x128xf32>
    %dot_general3A_45 = tpu.matmul %add3A_29, %get3A_44, %dot_general3A {dimension_numbers = #tpu.dot_dimension_numbers<[1], [0], [0], [1], [0, 0, 1, 1], [], []>, transpose_lhs_hint = false} : vector<1024x128xf32>, vector<128x128xf32>, vector<1024x128xf32> -> vector<1024x128xf32>
    %get3A_46 = arith.constant 1 : index
    %get3A_47 = arith.constant 0 : index
    %get3A_48 = arith.constant 0 : index
    %get3A_49 = vector.load %arg5[%get3A_46, %get3A_47, %get3A_48] : memref<3x128x128xf32, #tpu.memory_space<vmem>>, vector<1x128x128xf32>
    %get3A_50 = vector.shape_cast %get3A_49 : vector<1x128x128xf32> to vector<128x128xf32>
    %dot_general3A_51 = arith.constant dense<0.000000e+00> : vector<1024x128xf32>
    %dot_general3A_52 = tpu.matmul %sub3A_36, %get3A_50, %dot_general3A_51 {dimension_numbers = #tpu.dot_dimension_numbers<[1], [0], [0], [1], [0, 0, 1, 1], [], []>, transpose_lhs_hint = false} : vector<1024x128xf32>, vector<128x128xf32>, vector<1024x128xf32> -> vector<1024x128xf32>
    %add3A_53 = arith.addf %dot_general3A_45, %dot_general3A_52 : vector<1024x128xf32>
    %get3A_54 = arith.constant 2 : index
    %get3A_55 = arith.constant 0 : index
    %get3A_56 = arith.constant 0 : index
    %get3A_57 = vector.load %arg5[%get3A_54, %get3A_55, %get3A_56] : memref<3x128x128xf32, #tpu.memory_space<vmem>>, vector<1x128x128xf32>
    %get3A_58 = vector.shape_cast %get3A_57 : vector<1x128x128xf32> to vector<128x128xf32>
    %dot_general3A_59 = arith.constant dense<0.000000e+00> : vector<1024x128xf32>
    %dot_general3A_60 = tpu.matmul %mul3A_39, %get3A_58, %dot_general3A_59 {dimension_numbers = #tpu.dot_dimension_numbers<[1], [0], [0], [1], [0, 0, 1, 1], [], []>, transpose_lhs_hint = false} : vector<1024x128xf32>, vector<128x128xf32>, vector<1024x128xf32> -> vector<1024x128xf32>
    %add3A_61 = arith.addf %add3A_53, %dot_general3A_60 : vector<1024x128xf32>
    %get3A_62 = arith.constant 0 : index
    %get3A_63 = arith.constant 0 : index
    %get3A_64 = vector.load %arg6[%get3A_62, %get3A_63] : memref<1x128xf32, #tpu.memory_space<vmem>>, vector<1x128xf32>
    %add3A_65 = vector.broadcast %get3A_64 : vector<1x128xf32> to vector<1024x128xf32>
    %add3A_66 = arith.addf %add3A_61, %add3A_65 : vector<1024x128xf32>
    %ge3A = arith.constant 0.000000e+00 : f32
    %ge3A_67 = vector.broadcast %ge3A : f32 to vector<1024x128xf32>
    %ge3A_68 = arith.cmpf oge, %add3A_66, %ge3A_67 : vector<1024x128xf32>
    %mul3A_69 = arith.constant 0.00999999977 : f32
    %mul3A_70 = vector.broadcast %mul3A_69 : f32 to vector<1024x128xf32>
    %mul3A_71 = arith.mulf %mul3A_70, %add3A_66 : vector<1024x128xf32>
    %select_n3A = arith.select %ge3A_68, %add3A_66, %mul3A_71 : vector<1024x128xi1>, vector<1024x128xf32>
    %swap3A = arith.constant 0 : index
    %swap3A_72 = arith.constant 0 : index
    %swap3A_73 = vector.load %arg7[%swap3A, %swap3A_72] : memref<1024x128xf32, #tpu.memory_space<vmem>>, vector<1024x128xf32>
    tpu.vector_store %arg7[%swap3A, %swap3A_72], %select_n3A {strides = array<i32>} : memref<1024x128xf32, #tpu.memory_space<vmem>>, vector<1024x128xf32>,
    return
  }
  func.func @transform_0(%arg0: i32) -> (i32, i32) {
    %c0_i32 = arith.constant 0 : i32
    %c0_i32_0 = arith.constant 0 : i32
    return %arg0, %c0_i32 : i32, i32
  }
  func.func @transform_1(%arg0: i32) -> (i32, i32) {
    %c0_i32 = arith.constant 0 : i32
    %c0_i32_0 = arith.constant 0 : i32
    return %arg0, %c0_i32 : i32, i32
  }
  func.func @transform_2(%arg0: i32) -> (i32, i32, i32) {
    %c0_i32 = arith.constant 0 : i32
    %c0_i32_0 = arith.constant 0 : i32
    %c0_i32_1 = arith.constant 0 : i32
    return %c0_i32, %arg0, %c0_i32_0 : i32, i32, i32
  }
  func.func @transform_3(%arg0: i32) -> (i32, i32) {
    %c0_i32 = arith.constant 0 : i32
    %c0_i32_0 = arith.constant 0 : i32
    return %arg0, %c0_i32 : i32, i32
  }
  func.func @transform_4(%arg0: i32) -> (i32, i32, i32) {
    %c0_i32 = arith.constant 0 : i32
    %c0_i32_0 = arith.constant 0 : i32
    %c0_i32_1 = arith.constant 0 : i32
    %c0_i32_2 = arith.constant 0 : i32
    return %c0_i32, %c0_i32_0, %c0_i32_1 : i32, i32, i32
  }
  func.func @transform_5(%arg0: i32) -> (i32, i32) {
    %c0_i32 = arith.constant 0 : i32
    %c0_i32_0 = arith.constant 0 : i32
    %c0_i32_1 = arith.constant 0 : i32
    return %c0_i32, %c0_i32_0 : i32, i32
  }
  func.func @transform_6(%arg0: i32) -> (i32, i32) {
    %c0_i32 = arith.constant 0 : i32
    %c0_i32_0 = arith.constant 0 : i32
    return %arg0, %c0_i32 : i32, i32
  }
}

</mosaic_0001>

<sc_bundles>
// kernel: kernel.11.cloned.1.call-start
scs
__scs_entry_jumppad:
0x0: {  	(pc) =	sbr.rel $0x88, $3  }
0x1: {  	(tag) =	ssettag $0x0;
	lr =	simm.s32 $0x1  }
0x2: {  	[smem:$0x3F99] =	sst lr;
	_ =	strace $0xD0000000  }
0x3: {  	_ = 	snop  }
0x4: {  	_ = 	snop  }
0x5: {  	_ = 	snop  }
0x6: {  	_ = 	snop  }
0x7: {  	_ = 	snop  }
__scs_overlays_trampoline_lowered:
0x8: {  	[smem:$0x3FA8] =	sst s0  }
0x9: {  	[smem:$0x3FA9] =	sst s1  }
0xa: {  	[smem:$0x3FAA] =	sst s2  }
0xb: {  	[smem:$0x3FAB] =	sst s3  }
0xc: {  	[smem:$0x3FAC] =	sst s4  }
0xd: {  	[smem:$0x3FAD] =	sst s5  }
0xe: {  	[smem:$0x3FAE] =	sst s6  }
0xf: {  	[smem:$0x3FAF] =	sst s7  }
0x10: {  	[smem:$0x3FB0] =	sst s8  }
0x11: {  	[smem:$0x3FB1] =	sst s9;
	s0 =	simm.s32 @!p0 $0x0  }
0x12: {  	s1 =	sld [smem:$0x3F97];
	s0 =	simm.s32 @p0 $0x1  }
0x13: {  	[smem:$0x3FB2] =	sst s0;
	s0 =	simm.s32 @!p1 $0x0  }
0x14: {  	s2 =	sld [smem:$0x3F96];
	s0 =	simm.s32 @p1 $0x1  }
0x15: {  	[smem:$0x3FB3] =	sst s0;
	s0 =	simm.s32 @!p2 $0x0  }
0x16: {  	s3 =	sld [smem:$0x3FDB];
	s0 =	simm.s32 @p2 $0x1  }
0x17: {  	s4 =	simm.s32 $0x1BF5;
	[smem:$0x3FB5] =	sst s0  }
0x18: {  	s0 =	sld [smem:$0x3F98];
	_ =	swait.ge [sflag:s4], $0x0  }
0x19: {  	s7 =	sld [smem:$0x3F99]  }
0x1a: {  	s8 =	sadd.s32 $0xFFFFE003, lr  }
0x1b: {  	s9 =	sadd.s32 $0xFFFFFEF7, lr;
	s5 =	simm.s32 $0xFFFFFFFF;
	p2 =	slt.u32 s8, $0xFFFFF086  }
0x1c: {  	p1 =	slt.u32 s9, $0xF7A;
	s5 =	simm.s32 @!p2 $0x0  }
0x1d: {  	s5 =	simm.s32 @p1 $0x1;
	p0 =	seq.s32 s7, s2  }
0x1e: {  	s7 =	smul.u32 @!p0 $0xF7A, s2;
	p2 =	seq.s32 @!p0 s5, $0x0  }
0x1f: {  	s9 =	smul.u32 $0xF7A, s1;
	s8 =	simm.s32 @!p0 $0x1BF5;
	p2 =	por !p2, p0  }
0x20: {  	[sflag:s8] =	ssyncset.s32 @!p0 $0xFFFFF086;
	s6 =	sadd.s32 @!p0 s3, s7;
	s7 =	simm.s32 @!p0 $0x108  }
0x21: {  	s3 =	sadd.s32 s3, s9;
	s6 =	sadd.s32 @!p0 $0x88, s6;
	s7 =	simm.s32 @p2 $0x1082  }
0x22: {  	[simem:s7], [sflag:s8] =	dma.local @!p0 [hbm:s6], $0xF7A  }
0x23: {  	s9 =	sor.u32 $0xD0000000, s2;
	s6 =	simm.s32 $0x108;
	_ =	swait.ge @!p0 [sflag:s8], $0x0  }
0x24: {  	s3 =	sadd.s32 $0x88, s3;
	s6 =	simm.s32 @!p1 $0x1082;
	[sflag:s4] =	ssyncset.s32 $0xFFFFF086  }
0x25: {  	[simem:s6], [sflag:s4] =	dma.local [hbm:s3], $0xF7A  }
0x26: {  	[smem:$0x3F99] =	sst s1;
	(tag) =	ssettag s2;
	_ =	strace s9  }
0x27: {  	s1 =	sld [smem:$0x3FA9]  }
0x28: {  	s2 =	sld [smem:$0x3FAA]  }
0x29: {  	s4 =	sld [smem:$0x3FAC]  }
0x2a: {  	p0 =	seq.s32 s5, $0x0;
	s5 =	sld [smem:$0x3FAD]  }
0x2b: {  	s6 =	sld [smem:$0x3FAE]  }
0x2c: {  	s7 =	sld [smem:$0x3FAF]  }
0x2d: {  	s3 =	simm.s32 $0x108;
	s8 =	sld [smem:$0x3FB0]  }
0x2e: {  	s3 =	simm.s32 @!p0 $0x1082;
	s9 =	sld [smem:$0x3FB1]  }
0x2f: {  	lr =	sadd.s32 s0, s3;
	s0 =	sld [smem:$0x3FA8]  }
0x30: {  	s3 =	sld [smem:$0x3FAB]  }
0x31: {  	[smem:$0x3FB4] =	sst s10  }
0x32: {  	s10 =	sld [smem:$0x3FB2];
	_ =	sdelay $0x3  }
0x33: {  	p0 =	seq.s32 s10, $0x1;
	s10 =	sld [smem:$0x3FB4];
	_ =	sdelay $0x3  }
0x34: {  	[smem:$0x3FB4] =	sst s10  }
0x35: {  	s10 =	sld [smem:$0x3FB3];
	_ =	sdelay $0x3  }
0x36: {  	p1 =	seq.s32 s10, $0x1;
	s10 =	sld [smem:$0x3FB4];
	_ =	sdelay $0x3  }
0x37: {  	[smem:$0x3FB4] =	sst s10  }
0x38: {  	s10 =	sld [smem:$0x3FB5]  }
0x39: {  	_ = 	snop;
	(pc) =	sbr.ind lr, $3  }
0x3a: {  	_ = 	snop  }
0x3b: {  	_ = 	snop  }
0x3c: {  	p2 =	seq.s32 s10, $0x1;
	s10 =	sld [smem:$0x3FB4]  }
0x3d: {  	_ =	shalt  }
0x3e: {  	_ =	shalt  }
0x3f: {  	_ =	shalt  }
0x40: {  	_ =	shalt  }
0x41: {  	_ =	shalt  }
0x42: {  	_ =	shalt  }
0x43: {  	_ =	shalt  }
0x44: {  	_ =	shalt  }
0x45: {  	_ =	shalt  }
0x46: {  	_ =	shalt  }
0x47: {  	_ =	shalt  }
0x48: {  	_ =	shalt  }
0x49: {  	_ =	shalt  }
0x4a: {  	_ =	shalt  }
0x4b: {  	_ =	shalt  }
0x4c: {  	_ =	shalt  }
0x4d: {  	_ =	shalt  }
0x4e: {  	_ =	shalt  }
0x4f: {  	_ =	shalt  }
0x50: {  	_ =	shalt  }
0x51: {  	_ =	shalt  }
0x52: {  	_ =	shalt  }
0x53: {  	_ =	shalt  }
0x54: {  	_ =	shalt  }
0x55: {  	_ =	shalt  }
0x56: {  	_ =	shalt  }
0x57: {  	_ =	shalt  }
0x58: {  	_ =	shalt  }
0x59: {  	_ =	shalt  }
0x5a: {  	_ =	shalt  }
0x5b: {  	_ =	shalt  }
0x5c: {  	_ =	shalt  }
0x5d: {  	_ =	shalt  }
0x5e: {  	_ =	shalt  }
0x5f: {  	_ =	shalt  }
0x60: {  	_ =	shalt  }
0x61: {  	_ =	shalt  }
0x62: {  	_ =	shalt  }
0x63: {  	_ =	shalt  }
0x64: {  	_ =	shalt  }
0x65: {  	_ =	shalt  }
0x66: {  	_ =	shalt  }
0x67: {  	_ =	shalt  }
0x68: {  	_ =	shalt  }
0x69: {  	_ =	shalt  }
0x6a: {  	_ =	shalt  }
0x6b: {  	_ =	shalt  }
0x6c: {  	_ =	shalt  }
0x6d: {  	_ =	shalt  }
0x6e: {  	_ =	shalt  }
0x6f: {  	_ =	shalt  }
0x70: {  	_ =	shalt  }
0x71: {  	_ =	shalt  }
0x72: {  	_ =	shalt  }
0x73: {  	_ =	shalt  }
0x74: {  	_ =	shalt  }
0x75: {  	_ =	shalt  }
0x76: {  	_ =	shalt  }
0x77: {  	_ =	shalt  }
0x78: {  	_ =	shalt  }
0x79: {  	_ =	shalt  }
0x7a: {  	_ =	shalt  }
0x7b: {  	_ =	shalt  }
0x7c: {  	_ =	shalt  }
0x7d: {  	_ =	shalt  }
0x7e: {  	_ =	shalt  }
0x7f: {  	_ =	shalt  }
0x80: {  	_ =	shalt  }
0x81: {  	_ =	shalt  }
0x82: {  	_ =	shalt  }
0x83: {  	_ =	shalt  }
0x84: {  	_ =	shalt  }
0x85: {  	_ =	shalt  }
0x86: {  	_ =	shalt  }
0x87: {  	_ =	shalt  }
.Lfunc_end0:
.L_simem_size_0:
called_computation.1_lowered:
.L_overlay_start_0:
0x88: {  	s2 =	sld [smem:$0x3FD9]  }
0x89: {  	s3 =	sld [smem:$0x3FFE];
	_ =	sdelay $0x1  }
0x8a: {  	s1 =	srdreg.scid  }
0x8b: {  	s0 =	sand.u32 $0x1, s1  }
0x8c: {  	s16 =	sshll.u32 s0, $0xA;
	s2 =	sadd.s32 s3, s2  }
0x8d: {  	s2 =	sadd.s32 s2, s16  }
0x8e: {  	[smem:$0x3FC0] =	sst s2  }
0x8f: {  	_ = 	snop  }
0x90: {  	(tm) =	ssettm $0x1  }
0x91: {  	s17 =	sld [smem:$0x3FFB];
	_ =	sdelay $0x3  }
0x92: {  	_ =	strace s17  }
0x93: {  	s2 =	sld [smem:$0x3FFC];
	_ =	sdelay $0x3  }
0x94: {  	_ =	strace s2  }
0x95: {  	s2 =	sld [smem:$0x3FFD];
	_ =	sdelay $0x3  }
0x96: {  	_ =	strace s2  }
0x97: {  	_ =	strace $0x8FFFFFFF  }
0x98: {  	s18 =	sld [smem:$0x3FDB];
	_ =	sdelay $0x1  }
0x99: {  	s19 =	simm.s32 $_scs_section_size  }
0x9a: {  	s4 =	simm.s32 $_size__tile_overlayer_lowered;
	s5 =	simm.s32 $_tile_overlayer_lowered  }
0x9b: {  	s22 =	simm.s32 $0x1BFF;
	s21 =	sshll.u32 s5, $0x1;
	s2 =	sadd.s32 s19, s18  }
0x9c: {  	s6 =	simm.s32 $0x0;
	s20 =	sshll.u32 s4, $0x1;
	s4 =	sadd.s32 s21, s2  }
0x9d: {  	[timem:s6], [sflag:s22] =	dma.local [hbm:s4], s20  }
0x9e: {  	_ =	swait.ge [sflag:s22], s20  }
0x9f: {  	s3 =	ssub.s32 $0x0, s20;
	[sflag:s22] =	ssyncset.done $0x0  }
0xa0: {  	[sflag:s22] =	ssyncadd.s32 s3;
	_ =	sdelay $0x1  }
0xa1: {  	s23 =	simm.s32 $0x1B8B  }
0xa2: {  	_ =	swait.ge [sflag:s23], $0x1  }
0xa3: {  	[sflag:s23] =	ssyncset.done $0x0  }
0xa4: {  	s25 =	simm.s32 $0x1B8E;
	s24 =	sld [smem:$0x3FFE];
	[sflag:s23] =	ssyncadd.s32 $0xFFFFFFFF  }
0xa5: {  	s26 =	simm.s32 $execute0_lowered;
	[smem:$0x3FD2] =	sst s25  }
0xa6: {  	s4 =	sshll.u32 s26, $0x1;
	_ =	strace $0x80000049;
	[dreg:$0x1] =	wrdreg $0xFFFFFFFF  }
0xa7: {  	s28 =	simm.s32 $_size_execute0_lowered;
	s2 =	sadd.s32 s2, s4;
	[dreg:$0x0] =	wrdreg $0x0  }
0xa8: {  	s4 =	sshll.u32 s28, $0x1;
	[dreg:$0x2] =	wrdreg s2  }
0xa9: {  	[dreg:$0x3] =	wrdreg s4  }
0xaa: {  	[dreg:$0x4] =	wrdreg $0xC0  }
0xab: {  	_ =	task [dreg:s6], $0x5FFFF  }
0xac: {  	[dreg:$0x1] =	wrdreg $0xFFFFFFFF  }
0xad: {  	[dreg:$0x0] =	wrdreg $0x60  }
0xae: {  	[dreg:$0x2] =	wrdreg s24  }
0xaf: {  	[dreg:$0x3] =	wrdreg $0x90000  }
0xb0: {  	[dreg:$0x4] =	wrdreg $0x9  }
0xb1: {  	_ =	task.clear_ibuf [dreg:s6], $0x5FFFF;
	_ =	strace $0x90000049  }
0xb2: {  	s29 =	simm.s32 $0x9;
	_ =	strace $0x8000004B  }
0xb3: {  	_ =	swait.ge [sflag:s29], $0x1  }
0xb4: {  	[sflag:s29] =	ssyncadd.s32 $0xFFFFFFFF  }
0xb5: {  	_ =	strace $0x9000004B  }
0xb6: {  	_ =	sfence  }
0xb7: {  	s30 =	sld [smem:$0x0];
	_ =	sdelay $0x2  }
0xb8: {  	s31 =	sshll.u32 s1, $0xD;
	s1 =	sshrl.u32 s1, $0x2  }
0xb9: {  	s3 =	sand.u32 $0x4000, s31;
	s1 =	sadd.s32 s1, s30  }
0xba: {  	s0 =	sor.u32 s3, s0;
	s1 =	sshll.u32 s1, $0x11  }
0xbb: {  	s0 =	sor.u32 s1, s0  }
0xbc: {  	s0 =	sadd.s32 $0x8F2B, s0  }
0xbd: {  	[sflag:s0] =	ssyncadd.remote.s32 $0x1  }
0xbe: {  	_ =	sfence.sel $0xFFFF  }
0xbf: {  	[dreg:$0x0] =	wrdreg $0xFFFFFFFF;
	(pc) =	sbr.abs _section_cstart, $3  }
0xc0: {  	[dreg:$0x1] =	wrdreg $0xFFFFFFFF  }
0xc1: {  	_ =	task.clear_ibuf [dreg:s6], $0x2FFFF;
	_ =	strace $0x9FFFFFFF  }
0xc2: {  	(tm) =	ssettm $0x7FFFFFFF  }
0xc3: {  	_ =	shalt  }
tec
execute0_lowered:
.L_overlay_start_1:
0x0: {  	(tag) =	ssettag $0x1  }
0x1: {  	s0 =	rddreg [dreg:$0x0]  }
0x2: {  	s1 =	srdreg.scid;
	s4 =	stileid.u32  }
0x3: {  	s5 =	simm.s32 $0x0;
	s29 =	simm.s32 $0x5000;
	s30 =	simm.s32 $0x5  }
0x4: {  	s31 =	simm.s32 $0x1;
	s1 =	sand.u32 $0x1, s1;
	s2 =	sshll.u32 s4, $0x1  }
0x5: {  	s4 =	smul.u32 $0x14000, s4;
	[smem:$0x7FF] =	sst s5;
	s6 =	sadd.s32 $0x3EC00, s0  }
0x6: {  	s2 =	sor.u32 s1, s2;
	s3 =	ssub.s32 $0x2, s1;
	s1 =	smul.u32 $0x140000, s1  }
0x7: {  	s2 =	smul.u32 $0x500, s2;
	s10 =	sshrl.u32 s3, $0x1;
	s5 =	sor.u32 $0x2000, s4  }
0x8: {  	s7 =	sadd.s32 $0x4000, s4;
	s9 =	sadd.s32 $0x6000, s4;
	s19 =	sadd.s32 $0x8000, s4  }
0x9: {  	s20 =	sadd.s32 $0xA000, s4;
	s21 =	sadd.s32 $0xC000, s4;
	s22 =	sadd.s32 $0xE000, s4  }
0xa: {  	s23 =	sadd.s32 $0x10000, s4;
	s24 =	sadd.s32 $0x12000, s4;
	s3 =	ssub.s32 s3, s10  }
0xb: {  	s8 =	sadd.s32 s4, s1;
	s10 =	sadd.s32 s1, s5;
	s12 =	sadd.s32 s1, s7  }
0xc: {  	s13 =	sadd.s32 s1, s9;
	s16 =	sadd.s32 s1, s20;
	s17 =	sadd.s32 s1, s21  }
0xd: {  	s18 =	sadd.s32 s1, s22;
	s8 =	sshrl.u32 s8, $0x3;
	s10 =	sshrl.u32 s10, $0x3  }
0xe: {  	s26 =	sadd.s32 s2, s0;
	s28 =	smax.u32 s3, $0x1;
	s8 =	sadd.s32 s6, s8  }
0xf: {  	s2 =	simm.s32 $0x3;
	s11 =	sadd.s32 s6, s10;
	[dreg:$0x3] =	wrdreg s8  }
0x10: {  	s3 =	simm.s32 $0x4;
	s10 =	sshrl.u32 s13, $0x3;
	[dreg:$0x4] =	wrdreg s11  }
0x11: {  	s11 =	sadd.s32 s1, s19;
	s8 =	sshrl.u32 s12, $0x3;
	s14 =	sadd.s32 s6, s10  }
0x12: {  	s10 =	sshrl.u32 s17, $0x3;
	s12 =	sadd.s32 s1, s23;
	s1 =	sadd.s32 s1, s24  }
0x13: {  	s11 =	sshrl.u32 s11, $0x3;
	s8 =	sadd.s32 s6, s8;
	[dreg:$0x6] =	wrdreg s14  }
0x14: {  	s25 =	sadd.s32 s6, s10;
	s12 =	sshrl.u32 s12, $0x3;
	s1 =	sshrl.u32 s1, $0x3  }
0x15: {  	s14 =	sadd.s32 $0x16C00, s0;
	s0 =	simm.s32 $0x7000;
	[dreg:$0x5] =	wrdreg s8  }
0x16: {  	s15 =	sadd.s32 s6, s11;
	s8 =	sshrl.u32 s16, $0x3;
	s11 =	sshrl.u32 s18, $0x3  }
0x17: {  	[dreg:$0x9] =	wrdreg s25;
	s12 =	sadd.s32 s6, s12;
	s13 =	sadd.s32 s6, s1  }
0x18: {  	s25 =	sadd.s32 $0xCC00, s26;
	s26 =	sadd.s32 $0x2200, s26;
	[dreg:$0x7] =	wrdreg s15  }
0x19: {  	s8 =	sadd.s32 s6, s8;
	s10 =	sadd.s32 s6, s11;
	s11 =	rddreg [dreg:$0x1]  }
0x1a: {  	s1 =	simm.s32 $0x2;
	[dreg:$0x8] =	wrdreg s8;
	s15 =	sadd.s32 s4, s11  }
0x1b: {  	s16 =	sadd.s32 s5, s11;
	s17 =	sadd.s32 s7, s11;
	s18 =	sadd.s32 s9, s11  }
0x1c: {  	s19 =	sadd.s32 s19, s11;
	s20 =	sadd.s32 s20, s11;
	s21 =	sadd.s32 s21, s11  }
0x1d: {  	s22 =	sadd.s32 s22, s11;
	s23 =	sadd.s32 s23, s11;
	s24 =	sadd.s32 s24, s11  }
0x1e: {  	v0 =	vimm.f32 $0.0e+00;
	s9 =	simm.s32 $0x40;
	s4 =	simm.s32 $0x0;
	_ =	strace $0x8000004A  }
.LBB2_1:
0x1f: {  	s6 =	simm.s32 $0x0  }
0x20: {  	s5 =	sand.u32 $0x7E00, s6  }
0x21: {  	s6 =	sand.u32 $0x70, s6;
	s7 =	sshrl.u32 s5, $0x2  }
0x22: {  	s5 =	simm.s32 $0x40;
	s7 =	sor.u32 s6, s7;
	s6 =	simm.s32 $0x0  }
.LBB2_2:
0x23: {  	p0 =	sne.s32 s5, $0x7FC0  }
0x24: {  	[tilespmem:s7+$0x5000] =	vst v0;
	s6 =	sadd.s32 $0x10, s6;
	s7 =	smov.u32 s5;
	s5 =	sadd.s32 $0x40, s5  }
.Ltmp0:
0x25: {  	(pc) =	sbr.rel @p0 .LBB2_2-.Ltmp0, $4  }
0x26: {  	_ = 	snop  }
0x27: {  	s7 =	sand.u32 $0x7E00, s7  }
0x28: {  	s8 =	sand.u32 $0x70, s6;
	s7 =	sshrl.u32 s7, $0x2  }
0x29: {  	s7 =	sor.u32 s8, s7  }
0x2a: {  	[tilespmem:s7+$0x5000] =	vst v0  }
0x2b: {  	[spmem:s15] =	stream.linear.scatter [tilespmem:s29], [sflag:$0x5], $0x2000, $0x38;
	[tilespmem:$0x1D000] =	vst v63  }
0x2c: {  	_ =	swait.ge [sflag:s30], $0x2000  }
0x2d: {  	[sflag:s30] =	ssyncset.done $0x0  }
0x2e: {  	[sflag:s30] =	ssyncadd.s32 $0xFFFFE000  }
0x2f: {  	[spmem:s16] =	stream.linear.scatter [tilespmem:s29], [sflag:$0x5], $0x2000, $0x38;
	[tilespmem:$0x1D000] =	vst v63  }
0x30: {  	_ =	swait.ge [sflag:s30], $0x2000  }
0x31: {  	[sflag:s30] =	ssyncset.done $0x0  }
0x32: {  	[sflag:s30] =	ssyncadd.s32 $0xFFFFE000  }
0x33: {  	[spmem:s17] =	stream.linear.scatter [tilespmem:s29], [sflag:$0x5], $0x2000, $0x38;
	[tilespmem:$0x1D000] =	vst v63  }
0x34: {  	_ =	swait.ge [sflag:s30], $0x2000  }
0x35: {  	[sflag:s30] =	ssyncset.done $0x0  }
0x36: {  	[sflag:s30] =	ssyncadd.s32 $0xFFFFE000  }
0x37: {  	[spmem:s18] =	stream.linear.scatter [tilespmem:s29], [sflag:$0x5], $0x2000, $0x38;
	[tilespmem:$0x1D000] =	vst v63  }
0x38: {  	_ =	swait.ge [sflag:s30], $0x2000  }
0x39: {  	[sflag:s30] =	ssyncset.done $0x0  }
0x3a: {  	[sflag:s30] =	ssyncadd.s32 $0xFFFFE000  }
0x3b: {  	[spmem:s19] =	stream.linear.scatter [tilespmem:s29], [sflag:$0x5], $0x2000, $0x38;
	[tilespmem:$0x1D000] =	vst v63  }
0x3c: {  	_ =	swait.ge [sflag:s30], $0x2000  }
0x3d: {  	[sflag:s30] =	ssyncset.done $0x0  }
0x3e: {  	[sflag:s30] =	ssyncadd.s32 $0xFFFFE000  }
0x3f: {  	[spmem:s20] =	stream.linear.scatter [tilespmem:s29], [sflag:$0x5], $0x2000, $0x38;
	[tilespmem:$0x1D000] =	vst v63  }
0x40: {  	_ =	swait.ge [sflag:s30], $0x2000  }
0x41: {  	[sflag:s30] =	ssyncset.done $0x0  }
0x42: {  	[sflag:s30] =	ssyncadd.s32 $0xFFFFE000  }
0x43: {  	[spmem:s21] =	stream.linear.scatter [tilespmem:s29], [sflag:$0x5], $0x2000, $0x38;
	[tilespmem:$0x1D000] =	vst v63  }
0x44: {  	_ =	swait.ge [sflag:s30], $0x2000  }
0x45: {  	[sflag:s30] =	ssyncset.done $0x0  }
0x46: {  	[sflag:s30] =	ssyncadd.s32 $0xFFFFE000  }
0x47: {  	[spmem:s22] =	stream.linear.scatter [tilespmem:s29], [sflag:$0x5], $0x2000, $0x38;
	[tilespmem:$0x1D000] =	vst v63  }
0x48: {  	_ =	swait.ge [sflag:s30], $0x2000  }
0x49: {  	[sflag:s30] =	ssyncset.done $0x0  }
0x4a: {  	[sflag:s30] =	ssyncadd.s32 $0xFFFFE000  }
0x4b: {  	[spmem:s23] =	stream.linear.scatter [tilespmem:s29], [sflag:$0x5], $0x2000, $0x38;
	[tilespmem:$0x1D000] =	vst v63  }
0x4c: {  	_ =	swait.ge [sflag:s30], $0x2000  }
0x4d: {  	[sflag:s30] =	ssyncset.done $0x0  }
0x4e: {  	[sflag:s30] =	ssyncadd.s32 $0xFFFFE000  }
0x4f: {  	[spmem:s24] =	stream.linear.scatter [tilespmem:s29], [sflag:$0x5], $0x2000, $0x38;
	[tilespmem:$0x1D000] =	vst v63  }
0x50: {  	_ =	swait.ge [sflag:s30], $0x2000  }
0x51: {  	[sflag:s30] =	ssyncset.done $0x0  }
0x52: {  	[sflag:s30] =	ssyncadd.s32 $0xFFFFE000  }
0x53: {  	s5 =	simm.s32 $0x0;
	[bflag:$0x0] =	sbarrier.arrive $0xFFFF  }
0x54: {  	[tilespmem:s5], [sflag:$0x5] =	stream.linear.gather [hbm4b:s25+s5], $0x2800, $0x38;
	[tilespmem:$0x1D000] =	vst v63  }
0x55: {  	_ =	swait.ge [sflag:s30], $0x2800  }
0x56: {  	[sflag:s30] =	ssyncset.done $0x0  }
0x57: {  	s6 =	simm.s32 $0x2800;
	[sflag:s30] =	ssyncadd.s32 $0xFFFFD800  }
0x58: {  	[tilespmem:s6], [sflag:$0x5] =	stream.linear.gather [hbm4b:s26+s5], $0x2800, $0x38;
	[tilespmem:$0x1D000] =	vst v63  }
0x59: {  	_ =	swait.ge [sflag:s30], $0x2800  }
0x5a: {  	[sflag:s30] =	ssyncset.done $0x0  }
0x5b: {  	[sflag:s30] =	ssyncadd.s32 $0xFFFFD800  }
0x5c: {  	[tilespmem:s29], [sflag:$0x1] =	stream.indirect.gather [hbm4b:s14+s9], $0x80, s5, s9, $0xb8;
	[tilespmem:$0x1D000] =	vst v63  }
0x5d: {  	_ = 	snop  }
0x5e: {  	[tilespmem:s0], [sflag:$0x2] =	stream.indirect.gather [hbm4b:s14+s9], $0x80, s9, s9, $0xb8;
	[tilespmem:$0x1D000] =	vst v63  }
0x5f: {  	_ =	swait.ge [sflag:s31], $0x2000  }
0x60: {  	[sflag:s31] =	ssyncset.done $0x0  }
0x61: {  	s6 =	simm.s32 $0x2800;
	[sflag:s31] =	ssyncadd.s32 $0xFFFFE000  }
0x62: {  	[spmem:s11] =	stream.indirect.scatter.add.f32 [tilespmem:s29], [sflag:$0x3], $0x80, s6, s9, $0xb8;
	[tilespmem:$0x1D000] =	vst v63  }
0x63: {  	_ =	swait.ge [sflag:s1], $0x2000  }
0x64: {  	[sflag:s1] =	ssyncset.done $0x0  }
0x65: {  	s7 =	simm.s32 $0x2840;
	[sflag:s1] =	ssyncadd.s32 $0xFFFFE000  }
0x66: {  	[spmem:s11] =	stream.indirect.scatter.add.f32 [tilespmem:s0], [sflag:$0x4], $0x80, s7, s9, $0xb8;
	[tilespmem:$0x1D000] =	vst v63  }
0x67: {  	_ =	swait.ge [sflag:s2], $0x2000  }
0x68: {  	[sflag:s2] =	ssyncset.done $0x0  }
0x69: {  	s8 =	simm.s32 $0x80;
	[sflag:s2] =	ssyncadd.s32 $0xFFFFE000  }
0x6a: {  	[tilespmem:s29], [sflag:$0x1] =	stream.indirect.gather [hbm4b:s14+s9], $0x80, s8, s9, $0xb8;
	[tilespmem:$0x1D000] =	vst v63  }
0x6b: {  	_ =	swait.ge [sflag:s3], $0x2000  }
0x6c: {  	[sflag:s3] =	ssyncset.done $0x0  }
0x6d: {  	s5 =	simm.s32 $0x200;
	s6 =	simm.s32 $0xC0;
	[sflag:s3] =	ssyncadd.s32 $0xFFFFE000  }
.LBB2_4:
0x6e: {  	[tilespmem:s0], [sflag:$0x2] =	stream.indirect.gather [hbm4b:s14+s9], $0x80, s6, s9, $0xb8;
	[tilespmem:$0x1D000] =	vst v63  }
0x6f: {  	s6 =	smov.u32 s5  }
0x70: {  	p0 =	sne.s32 s5, $0x9C00;
	s5 =	sadd.s32 $0x200, s5;
	_ =	swait.ge [sflag:s31], $0x2000  }
0x71: {  	s6 =	sshra.s32 s6, $0x2;
	[sflag:s31] =	ssyncset.done $0x0  }
0x72: {  	s7 =	sadd.s32 $0x2800, s6;
	[sflag:s31] =	ssyncadd.s32 $0xFFFFE000  }
0x73: {  	[spmem:s11] =	stream.indirect.scatter.add.f32 [tilespmem:s29], [sflag:$0x3], $0x80, s7, s9, $0xb8;
	[tilespmem:$0x1D000] =	vst v63  }
0x74: {  	_ =	swait.ge [sflag:s1], $0x2000  }
0x75: {  	[sflag:s1] =	ssyncset.done $0x0  }
0x76: {  	s7 =	sadd.s32 $0x2840, s6;
	[sflag:s1] =	ssyncadd.s32 $0xFFFFE000  }
0x77: {  	[spmem:s11] =	stream.indirect.scatter.add.f32 [tilespmem:s0], [sflag:$0x4], $0x80, s7, s9, $0xb8;
	[tilespmem:$0x1D000] =	vst v63  }
0x78: {  	_ =	swait.ge [sflag:s2], $0x2000  }
0x79: {  	[sflag:s2] =	ssyncset.done $0x0  }
.Ltmp1:
0x7a: {  	s7 =	sadd.s32 $0x80, s6;
	[sflag:s2] =	ssyncadd.s32 $0xFFFFE000;
	(pc) =	sbr.rel @p0 .LBB2_4-.Ltmp1, $4  }
0x7b: {  	[tilespmem:s29], [sflag:$0x1] =	stream.indirect.gather [hbm4b:s14+s9], $0x80, s7, s9, $0xb8;
	[tilespmem:$0x1D000] =	vst v63  }
0x7c: {  	_ =	swait.ge [sflag:s3], $0x2000  }
0x7d: {  	[sflag:s3] =	ssyncset.done $0x0  }
0x7e: {  	s6 =	sadd.s32 $0xC0, s6;
	[sflag:s3] =	ssyncadd.s32 $0xFFFFE000  }
0x7f: {  	[tilespmem:s0], [sflag:$0x2] =	stream.indirect.gather [hbm4b:s14+s9], $0x80, s6, s9, $0xb8;
	[tilespmem:$0x1D000] =	vst v63  }
0x80: {  	_ =	swait.ge [sflag:s31], $0x2000  }
0x81: {  	[sflag:s31] =	ssyncset.done $0x0  }
0x82: {  	s5 =	simm.s32 $0x4F80;
	[sflag:s31] =	ssyncadd.s32 $0xFFFFE000  }
0x83: {  	[spmem:s11] =	stream.indirect.scatter.add.f32 [tilespmem:s29], [sflag:$0x3], $0x80, s5, s9, $0xb8;
	[tilespmem:$0x1D000] =	vst v63  }
0x84: {  	_ =	swait.ge [sflag:s1], $0x2000  }
0x85: {  	[sflag:s1] =	ssyncset.done $0x0  }
0x86: {  	s6 =	simm.s32 $0x4FC0;
	[sflag:s1] =	ssyncadd.s32 $0xFFFFE000  }
0x87: {  	[spmem:s11] =	stream.indirect.scatter.add.f32 [tilespmem:s0], [sflag:$0x4], $0x80, s6, s9, $0xb8;
	[tilespmem:$0x1D000] =	vst v63  }
0x88: {  	_ =	swait.ge [sflag:s2], $0x2000  }
0x89: {  	[sflag:s2] =	ssyncset.done $0x0  }
0x8a: {  	[sflag:s2] =	ssyncadd.s32 $0xFFFFE000  }
0x8b: {  	_ =	swait.ge [sflag:s3], $0x2000  }
0x8c: {  	[sflag:s3] =	ssyncset.done $0x0  }
0x8d: {  	s7 =	stileid.u32;
	[sflag:s3] =	ssyncadd.s32 $0xFFFFE000  }
0x8e: {  	s5 =	sshll.u32 s7, $0x6;
	[bflag:$0x0] =	sbarrier.arrive $0xFFFF  }
0x8f: {  	s8 =	sshrl.u32 s15, $0x3;
	s5 =	sor.u32 $0x1C05, s5;
	s7 =	rddreg [dreg:$0x3]  }
0x90: {  	[hbm:s7], [sflag:s5] =	dma.local [spmem:s8], $0x400  }
0x91: {  	_ =	swait.ge [sflag:s30], $0x400  }
0x92: {  	[sflag:s30] =	ssyncset.done $0x0  }
0x93: {  	s7 =	sshrl.u32 s16, $0x3;
	s8 =	rddreg [dreg:$0x4];
	[sflag:s30] =	ssyncadd.s32 $0xFFFFFC00  }
0x94: {  	[hbm:s8], [sflag:s5] =	dma.local [spmem:s7], $0x400  }
0x95: {  	_ =	swait.ge [sflag:s30], $0x400  }
0x96: {  	[sflag:s30] =	ssyncset.done $0x0  }
0x97: {  	s7 =	sshrl.u32 s17, $0x3;
	s8 =	rddreg [dreg:$0x5];
	[sflag:s30] =	ssyncadd.s32 $0xFFFFFC00  }
0x98: {  	[hbm:s8], [sflag:s5] =	dma.local [spmem:s7], $0x400  }
0x99: {  	_ =	swait.ge [sflag:s30], $0x400  }
0x9a: {  	[sflag:s30] =	ssyncset.done $0x0  }
0x9b: {  	s7 =	sshrl.u32 s18, $0x3;
	s8 =	rddreg [dreg:$0x6];
	[sflag:s30] =	ssyncadd.s32 $0xFFFFFC00  }
0x9c: {  	[hbm:s8], [sflag:s5] =	dma.local [spmem:s7], $0x400  }
0x9d: {  	_ =	swait.ge [sflag:s30], $0x400  }
0x9e: {  	[sflag:s30] =	ssyncset.done $0x0  }
0x9f: {  	s7 =	sshrl.u32 s19, $0x3;
	s8 =	rddreg [dreg:$0x7];
	[sflag:s30] =	ssyncadd.s32 $0xFFFFFC00  }
0xa0: {  	[hbm:s8], [sflag:s5] =	dma.local [spmem:s7], $0x400  }
0xa1: {  	_ =	swait.ge [sflag:s30], $0x400  }
0xa2: {  	[sflag:s30] =	ssyncset.done $0x0  }
0xa3: {  	s7 =	sshrl.u32 s20, $0x3;
	s8 =	rddreg [dreg:$0x8];
	[sflag:s30] =	ssyncadd.s32 $0xFFFFFC00  }
0xa4: {  	[hbm:s8], [sflag:s5] =	dma.local [spmem:s7], $0x400  }
0xa5: {  	_ =	swait.ge [sflag:s30], $0x400  }
0xa6: {  	[sflag:s30] =	ssyncset.done $0x0  }
0xa7: {  	s7 =	sshrl.u32 s21, $0x3;
	s8 =	rddreg [dreg:$0x9];
	[sflag:s30] =	ssyncadd.s32 $0xFFFFFC00  }
0xa8: {  	[hbm:s8], [sflag:s5] =	dma.local [spmem:s7], $0x400  }
0xa9: {  	_ =	swait.ge [sflag:s30], $0x400  }
0xaa: {  	[sflag:s30] =	ssyncset.done $0x0  }
0xab: {  	s8 =	sshrl.u32 s22, $0x3;
	[sflag:s30] =	ssyncadd.s32 $0xFFFFFC00  }
0xac: {  	[hbm:s10], [sflag:s5] =	dma.local [spmem:s8], $0x400  }
0xad: {  	_ =	swait.ge [sflag:s30], $0x400  }
0xae: {  	[sflag:s30] =	ssyncset.done $0x0  }
0xaf: {  	s7 =	sshrl.u32 s23, $0x3;
	[sflag:s30] =	ssyncadd.s32 $0xFFFFFC00  }
0xb0: {  	[hbm:s12], [sflag:s5] =	dma.local [spmem:s7], $0x400  }
0xb1: {  	s4 =	sadd.s32 $0x1, s4;
	_ =	swait.ge [sflag:s30], $0x400  }
0xb2: {  	p0 =	sne.s32 s4, s28;
	[sflag:s30] =	ssyncset.done $0x0  }
.Ltmp2:
0xb3: {  	s8 =	sshrl.u32 s24, $0x3;
	[sflag:s30] =	ssyncadd.s32 $0xFFFFFC00;
	(pc) =	sbr.rel @p0 .LBB2_1-.Ltmp2, $4  }
0xb4: {  	[hbm:s13], [sflag:s5] =	dma.local [spmem:s8], $0x400  }
0xb5: {  	_ =	swait.ge [sflag:s30], $0x400  }
0xb6: {  	[sflag:s30] =	ssyncset.done $0x0  }
0xb7: {  	[sflag:s30] =	ssyncadd.s32 $0xFFFFFC00  }
0xb8: {  	_ =	sfence.sel $0x180000  }
0xb9: {  	[bflag:$0x0] =	sbarrier.arrive $0xFFFF  }
0xba: {  	_ =	strace $0x9000004A  }
0xbb: {  	s0 =	stileid.u32;
	[bflag:$0x2] =	sbarrier.arrive $0xFFFF  }
0xbc: {  	p0 =	sne.s32 s0, $0x0;
	s0 =	rddreg [dreg:$0x2]  }
0xbd: {  	s0 =	sadd.s32 @!p0 $0x100000, s0  }
0xbe: {  	[sflag:s0] =	ssyncadd.tile.s32 @!p0 $0x1;
	_ =	shalt  }
.Lfunc_end2:
_tile_overlayer_lowered:
.L_overlay_start_2:
0xbf: {  	(tag) =	ssettag $0x2  }
0xc0: {  	s0 =	rddreg [dreg:$0x0];
	s2 =	stileid.u32  }
0xc1: {  	s1 =	rddreg [dreg:$0x1];
	p0 =	sne.s32 s2, $0x0  }
0xc2: {  	s3 =	rddreg [dreg:$0x2];
	[bflag:$0x3] =	sbarrier.arrive $0xFFFF;
	s2 =	simm.s32 @!p0 $0x1C05  }
0xc3: {  	[timem:s3], [sflag:s2] =	dma.local @!p0 [hbm:s0], s1  }
0xc4: {  	s0 =	simm.s32 @!p0 $0x5  }
0xc5: {  	_ =	swait.ge @!p0 [sflag:s0], s1  }
0xc6: {  	s1 =	ssub.s32 @!p0 $0x0, s1;
	[sflag:s0] =	ssyncset.done @!p0 $0x0  }
0xc7: {  	[sflag:s0] =	ssyncadd.s32 @!p0 s1  }
0xc8: {  	[bflag:$0x3] =	sbarrier.arrive $0xFFFF  }
0xc9: {  	_ =	shalt  }

// kernel: kernel.14.cloned.1.call-start
scs
__scs_entry_jumppad:
0x0: {  	(pc) =	sbr.rel $0x88, $3  }
0x1: {  	(tag) =	ssettag $0x0;
	lr =	simm.s32 $0x1  }
0x2: {  	[smem:$0x3F99] =	sst lr;
	_ =	strace $0xD0000000  }
0x3: {  	_ = 	snop  }
0x4: {  	_ = 	snop  }
0x5: {  	_ = 	snop  }
0x6: {  	_ = 	snop  }
0x7: {  	_ = 	snop  }
__scs_overlays_trampoline_lowered:
0x8: {  	[smem:$0x3FA8] =	sst s0  }
0x9: {  	[smem:$0x3FA9] =	sst s1  }
0xa: {  	[smem:$0x3FAA] =	sst s2  }
0xb: {  	[smem:$0x3FAB] =	sst s3  }
0xc: {  	[smem:$0x3FAC] =	sst s4  }
0xd: {  	[smem:$0x3FAD] =	sst s5  }
0xe: {  	[smem:$0x3FAE] =	sst s6  }
0xf: {  	[smem:$0x3FAF] =	sst s7  }
0x10: {  	[smem:$0x3FB0] =	sst s8  }
0x11: {  	[smem:$0x3FB1] =	sst s9;
	s0 =	simm.s32 @!p0 $0x0  }
0x12: {  	s1 =	sld [smem:$0x3F97];
	s0 =	simm.s32 @p0 $0x1  }
0x13: {  	[smem:$0x3FB2] =	sst s0;
	s0 =	simm.s32 @!p1 $0x0  }
0x14: {  	s2 =	sld [smem:$0x3F96];
	s0 =	simm.s32 @p1 $0x1  }
0x15: {  	[smem:$0x3FB3] =	sst s0;
	s0 =	simm.s32 @!p2 $0x0  }
0x16: {  	s3 =	sld [smem:$0x3FDB];
	s0 =	simm.s32 @p2 $0x1  }
0x17: {  	s4 =	simm.s32 $0x1BF5;
	[smem:$0x3FB5] =	sst s0  }
0x18: {  	s0 =	sld [smem:$0x3F98];
	_ =	swait.ge [sflag:s4], $0x0  }
0x19: {  	s7 =	sld [smem:$0x3F99]  }
0x1a: {  	s8 =	sadd.s32 $0xFFFFE003, lr  }
0x1b: {  	s9 =	sadd.s32 $0xFFFFFEF7, lr;
	s5 =	simm.s32 $0xFFFFFFFF;
	p2 =	slt.u32 s8, $0xFFFFF086  }
0x1c: {  	p1 =	slt.u32 s9, $0xF7A;
	s5 =	simm.s32 @!p2 $0x0  }
0x1d: {  	s5 =	simm.s32 @p1 $0x1;
	p0 =	seq.s32 s7, s2  }
0x1e: {  	s7 =	smul.u32 @!p0 $0xF7A, s2;
	p2 =	seq.s32 @!p0 s5, $0x0  }
0x1f: {  	s9 =	smul.u32 $0xF7A, s1;
	s8 =	simm.s32 @!p0 $0x1BF5;
	p2 =	por !p2, p0  }
0x20: {  	[sflag:s8] =	ssyncset.s32 @!p0 $0xFFFFF086;
	s6 =	sadd.s32 @!p0 s3, s7;
	s7 =	simm.s32 @!p0 $0x108  }
0x21: {  	s3 =	sadd.s32 s3, s9;
	s6 =	sadd.s32 @!p0 $0x88, s6;
	s7 =	simm.s32 @p2 $0x1082  }
0x22: {  	[simem:s7], [sflag:s8] =	dma.local @!p0 [hbm:s6], $0xF7A  }
0x23: {  	s9 =	sor.u32 $0xD0000000, s2;
	s6 =	simm.s32 $0x108;
	_ =	swait.ge @!p0 [sflag:s8], $0x0  }
0x24: {  	s3 =	sadd.s32 $0x88, s3;
	s6 =	simm.s32 @!p1 $0x1082;
	[sflag:s4] =	ssyncset.s32 $0xFFFFF086  }
0x25: {  	[simem:s6], [sflag:s4] =	dma.local [hbm:s3], $0xF7A  }
0x26: {  	[smem:$0x3F99] =	sst s1;
	(tag) =	ssettag s2;
	_ =	strace s9  }
0x27: {  	s1 =	sld [smem:$0x3FA9]  }
0x28: {  	s2 =	sld [smem:$0x3FAA]  }
0x29: {  	s4 =	sld [smem:$0x3FAC]  }
0x2a: {  	p0 =	seq.s32 s5, $0x0;
	s5 =	sld [smem:$0x3FAD]  }
0x2b: {  	s6 =	sld [smem:$0x3FAE]  }
0x2c: {  	s7 =	sld [smem:$0x3FAF]  }
0x2d: {  	s3 =	simm.s32 $0x108;
	s8 =	sld [smem:$0x3FB0]  }
0x2e: {  	s3 =	simm.s32 @!p0 $0x1082;
	s9 =	sld [smem:$0x3FB1]  }
0x2f: {  	lr =	sadd.s32 s0, s3;
	s0 =	sld [smem:$0x3FA8]  }
0x30: {  	s3 =	sld [smem:$0x3FAB]  }
0x31: {  	[smem:$0x3FB4] =	sst s10  }
0x32: {  	s10 =	sld [smem:$0x3FB2];
	_ =	sdelay $0x3  }
0x33: {  	p0 =	seq.s32 s10, $0x1;
	s10 =	sld [smem:$0x3FB4];
	_ =	sdelay $0x3  }
0x34: {  	[smem:$0x3FB4] =	sst s10  }
0x35: {  	s10 =	sld [smem:$0x3FB3];
	_ =	sdelay $0x3  }
0x36: {  	p1 =	seq.s32 s10, $0x1;
	s10 =	sld [smem:$0x3FB4];
	_ =	sdelay $0x3  }
0x37: {  	[smem:$0x3FB4] =	sst s10  }
0x38: {  	s10 =	sld [smem:$0x3FB5]  }
0x39: {  	_ = 	snop;
	(pc) =	sbr.ind lr, $3  }
0x3a: {  	_ = 	snop  }
0x3b: {  	_ = 	snop  }
0x3c: {  	p2 =	seq.s32 s10, $0x1;
	s10 =	sld [smem:$0x3FB4]  }
0x3d: {  	_ =	shalt  }
0x3e: {  	_ =	shalt  }
0x3f: {  	_ =	shalt  }
0x40: {  	_ =	shalt  }
0x41: {  	_ =	shalt  }
0x42: {  	_ =	shalt  }
0x43: {  	_ =	shalt  }
0x44: {  	_ =	shalt  }
0x45: {  	_ =	shalt  }
0x46: {  	_ =	shalt  }
0x47: {  	_ =	shalt  }
0x48: {  	_ =	shalt  }
0x49: {  	_ =	shalt  }
0x4a: {  	_ =	shalt  }
0x4b: {  	_ =	shalt  }
0x4c: {  	_ =	shalt  }
0x4d: {  	_ =	shalt  }
0x4e: {  	_ =	shalt  }
0x4f: {  	_ =	shalt  }
0x50: {  	_ =	shalt  }
0x51: {  	_ =	shalt  }
0x52: {  	_ =	shalt  }
0x53: {  	_ =	shalt  }
0x54: {  	_ =	shalt  }
0x55: {  	_ =	shalt  }
0x56: {  	_ =	shalt  }
0x57: {  	_ =	shalt  }
0x58: {  	_ =	shalt  }
0x59: {  	_ =	shalt  }
0x5a: {  	_ =	shalt  }
0x5b: {  	_ =	shalt  }
0x5c: {  	_ =	shalt  }
0x5d: {  	_ =	shalt  }
0x5e: {  	_ =	shalt  }
0x5f: {  	_ =	shalt  }
0x60: {  	_ =	shalt  }
0x61: {  	_ =	shalt  }
0x62: {  	_ =	shalt  }
0x63: {  	_ =	shalt  }
0x64: {  	_ =	shalt  }
0x65: {  	_ =	shalt  }
0x66: {  	_ =	shalt  }
0x67: {  	_ =	shalt  }
0x68: {  	_ =	shalt  }
0x69: {  	_ =	shalt  }
0x6a: {  	_ =	shalt  }
0x6b: {  	_ =	shalt  }
0x6c: {  	_ =	shalt  }
0x6d: {  	_ =	shalt  }
0x6e: {  	_ =	shalt  }
0x6f: {  	_ =	shalt  }
0x70: {  	_ =	shalt  }
0x71: {  	_ =	shalt  }
0x72: {  	_ =	shalt  }
0x73: {  	_ =	shalt  }
0x74: {  	_ =	shalt  }
0x75: {  	_ =	shalt  }
0x76: {  	_ =	shalt  }
0x77: {  	_ =	shalt  }
0x78: {  	_ =	shalt  }
0x79: {  	_ =	shalt  }
0x7a: {  	_ =	shalt  }
0x7b: {  	_ =	shalt  }
0x7c: {  	_ =	shalt  }
0x7d: {  	_ =	shalt  }
0x7e: {  	_ =	shalt  }
0x7f: {  	_ =	shalt  }
0x80: {  	_ =	shalt  }
0x81: {  	_ =	shalt  }
0x82: {  	_ =	shalt  }
0x83: {  	_ =	shalt  }
0x84: {  	_ =	shalt  }
0x85: {  	_ =	shalt  }
0x86: {  	_ =	shalt  }
0x87: {  	_ =	shalt  }
.Lfunc_end0:
.L_simem_size_0:
called_computation.2_lowered:
.L_overlay_start_0:
0x88: {  	s2 =	sld [smem:$0x3FD9]  }
0x89: {  	s3 =	sld [smem:$0x3FFE];
	_ =	sdelay $0x1  }
0x8a: {  	s1 =	srdreg.scid  }
0x8b: {  	s0 =	sand.u32 $0x1, s1  }
0x8c: {  	s16 =	sshll.u32 s0, $0xA;
	s2 =	sadd.s32 s3, s2  }
0x8d: {  	s2 =	sadd.s32 s2, s16  }
0x8e: {  	[smem:$0x3FC0] =	sst s2  }
0x8f: {  	_ = 	snop  }
0x90: {  	(tm) =	ssettm $0x1  }
0x91: {  	s17 =	sld [smem:$0x3FFB];
	_ =	sdelay $0x3  }
0x92: {  	_ =	strace s17  }
0x93: {  	s2 =	sld [smem:$0x3FFC];
	_ =	sdelay $0x3  }
0x94: {  	_ =	strace s2  }
0x95: {  	s2 =	sld [smem:$0x3FFD];
	_ =	sdelay $0x3  }
0x96: {  	_ =	strace s2  }
0x97: {  	_ =	strace $0x8FFFFFFF  }
0x98: {  	s18 =	sld [smem:$0x3FDB];
	_ =	sdelay $0x1  }
0x99: {  	s19 =	simm.s32 $_scs_section_size  }
0x9a: {  	s4 =	simm.s32 $_size__tile_overlayer_lowered;
	s5 =	simm.s32 $_tile_overlayer_lowered  }
0x9b: {  	s22 =	simm.s32 $0x1BFF;
	s21 =	sshll.u32 s5, $0x1;
	s2 =	sadd.s32 s19, s18  }
0x9c: {  	s6 =	simm.s32 $0x0;
	s20 =	sshll.u32 s4, $0x1;
	s4 =	sadd.s32 s21, s2  }
0x9d: {  	[timem:s6], [sflag:s22] =	dma.local [hbm:s4], s20  }
0x9e: {  	_ =	swait.ge [sflag:s22], s20  }
0x9f: {  	s3 =	ssub.s32 $0x0, s20;
	[sflag:s22] =	ssyncset.done $0x0  }
0xa0: {  	[sflag:s22] =	ssyncadd.s32 s3;
	_ =	sdelay $0x1  }
0xa1: {  	s23 =	simm.s32 $0x1B8B  }
0xa2: {  	_ =	swait.ge [sflag:s23], $0x1  }
0xa3: {  	[sflag:s23] =	ssyncset.done $0x0  }
0xa4: {  	s25 =	simm.s32 $0x1B8E;
	s24 =	sld [smem:$0x3FFE];
	[sflag:s23] =	ssyncadd.s32 $0xFFFFFFFF  }
0xa5: {  	s26 =	simm.s32 $execute0_lowered;
	[smem:$0x3FD2] =	sst s25  }
0xa6: {  	s4 =	sshll.u32 s26, $0x1;
	_ =	strace $0x8000004C;
	[dreg:$0x1] =	wrdreg $0xFFFFFFFF  }
0xa7: {  	s28 =	simm.s32 $_size_execute0_lowered;
	s2 =	sadd.s32 s2, s4;
	[dreg:$0x0] =	wrdreg $0x0  }
0xa8: {  	s4 =	sshll.u32 s28, $0x1;
	[dreg:$0x2] =	wrdreg s2  }
0xa9: {  	[dreg:$0x3] =	wrdreg s4  }
0xaa: {  	[dreg:$0x4] =	wrdreg $0xC0  }
0xab: {  	_ =	task [dreg:s6], $0x5FFFF  }
0xac: {  	[dreg:$0x1] =	wrdreg $0xFFFFFFFF  }
0xad: {  	[dreg:$0x0] =	wrdreg $0x60  }
0xae: {  	[dreg:$0x2] =	wrdreg s24  }
0xaf: {  	[dreg:$0x3] =	wrdreg $0x90000  }
0xb0: {  	[dreg:$0x4] =	wrdreg $0x9  }
0xb1: {  	_ =	task.clear_ibuf [dreg:s6], $0x5FFFF;
	_ =	strace $0x9000004C  }
0xb2: {  	s29 =	simm.s32 $0x9;
	_ =	strace $0x8000004E  }
0xb3: {  	_ =	swait.ge [sflag:s29], $0x1  }
0xb4: {  	[sflag:s29] =	ssyncadd.s32 $0xFFFFFFFF  }
0xb5: {  	_ =	strace $0x9000004E  }
0xb6: {  	_ =	sfence  }
0xb7: {  	s30 =	sld [smem:$0x0];
	_ =	sdelay $0x2  }
0xb8: {  	s31 =	sshll.u32 s1, $0xD;
	s1 =	sshrl.u32 s1, $0x2  }
0xb9: {  	s3 =	sand.u32 $0x4000, s31;
	s1 =	sadd.s32 s1, s30  }
0xba: {  	s0 =	sor.u32 s3, s0;
	s1 =	sshll.u32 s1, $0x11  }
0xbb: {  	s0 =	sor.u32 s1, s0  }
0xbc: {  	s0 =	sadd.s32 $0x8F2B, s0  }
0xbd: {  	[sflag:s0] =	ssyncadd.remote.s32 $0x1  }
0xbe: {  	_ =	sfence.sel $0xFFFF  }
0xbf: {  	[dreg:$0x0] =	wrdreg $0xFFFFFFFF;
	(pc) =	sbr.abs _section_cstart, $3  }
0xc0: {  	[dreg:$0x1] =	wrdreg $0xFFFFFFFF  }
0xc1: {  	_ =	task.clear_ibuf [dreg:s6], $0x2FFFF;
	_ =	strace $0x9FFFFFFF  }
0xc2: {  	(tm) =	ssettm $0x7FFFFFFF  }
0xc3: {  	_ =	shalt  }
tec
execute0_lowered:
.L_overlay_start_1:
0x0: {  	(tag) =	ssettag $0x1  }
0x1: {  	s0 =	rddreg [dreg:$0x0]  }
0x2: {  	s1 =	srdreg.scid;
	s4 =	stileid.u32  }
0x3: {  	s5 =	simm.s32 $0x0;
	s29 =	simm.s32 $0x5000;
	s30 =	simm.s32 $0x5  }
0x4: {  	s31 =	simm.s32 $0x1;
	s1 =	sand.u32 $0x1, s1;
	s2 =	sshll.u32 s4, $0x1  }
0x5: {  	s4 =	smul.u32 $0x14000, s4;
	[smem:$0x7FF] =	sst s5;
	s6 =	sadd.s32 $0x3EC00, s0  }
0x6: {  	s2 =	sor.u32 s1, s2;
	s3 =	ssub.s32 $0x2, s1;
	s1 =	smul.u32 $0x140000, s1  }
0x7: {  	s2 =	smul.u32 $0x500, s2;
	s10 =	sshrl.u32 s3, $0x1;
	s5 =	sor.u32 $0x2000, s4  }
0x8: {  	s7 =	sadd.s32 $0x4000, s4;
	s9 =	sadd.s32 $0x6000, s4;
	s19 =	sadd.s32 $0x8000, s4  }
0x9: {  	s20 =	sadd.s32 $0xA000, s4;
	s21 =	sadd.s32 $0xC000, s4;
	s22 =	sadd.s32 $0xE000, s4  }
0xa: {  	s23 =	sadd.s32 $0x10000, s4;
	s24 =	sadd.s32 $0x12000, s4;
	s3 =	ssub.s32 s3, s10  }
0xb: {  	s8 =	sadd.s32 s4, s1;
	s10 =	sadd.s32 s1, s5;
	s12 =	sadd.s32 s1, s7  }
0xc: {  	s13 =	sadd.s32 s1, s9;
	s16 =	sadd.s32 s1, s20;
	s17 =	sadd.s32 s1, s21  }
0xd: {  	s18 =	sadd.s32 s1, s22;
	s8 =	sshrl.u32 s8, $0x3;
	s10 =	sshrl.u32 s10, $0x3  }
0xe: {  	s26 =	sadd.s32 s2, s0;
	s28 =	smax.u32 s3, $0x1;
	s8 =	sadd.s32 s6, s8  }
0xf: {  	s2 =	simm.s32 $0x3;
	s11 =	sadd.s32 s6, s10;
	[dreg:$0x3] =	wrdreg s8  }
0x10: {  	s3 =	simm.s32 $0x4;
	s10 =	sshrl.u32 s13, $0x3;
	[dreg:$0x4] =	wrdreg s11  }
0x11: {  	s11 =	sadd.s32 s1, s19;
	s8 =	sshrl.u32 s12, $0x3;
	s14 =	sadd.s32 s6, s10  }
0x12: {  	s10 =	sshrl.u32 s17, $0x3;
	s12 =	sadd.s32 s1, s23;
	s1 =	sadd.s32 s1, s24  }
0x13: {  	s11 =	sshrl.u32 s11, $0x3;
	s8 =	sadd.s32 s6, s8;
	[dreg:$0x6] =	wrdreg s14  }
0x14: {  	s25 =	sadd.s32 s6, s10;
	s12 =	sshrl.u32 s12, $0x3;
	s1 =	sshrl.u32 s1, $0x3  }
0x15: {  	s14 =	sadd.s32 $0x16C00, s0;
	s0 =	simm.s32 $0x7000;
	[dreg:$0x5] =	wrdreg s8  }
0x16: {  	s15 =	sadd.s32 s6, s11;
	s8 =	sshrl.u32 s16, $0x3;
	s11 =	sshrl.u32 s18, $0x3  }
0x17: {  	[dreg:$0x9] =	wrdreg s25;
	s12 =	sadd.s32 s6, s12;
	s13 =	sadd.s32 s6, s1  }
0x18: {  	s25 =	sadd.s32 $0xCC00, s26;
	s26 =	sadd.s32 $0x2200, s26;
	[dreg:$0x7] =	wrdreg s15  }
0x19: {  	s8 =	sadd.s32 s6, s8;
	s10 =	sadd.s32 s6, s11;
	s11 =	rddreg [dreg:$0x1]  }
0x1a: {  	s1 =	simm.s32 $0x2;
	[dreg:$0x8] =	wrdreg s8;
	s15 =	sadd.s32 s4, s11  }
0x1b: {  	s16 =	sadd.s32 s5, s11;
	s17 =	sadd.s32 s7, s11;
	s18 =	sadd.s32 s9, s11  }
0x1c: {  	s19 =	sadd.s32 s19, s11;
	s20 =	sadd.s32 s20, s11;
	s21 =	sadd.s32 s21, s11  }
0x1d: {  	s22 =	sadd.s32 s22, s11;
	s23 =	sadd.s32 s23, s11;
	s24 =	sadd.s32 s24, s11  }
0x1e: {  	v0 =	vimm.f32 $0.0e+00;
	s9 =	simm.s32 $0x40;
	s4 =	simm.s32 $0x0;
	_ =	strace $0x8000004D  }
.LBB2_1:
0x1f: {  	s6 =	simm.s32 $0x0  }
0x20: {  	s5 =	sand.u32 $0x7E00, s6  }
0x21: {  	s6 =	sand.u32 $0x70, s6;
	s7 =	sshrl.u32 s5, $0x2  }
0x22: {  	s5 =	simm.s32 $0x40;
	s7 =	sor.u32 s6, s7;
	s6 =	simm.s32 $0x0  }
.LBB2_2:
0x23: {  	p0 =	sne.s32 s5, $0x7FC0  }
0x24: {  	[tilespmem:s7+$0x5000] =	vst v0;
	s6 =	sadd.s32 $0x10, s6;
	s7 =	smov.u32 s5;
	s5 =	sadd.s32 $0x40, s5  }
.Ltmp0:
0x25: {  	(pc) =	sbr.rel @p0 .LBB2_2-.Ltmp0, $4  }
0x26: {  	_ = 	snop  }
0x27: {  	s7 =	sand.u32 $0x7E00, s7  }
0x28: {  	s8 =	sand.u32 $0x70, s6;
	s7 =	sshrl.u32 s7, $0x2  }
0x29: {  	s7 =	sor.u32 s8, s7  }
0x2a: {  	[tilespmem:s7+$0x5000] =	vst v0  }
0x2b: {  	[spmem:s15] =	stream.linear.scatter [tilespmem:s29], [sflag:$0x5], $0x2000, $0x38;
	[tilespmem:$0x1D000] =	vst v63  }
0x2c: {  	_ =	swait.ge [sflag:s30], $0x2000  }
0x2d: {  	[sflag:s30] =	ssyncset.done $0x0  }
0x2e: {  	[sflag:s30] =	ssyncadd.s32 $0xFFFFE000  }
0x2f: {  	[spmem:s16] =	stream.linear.scatter [tilespmem:s29], [sflag:$0x5], $0x2000, $0x38;
	[tilespmem:$0x1D000] =	vst v63  }
0x30: {  	_ =	swait.ge [sflag:s30], $0x2000  }
0x31: {  	[sflag:s30] =	ssyncset.done $0x0  }
0x32: {  	[sflag:s30] =	ssyncadd.s32 $0xFFFFE000  }
0x33: {  	[spmem:s17] =	stream.linear.scatter [tilespmem:s29], [sflag:$0x5], $0x2000, $0x38;
	[tilespmem:$0x1D000] =	vst v63  }
0x34: {  	_ =	swait.ge [sflag:s30], $0x2000  }
0x35: {  	[sflag:s30] =	ssyncset.done $0x0  }
0x36: {  	[sflag:s30] =	ssyncadd.s32 $0xFFFFE000  }
0x37: {  	[spmem:s18] =	stream.linear.scatter [tilespmem:s29], [sflag:$0x5], $0x2000, $0x38;
	[tilespmem:$0x1D000] =	vst v63  }
0x38: {  	_ =	swait.ge [sflag:s30], $0x2000  }
0x39: {  	[sflag:s30] =	ssyncset.done $0x0  }
0x3a: {  	[sflag:s30] =	ssyncadd.s32 $0xFFFFE000  }
0x3b: {  	[spmem:s19] =	stream.linear.scatter [tilespmem:s29], [sflag:$0x5], $0x2000, $0x38;
	[tilespmem:$0x1D000] =	vst v63  }
0x3c: {  	_ =	swait.ge [sflag:s30], $0x2000  }
0x3d: {  	[sflag:s30] =	ssyncset.done $0x0  }
0x3e: {  	[sflag:s30] =	ssyncadd.s32 $0xFFFFE000  }
0x3f: {  	[spmem:s20] =	stream.linear.scatter [tilespmem:s29], [sflag:$0x5], $0x2000, $0x38;
	[tilespmem:$0x1D000] =	vst v63  }
0x40: {  	_ =	swait.ge [sflag:s30], $0x2000  }
0x41: {  	[sflag:s30] =	ssyncset.done $0x0  }
0x42: {  	[sflag:s30] =	ssyncadd.s32 $0xFFFFE000  }
0x43: {  	[spmem:s21] =	stream.linear.scatter [tilespmem:s29], [sflag:$0x5], $0x2000, $0x38;
	[tilespmem:$0x1D000] =	vst v63  }
0x44: {  	_ =	swait.ge [sflag:s30], $0x2000  }
0x45: {  	[sflag:s30] =	ssyncset.done $0x0  }
0x46: {  	[sflag:s30] =	ssyncadd.s32 $0xFFFFE000  }
0x47: {  	[spmem:s22] =	stream.linear.scatter [tilespmem:s29], [sflag:$0x5], $0x2000, $0x38;
	[tilespmem:$0x1D000] =	vst v63  }
0x48: {  	_ =	swait.ge [sflag:s30], $0x2000  }
0x49: {  	[sflag:s30] =	ssyncset.done $0x0  }
0x4a: {  	[sflag:s30] =	ssyncadd.s32 $0xFFFFE000  }
0x4b: {  	[spmem:s23] =	stream.linear.scatter [tilespmem:s29], [sflag:$0x5], $0x2000, $0x38;
	[tilespmem:$0x1D000] =	vst v63  }
0x4c: {  	_ =	swait.ge [sflag:s30], $0x2000  }
0x4d: {  	[sflag:s30] =	ssyncset.done $0x0  }
0x4e: {  	[sflag:s30] =	ssyncadd.s32 $0xFFFFE000  }
0x4f: {  	[spmem:s24] =	stream.linear.scatter [tilespmem:s29], [sflag:$0x5], $0x2000, $0x38;
	[tilespmem:$0x1D000] =	vst v63  }
0x50: {  	_ =	swait.ge [sflag:s30], $0x2000  }
0x51: {  	[sflag:s30] =	ssyncset.done $0x0  }
0x52: {  	[sflag:s30] =	ssyncadd.s32 $0xFFFFE000  }
0x53: {  	s5 =	simm.s32 $0x0;
	[bflag:$0x0] =	sbarrier.arrive $0xFFFF  }
0x54: {  	[tilespmem:s5], [sflag:$0x5] =	stream.linear.gather [hbm4b:s25+s5], $0x2800, $0x38;
	[tilespmem:$0x1D000] =	vst v63  }
0x55: {  	_ =	swait.ge [sflag:s30], $0x2800  }
0x56: {  	[sflag:s30] =	ssyncset.done $0x0  }
0x57: {  	s6 =	simm.s32 $0x2800;
	[sflag:s30] =	ssyncadd.s32 $0xFFFFD800  }
0x58: {  	[tilespmem:s6], [sflag:$0x5] =	stream.linear.gather [hbm4b:s26+s5], $0x2800, $0x38;
	[tilespmem:$0x1D000] =	vst v63  }
0x59: {  	_ =	swait.ge [sflag:s30], $0x2800  }
0x5a: {  	[sflag:s30] =	ssyncset.done $0x0  }
0x5b: {  	[sflag:s30] =	ssyncadd.s32 $0xFFFFD800  }
0x5c: {  	[tilespmem:s29], [sflag:$0x1] =	stream.indirect.gather [hbm4b:s14+s9], $0x80, s5, s9, $0xb8;
	[tilespmem:$0x1D000] =	vst v63  }
0x5d: {  	_ = 	snop  }
0x5e: {  	[tilespmem:s0], [sflag:$0x2] =	stream.indirect.gather [hbm4b:s14+s9], $0x80, s9, s9, $0xb8;
	[tilespmem:$0x1D000] =	vst v63  }
0x5f: {  	_ =	swait.ge [sflag:s31], $0x2000  }
0x60: {  	[sflag:s31] =	ssyncset.done $0x0  }
0x61: {  	s6 =	simm.s32 $0x2800;
	[sflag:s31] =	ssyncadd.s32 $0xFFFFE000  }
0x62: {  	[spmem:s11] =	stream.indirect.scatter.add.f32 [tilespmem:s29], [sflag:$0x3], $0x80, s6, s9, $0xb8;
	[tilespmem:$0x1D000] =	vst v63  }
0x63: {  	_ =	swait.ge [sflag:s1], $0x2000  }
0x64: {  	[sflag:s1] =	ssyncset.done $0x0  }
0x65: {  	s7 =	simm.s32 $0x2840;
	[sflag:s1] =	ssyncadd.s32 $0xFFFFE000  }
0x66: {  	[spmem:s11] =	stream.indirect.scatter.add.f32 [tilespmem:s0], [sflag:$0x4], $0x80, s7, s9, $0xb8;
	[tilespmem:$0x1D000] =	vst v63  }
0x67: {  	_ =	swait.ge [sflag:s2], $0x2000  }
0x68: {  	[sflag:s2] =	ssyncset.done $0x0  }
0x69: {  	s8 =	simm.s32 $0x80;
	[sflag:s2] =	ssyncadd.s32 $0xFFFFE000  }
0x6a: {  	[tilespmem:s29], [sflag:$0x1] =	stream.indirect.gather [hbm4b:s14+s9], $0x80, s8, s9, $0xb8;
	[tilespmem:$0x1D000] =	vst v63  }
0x6b: {  	_ =	swait.ge [sflag:s3], $0x2000  }
0x6c: {  	[sflag:s3] =	ssyncset.done $0x0  }
0x6d: {  	s5 =	simm.s32 $0x200;
	s6 =	simm.s32 $0xC0;
	[sflag:s3] =	ssyncadd.s32 $0xFFFFE000  }
.LBB2_4:
0x6e: {  	[tilespmem:s0], [sflag:$0x2] =	stream.indirect.gather [hbm4b:s14+s9], $0x80, s6, s9, $0xb8;
	[tilespmem:$0x1D000] =	vst v63  }
0x6f: {  	s6 =	smov.u32 s5  }
0x70: {  	p0 =	sne.s32 s5, $0x9C00;
	s5 =	sadd.s32 $0x200, s5;
	_ =	swait.ge [sflag:s31], $0x2000  }
0x71: {  	s6 =	sshra.s32 s6, $0x2;
	[sflag:s31] =	ssyncset.done $0x0  }
0x72: {  	s7 =	sadd.s32 $0x2800, s6;
	[sflag:s31] =	ssyncadd.s32 $0xFFFFE000  }
0x73: {  	[spmem:s11] =	stream.indirect.scatter.add.f32 [tilespmem:s29], [sflag:$0x3], $0x80, s7, s9, $0xb8;
	[tilespmem:$0x1D000] =	vst v63  }
0x74: {  	_ =	swait.ge [sflag:s1], $0x2000  }
0x75: {  	[sflag:s1] =	ssyncset.done $0x0  }
0x76: {  	s7 =	sadd.s32 $0x2840, s6;
	[sflag:s1] =	ssyncadd.s32 $0xFFFFE000  }
0x77: {  	[spmem:s11] =	stream.indirect.scatter.add.f32 [tilespmem:s0], [sflag:$0x4], $0x80, s7, s9, $0xb8;
	[tilespmem:$0x1D000] =	vst v63  }
0x78: {  	_ =	swait.ge [sflag:s2], $0x2000  }
0x79: {  	[sflag:s2] =	ssyncset.done $0x0  }
.Ltmp1:
0x7a: {  	s7 =	sadd.s32 $0x80, s6;
	[sflag:s2] =	ssyncadd.s32 $0xFFFFE000;
	(pc) =	sbr.rel @p0 .LBB2_4-.Ltmp1, $4  }
0x7b: {  	[tilespmem:s29], [sflag:$0x1] =	stream.indirect.gather [hbm4b:s14+s9], $0x80, s7, s9, $0xb8;
	[tilespmem:$0x1D000] =	vst v63  }
0x7c: {  	_ =	swait.ge [sflag:s3], $0x2000  }
0x7d: {  	[sflag:s3] =	ssyncset.done $0x0  }
0x7e: {  	s6 =	sadd.s32 $0xC0, s6;
	[sflag:s3] =	ssyncadd.s32 $0xFFFFE000  }
0x7f: {  	[tilespmem:s0], [sflag:$0x2] =	stream.indirect.gather [hbm4b:s14+s9], $0x80, s6, s9, $0xb8;
	[tilespmem:$0x1D000] =	vst v63  }
0x80: {  	_ =	swait.ge [sflag:s31], $0x2000  }
0x81: {  	[sflag:s31] =	ssyncset.done $0x0  }
0x82: {  	s5 =	simm.s32 $0x4F80;
	[sflag:s31] =	ssyncadd.s32 $0xFFFFE000  }
0x83: {  	[spmem:s11] =	stream.indirect.scatter.add.f32 [tilespmem:s29], [sflag:$0x3], $0x80, s5, s9, $0xb8;
	[tilespmem:$0x1D000] =	vst v63  }
0x84: {  	_ =	swait.ge [sflag:s1], $0x2000  }
0x85: {  	[sflag:s1] =	ssyncset.done $0x0  }
0x86: {  	s6 =	simm.s32 $0x4FC0;
	[sflag:s1] =	ssyncadd.s32 $0xFFFFE000  }
0x87: {  	[spmem:s11] =	stream.indirect.scatter.add.f32 [tilespmem:s0], [sflag:$0x4], $0x80, s6, s9, $0xb8;
	[tilespmem:$0x1D000] =	vst v63  }
0x88: {  	_ =	swait.ge [sflag:s2], $0x2000  }
0x89: {  	[sflag:s2] =	ssyncset.done $0x0  }
0x8a: {  	[sflag:s2] =	ssyncadd.s32 $0xFFFFE000  }
0x8b: {  	_ =	swait.ge [sflag:s3], $0x2000  }
0x8c: {  	[sflag:s3] =	ssyncset.done $0x0  }
0x8d: {  	s7 =	stileid.u32;
	[sflag:s3] =	ssyncadd.s32 $0xFFFFE000  }
0x8e: {  	s5 =	sshll.u32 s7, $0x6;
	[bflag:$0x0] =	sbarrier.arrive $0xFFFF  }
0x8f: {  	s8 =	sshrl.u32 s15, $0x3;
	s5 =	sor.u32 $0x1C05, s5;
	s7 =	rddreg [dreg:$0x3]  }
0x90: {  	[hbm:s7], [sflag:s5] =	dma.local [spmem:s8], $0x400  }
0x91: {  	_ =	swait.ge [sflag:s30], $0x400  }
0x92: {  	[sflag:s30] =	ssyncset.done $0x0  }
0x93: {  	s7 =	sshrl.u32 s16, $0x3;
	s8 =	rddreg [dreg:$0x4];
	[sflag:s30] =	ssyncadd.s32 $0xFFFFFC00  }
0x94: {  	[hbm:s8], [sflag:s5] =	dma.local [spmem:s7], $0x400  }
0x95: {  	_ =	swait.ge [sflag:s30], $0x400  }
0x96: {  	[sflag:s30] =	ssyncset.done $0x0  }
0x97: {  	s7 =	sshrl.u32 s17, $0x3;
	s8 =	rddreg [dreg:$0x5];
	[sflag:s30] =	ssyncadd.s32 $0xFFFFFC00  }
0x98: {  	[hbm:s8], [sflag:s5] =	dma.local [spmem:s7], $0x400  }
0x99: {  	_ =	swait.ge [sflag:s30], $0x400  }
0x9a: {  	[sflag:s30] =	ssyncset.done $0x0  }
0x9b: {  	s7 =	sshrl.u32 s18, $0x3;
	s8 =	rddreg [dreg:$0x6];
	[sflag:s30] =	ssyncadd.s32 $0xFFFFFC00  }
0x9c: {  	[hbm:s8], [sflag:s5] =	dma.local [spmem:s7], $0x400  }
0x9d: {  	_ =	swait.ge [sflag:s30], $0x400  }
0x9e: {  	[sflag:s30] =	ssyncset.done $0x0  }
0x9f: {  	s7 =	sshrl.u32 s19, $0x3;
	s8 =	rddreg [dreg:$0x7];
	[sflag:s30] =	ssyncadd.s32 $0xFFFFFC00  }
0xa0: {  	[hbm:s8], [sflag:s5] =	dma.local [spmem:s7], $0x400  }
0xa1: {  	_ =	swait.ge [sflag:s30], $0x400  }
0xa2: {  	[sflag:s30] =	ssyncset.done $0x0  }
0xa3: {  	s7 =	sshrl.u32 s20, $0x3;
	s8 =	rddreg [dreg:$0x8];
	[sflag:s30] =	ssyncadd.s32 $0xFFFFFC00  }
0xa4: {  	[hbm:s8], [sflag:s5] =	dma.local [spmem:s7], $0x400  }
0xa5: {  	_ =	swait.ge [sflag:s30], $0x400  }
0xa6: {  	[sflag:s30] =	ssyncset.done $0x0  }
0xa7: {  	s7 =	sshrl.u32 s21, $0x3;
	s8 =	rddreg [dreg:$0x9];
	[sflag:s30] =	ssyncadd.s32 $0xFFFFFC00  }
0xa8: {  	[hbm:s8], [sflag:s5] =	dma.local [spmem:s7], $0x400  }
0xa9: {  	_ =	swait.ge [sflag:s30], $0x400  }
0xaa: {  	[sflag:s30] =	ssyncset.done $0x0  }
0xab: {  	s8 =	sshrl.u32 s22, $0x3;
	[sflag:s30] =	ssyncadd.s32 $0xFFFFFC00  }
0xac: {  	[hbm:s10], [sflag:s5] =	dma.local [spmem:s8], $0x400  }
0xad: {  	_ =	swait.ge [sflag:s30], $0x400  }
0xae: {  	[sflag:s30] =	ssyncset.done $0x0  }
0xaf: {  	s7 =	sshrl.u32 s23, $0x3;
	[sflag:s30] =	ssyncadd.s32 $0xFFFFFC00  }
0xb0: {  	[hbm:s12], [sflag:s5] =	dma.local [spmem:s7], $0x400  }
0xb1: {  	s4 =	sadd.s32 $0x1, s4;
	_ =	swait.ge [sflag:s30], $0x400  }
0xb2: {  	p0 =	sne.s32 s4, s28;
	[sflag:s30] =	ssyncset.done $0x0  }
.Ltmp2:
0xb3: {  	s8 =	sshrl.u32 s24, $0x3;
	[sflag:s30] =	ssyncadd.s32 $0xFFFFFC00;
	(pc) =	sbr.rel @p0 .LBB2_1-.Ltmp2, $4  }
0xb4: {  	[hbm:s13], [sflag:s5] =	dma.local [spmem:s8], $0x400  }
0xb5: {  	_ =	swait.ge [sflag:s30], $0x400  }
0xb6: {  	[sflag:s30] =	ssyncset.done $0x0  }
0xb7: {  	[sflag:s30] =	ssyncadd.s32 $0xFFFFFC00  }
0xb8: {  	_ =	sfence.sel $0x180000  }
0xb9: {  	[bflag:$0x0] =	sbarrier.arrive $0xFFFF  }
0xba: {  	_ =	strace $0x9000004D  }
0xbb: {  	s0 =	stileid.u32;
	[bflag:$0x2] =	sbarrier.arrive $0xFFFF  }
0xbc: {  	p0 =	sne.s32 s0, $0x0;
	s0 =	rddreg [dreg:$0x2]  }
0xbd: {  	s0 =	sadd.s32 @!p0 $0x100000, s0  }
0xbe: {  	[sflag:s0] =	ssyncadd.tile.s32 @!p0 $0x1;
	_ =	shalt  }
.Lfunc_end2:
_tile_overlayer_lowered:
.L_overlay_start_2:
0xbf: {  	(tag) =	ssettag $0x2  }
0xc0: {  	s0 =	rddreg [dreg:$0x0];
	s2 =	stileid.u32  }
0xc1: {  	s1 =	rddreg [dreg:$0x1];
	p0 =	sne.s32 s2, $0x0  }
0xc2: {  	s3 =	rddreg [dreg:$0x2];
	[bflag:$0x3] =	sbarrier.arrive $0xFFFF;
	s2 =	simm.s32 @!p0 $0x1C05  }
0xc3: {  	[timem:s3], [sflag:s2] =	dma.local @!p0 [hbm:s0], s1  }
0xc4: {  	s0 =	simm.s32 @!p0 $0x5  }
0xc5: {  	_ =	swait.ge @!p0 [sflag:s0], s1  }
0xc6: {  	s1 =	ssub.s32 @!p0 $0x0, s1;
	[sflag:s0] =	ssyncset.done @!p0 $0x0  }
0xc7: {  	[sflag:s0] =	ssyncadd.s32 @!p0 s1  }
0xc8: {  	[bflag:$0x3] =	sbarrier.arrive $0xFFFF  }
0xc9: {  	_ =	shalt  }

// kernel: kernel.8.cloned.1.call-start
scs
__scs_entry_jumppad:
0x0: {  	(pc) =	sbr.rel $0x88, $3  }
0x1: {  	(tag) =	ssettag $0x0;
	lr =	simm.s32 $0x1  }
0x2: {  	[smem:$0x3F99] =	sst lr;
	_ =	strace $0xD0000000  }
0x3: {  	_ = 	snop  }
0x4: {  	_ = 	snop  }
0x5: {  	_ = 	snop  }
0x6: {  	_ = 	snop  }
0x7: {  	_ = 	snop  }
__scs_overlays_trampoline_lowered:
0x8: {  	[smem:$0x3FA8] =	sst s0  }
0x9: {  	[smem:$0x3FA9] =	sst s1  }
0xa: {  	[smem:$0x3FAA] =	sst s2  }
0xb: {  	[smem:$0x3FAB] =	sst s3  }
0xc: {  	[smem:$0x3FAC] =	sst s4  }
0xd: {  	[smem:$0x3FAD] =	sst s5  }
0xe: {  	[smem:$0x3FAE] =	sst s6  }
0xf: {  	[smem:$0x3FAF] =	sst s7  }
0x10: {  	[smem:$0x3FB0] =	sst s8  }
0x11: {  	[smem:$0x3FB1] =	sst s9;
	s0 =	simm.s32 @!p0 $0x0  }
0x12: {  	s1 =	sld [smem:$0x3F97];
	s0 =	simm.s32 @p0 $0x1  }
0x13: {  	[smem:$0x3FB2] =	sst s0;
	s0 =	simm.s32 @!p1 $0x0  }
0x14: {  	s2 =	sld [smem:$0x3F96];
	s0 =	simm.s32 @p1 $0x1  }
0x15: {  	[smem:$0x3FB3] =	sst s0;
	s0 =	simm.s32 @!p2 $0x0  }
0x16: {  	s3 =	sld [smem:$0x3FDB];
	s0 =	simm.s32 @p2 $0x1  }
0x17: {  	s4 =	simm.s32 $0x1BF5;
	[smem:$0x3FB5] =	sst s0  }
0x18: {  	s0 =	sld [smem:$0x3F98];
	_ =	swait.ge [sflag:s4], $0x0  }
0x19: {  	s7 =	sld [smem:$0x3F99]  }
0x1a: {  	s8 =	sadd.s32 $0xFFFFE003, lr  }
0x1b: {  	s9 =	sadd.s32 $0xFFFFFEF7, lr;
	s5 =	simm.s32 $0xFFFFFFFF;
	p2 =	slt.u32 s8, $0xFFFFF086  }
0x1c: {  	p1 =	slt.u32 s9, $0xF7A;
	s5 =	simm.s32 @!p2 $0x0  }
0x1d: {  	s5 =	simm.s32 @p1 $0x1;
	p0 =	seq.s32 s7, s2  }
0x1e: {  	s7 =	smul.u32 @!p0 $0xF7A, s2;
	p2 =	seq.s32 @!p0 s5, $0x0  }
0x1f: {  	s9 =	smul.u32 $0xF7A, s1;
	s8 =	simm.s32 @!p0 $0x1BF5;
	p2 =	por !p2, p0  }
0x20: {  	[sflag:s8] =	ssyncset.s32 @!p0 $0xFFFFF086;
	s6 =	sadd.s32 @!p0 s3, s7;
	s7 =	simm.s32 @!p0 $0x108  }
0x21: {  	s3 =	sadd.s32 s3, s9;
	s6 =	sadd.s32 @!p0 $0x88, s6;
	s7 =	simm.s32 @p2 $0x1082  }
0x22: {  	[simem:s7], [sflag:s8] =	dma.local @!p0 [hbm:s6], $0xF7A  }
0x23: {  	s9 =	sor.u32 $0xD0000000, s2;
	s6 =	simm.s32 $0x108;
	_ =	swait.ge @!p0 [sflag:s8], $0x0  }
0x24: {  	s3 =	sadd.s32 $0x88, s3;
	s6 =	simm.s32 @!p1 $0x1082;
	[sflag:s4] =	ssyncset.s32 $0xFFFFF086  }
0x25: {  	[simem:s6], [sflag:s4] =	dma.local [hbm:s3], $0xF7A  }
0x26: {  	[smem:$0x3F99] =	sst s1;
	(tag) =	ssettag s2;
	_ =	strace s9  }
0x27: {  	s1 =	sld [smem:$0x3FA9]  }
0x28: {  	s2 =	sld [smem:$0x3FAA]  }
0x29: {  	s4 =	sld [smem:$0x3FAC]  }
0x2a: {  	p0 =	seq.s32 s5, $0x0;
	s5 =	sld [smem:$0x3FAD]  }
0x2b: {  	s6 =	sld [smem:$0x3FAE]  }
0x2c: {  	s7 =	sld [smem:$0x3FAF]  }
0x2d: {  	s3 =	simm.s32 $0x108;
	s8 =	sld [smem:$0x3FB0]  }
0x2e: {  	s3 =	simm.s32 @!p0 $0x1082;
	s9 =	sld [smem:$0x3FB1]  }
0x2f: {  	lr =	sadd.s32 s0, s3;
	s0 =	sld [smem:$0x3FA8]  }
0x30: {  	s3 =	sld [smem:$0x3FAB]  }
0x31: {  	[smem:$0x3FB4] =	sst s10  }
0x32: {  	s10 =	sld [smem:$0x3FB2];
	_ =	sdelay $0x3  }
0x33: {  	p0 =	seq.s32 s10, $0x1;
	s10 =	sld [smem:$0x3FB4];
	_ =	sdelay $0x3  }
0x34: {  	[smem:$0x3FB4] =	sst s10  }
0x35: {  	s10 =	sld [smem:$0x3FB3];
	_ =	sdelay $0x3  }
0x36: {  	p1 =	seq.s32 s10, $0x1;
	s10 =	sld [smem:$0x3FB4];
	_ =	sdelay $0x3  }
0x37: {  	[smem:$0x3FB4] =	sst s10  }
0x38: {  	s10 =	sld [smem:$0x3FB5]  }
0x39: {  	_ = 	snop;
	(pc) =	sbr.ind lr, $3  }
0x3a: {  	_ = 	snop  }
0x3b: {  	_ = 	snop  }
0x3c: {  	p2 =	seq.s32 s10, $0x1;
	s10 =	sld [smem:$0x3FB4]  }
0x3d: {  	_ =	shalt  }
0x3e: {  	_ =	shalt  }
0x3f: {  	_ =	shalt  }
0x40: {  	_ =	shalt  }
0x41: {  	_ =	shalt  }
0x42: {  	_ =	shalt  }
0x43: {  	_ =	shalt  }
0x44: {  	_ =	shalt  }
0x45: {  	_ =	shalt  }
0x46: {  	_ =	shalt  }
0x47: {  	_ =	shalt  }
0x48: {  	_ =	shalt  }
0x49: {  	_ =	shalt  }
0x4a: {  	_ =	shalt  }
0x4b: {  	_ =	shalt  }
0x4c: {  	_ =	shalt  }
0x4d: {  	_ =	shalt  }
0x4e: {  	_ =	shalt  }
0x4f: {  	_ =	shalt  }
0x50: {  	_ =	shalt  }
0x51: {  	_ =	shalt  }
0x52: {  	_ =	shalt  }
0x53: {  	_ =	shalt  }
0x54: {  	_ =	shalt  }
0x55: {  	_ =	shalt  }
0x56: {  	_ =	shalt  }
0x57: {  	_ =	shalt  }
0x58: {  	_ =	shalt  }
0x59: {  	_ =	shalt  }
0x5a: {  	_ =	shalt  }
0x5b: {  	_ =	shalt  }
0x5c: {  	_ =	shalt  }
0x5d: {  	_ =	shalt  }
0x5e: {  	_ =	shalt  }
0x5f: {  	_ =	shalt  }
0x60: {  	_ =	shalt  }
0x61: {  	_ =	shalt  }
0x62: {  	_ =	shalt  }
0x63: {  	_ =	shalt  }
0x64: {  	_ =	shalt  }
0x65: {  	_ =	shalt  }
0x66: {  	_ =	shalt  }
0x67: {  	_ =	shalt  }
0x68: {  	_ =	shalt  }
0x69: {  	_ =	shalt  }
0x6a: {  	_ =	shalt  }
0x6b: {  	_ =	shalt  }
0x6c: {  	_ =	shalt  }
0x6d: {  	_ =	shalt  }
0x6e: {  	_ =	shalt  }
0x6f: {  	_ =	shalt  }
0x70: {  	_ =	shalt  }
0x71: {  	_ =	shalt  }
0x72: {  	_ =	shalt  }
0x73: {  	_ =	shalt  }
0x74: {  	_ =	shalt  }
0x75: {  	_ =	shalt  }
0x76: {  	_ =	shalt  }
0x77: {  	_ =	shalt  }
0x78: {  	_ =	shalt  }
0x79: {  	_ =	shalt  }
0x7a: {  	_ =	shalt  }
0x7b: {  	_ =	shalt  }
0x7c: {  	_ =	shalt  }
0x7d: {  	_ =	shalt  }
0x7e: {  	_ =	shalt  }
0x7f: {  	_ =	shalt  }
0x80: {  	_ =	shalt  }
0x81: {  	_ =	shalt  }
0x82: {  	_ =	shalt  }
0x83: {  	_ =	shalt  }
0x84: {  	_ =	shalt  }
0x85: {  	_ =	shalt  }
0x86: {  	_ =	shalt  }
0x87: {  	_ =	shalt  }
.Lfunc_end0:
.L_simem_size_0:
called_computation_lowered:
.L_overlay_start_0:
0x88: {  	s2 =	sld [smem:$0x3FD9]  }
0x89: {  	s3 =	sld [smem:$0x3FFE];
	_ =	sdelay $0x1  }
0x8a: {  	s1 =	srdreg.scid  }
0x8b: {  	s0 =	sand.u32 $0x1, s1  }
0x8c: {  	s17 =	sshll.u32 s0, $0xA;
	s2 =	sadd.s32 s3, s2  }
0x8d: {  	s2 =	sadd.s32 s2, s17  }
0x8e: {  	[smem:$0x3FC0] =	sst s2  }
0x8f: {  	_ = 	snop  }
0x90: {  	s2 =	sld [smem:$0x3FD0];
	(tm) =	ssettm $0x1  }
0x91: {  	s18 =	sld [smem:$0x3FFB];
	_ =	sdelay $0x3  }
0x92: {  	_ =	strace s18  }
0x93: {  	s3 =	sld [smem:$0x3FFC];
	_ =	sdelay $0x3  }
0x94: {  	_ =	strace s3  }
0x95: {  	s3 =	sld [smem:$0x3FFD];
	_ =	sdelay $0x3  }
0x96: {  	_ =	strace s3  }
0x97: {  	_ =	strace $0x8FFFFFFF  }
0x98: {  	s19 =	sld [smem:$0x3FDB];
	_ =	sdelay $0x1  }
0x99: {  	s4 =	simm.s32 $_scs_section_size  }
0x9a: {  	s5 =	simm.s32 $_size__tile_overlayer_lowered;
	s6 =	simm.s32 $_tile_overlayer_lowered  }
0x9b: {  	s22 =	simm.s32 $0x1BFF;
	s21 =	sshll.u32 s6, $0x1;
	s3 =	sadd.s32 s4, s19  }
0x9c: {  	s7 =	simm.s32 $0x0;
	s20 =	sshll.u32 s5, $0x1;
	s5 =	sadd.s32 s21, s3  }
0x9d: {  	[timem:s7], [sflag:s22] =	dma.local [hbm:s5], s20  }
0x9e: {  	_ =	swait.ge [sflag:s22], s20  }
0x9f: {  	s4 =	ssub.s32 $0x0, s20;
	[sflag:s22] =	ssyncset.done $0x0  }
0xa0: {  	[sflag:s22] =	ssyncadd.s32 s4;
	_ =	sdelay $0x1  }
0xa1: {  	s23 =	simm.s32 $0x1B8B  }
0xa2: {  	_ =	swait.ge [sflag:s23], $0x1  }
0xa3: {  	[sflag:s23] =	ssyncset.done $0x0  }
0xa4: {  	s25 =	simm.s32 $0x1B8E;
	s24 =	sld [smem:$0x3FFE];
	[sflag:s23] =	ssyncadd.s32 $0xFFFFFFFF  }
0xa5: {  	s26 =	simm.s32 $execute0_lowered;
	[smem:$0x3FD2] =	sst s25  }
0xa6: {  	s5 =	sshll.u32 s26, $0x1;
	_ =	strace $0x80000046;
	[dreg:$0x1] =	wrdreg $0xFFFFFFFF  }
0xa7: {  	s28 =	simm.s32 $_size_execute0_lowered;
	s3 =	sadd.s32 s3, s5;
	[dreg:$0x0] =	wrdreg $0x0  }
0xa8: {  	s5 =	sshll.u32 s28, $0x1;
	[dreg:$0x2] =	wrdreg s3  }
0xa9: {  	[dreg:$0x3] =	wrdreg s5  }
0xaa: {  	[dreg:$0x4] =	wrdreg $0xC0  }
0xab: {  	_ =	task [dreg:s7], $0x5FFFF  }
0xac: {  	[dreg:$0x1] =	wrdreg $0xFFFFFFFF  }
0xad: {  	[dreg:$0x0] =	wrdreg $0x60  }
0xae: {  	[dreg:$0x2] =	wrdreg s2  }
0xaf: {  	[dreg:$0x3] =	wrdreg s24  }
0xb0: {  	[dreg:$0x4] =	wrdreg $0x53000  }
0xb1: {  	[dreg:$0x5] =	wrdreg $0x9  }
0xb2: {  	_ =	task.clear_ibuf [dreg:s7], $0x6FFFF;
	_ =	strace $0x90000046  }
0xb3: {  	s29 =	simm.s32 $0x9;
	_ =	strace $0x80000048  }
0xb4: {  	_ =	swait.ge [sflag:s29], $0x1  }
0xb5: {  	[sflag:s29] =	ssyncadd.s32 $0xFFFFFFFF  }
0xb6: {  	_ =	strace $0x90000048  }
0xb7: {  	_ =	sfence  }
0xb8: {  	s30 =	sld [smem:$0x0];
	_ =	sdelay $0x2  }
0xb9: {  	s31 =	sshll.u32 s1, $0xD;
	s1 =	sshrl.u32 s1, $0x2  }
0xba: {  	s3 =	sand.u32 $0x4000, s31;
	s1 =	sadd.s32 s1, s30  }
0xbb: {  	s0 =	sor.u32 s3, s0;
	s1 =	sshll.u32 s1, $0x11  }
0xbc: {  	s0 =	sor.u32 s1, s0  }
0xbd: {  	s0 =	sadd.s32 $0x8F2B, s0  }
0xbe: {  	[sflag:s0] =	ssyncadd.remote.s32 $0x1  }
0xbf: {  	_ =	sfence.sel $0xFFFF  }
0xc0: {  	[dreg:$0x0] =	wrdreg $0xFFFFFFFF;
	(pc) =	sbr.abs _section_cstart, $3  }
0xc1: {  	[dreg:$0x1] =	wrdreg $0xFFFFFFFF  }
0xc2: {  	_ =	task.clear_ibuf [dreg:s7], $0x2FFFF;
	_ =	strace $0x9FFFFFFF  }
0xc3: {  	(tm) =	ssettm $0x7FFFFFFF  }
tec
execute0_lowered:
.L_overlay_start_1:
0x0: {  	(tag) =	ssettag $0x1  }
0x1: {  	s5 =	rddreg [dreg:$0x0]  }
0x2: {  	s4 =	rddreg [dreg:$0x1]  }
0x3: {  	s2 =	rddreg [dreg:$0x2]  }
0x4: {  	s0 =	rddreg [dreg:$0x3]  }
0x5: {  	s3 =	simm.s32 $0x0;
	s6 =	srdreg.scid;
	s1 =	stileid.u32  }
0x6: {  	s11 =	simm.s32 $0x5000;
	s14 =	simm.s32 $0x20;
	s15 =	simm.s32 $0x10  }
0x7: {  	s16 =	simm.s32 $0x0;
	[smem:$0x7FF] =	sst s3;
	s7 =	smul.u32 $0x500, s1  }
0x8: {  	s6 =	sand.u32 $0x1, s6;
	s9 =	sshll.u32 s1, $0x1;
	s30 =	smul.u32 $0xA00, s1  }
0x9: {  	s12 =	sshll.u32 s1, $0x6;
	_ =	strace $0x80000047;
	s8 =	sshll.u32 s6, $0x7  }
0xa: {  	s29 =	sor.u32 s6, s9;
	s6 =	ssub.s32 $0x2, s6;
	s12 =	sor.u32 $0x1C01, s12  }
0xb: {  	s7 =	sor.u32 s8, s7;
	s8 =	smul.u32 $0xA00, s29;
	s31 =	sshrl.u32 s6, $0x1  }
0xc: {  	s9 =	sshrl.u32 s30, $0x2;
	s7 =	sshrl.u32 s7, $0x3;
	s10 =	ssub.s32 s6, s31  }
0xd: {  	s7 =	sadd.s32 s7, s4;
	s4 =	sadd.s32 s9, s2;
	s5 =	sadd.s32 s5, s8  }
0xe: {  	s8 =	simm.s32 $0x5080;
	s9 =	simm.s32 $0x1;
	s6 =	sadd.s32 $0xC200, s7  }
0xf: {  	v0 =	vimm.f32 $0.0e+00;
	v1 =	vimm.f32 $1.000000000e+00;
	s7 =	smax.u32 s10, $0x1;
	s10 =	simm.s32 $0x40;
	s13 =	sshrl.u32 s4, $0x3  }
.LBB2_1:
0x10: {  	[tilespmem:$0x5080] =	vst v0  }
0x11: {  	[tilespmem:$0x5090] =	vst v0  }
0x12: {  	[tilespmem:$0x50A0] =	vst v0  }
0x13: {  	[tilespmem:$0x50B0] =	vst v0  }
0x14: {  	[tilespmem:$0x50C0] =	vst v0  }
0x15: {  	[tilespmem:$0x50D0] =	vst v0  }
0x16: {  	[tilespmem:$0x50E0] =	vst v0  }
0x17: {  	[tilespmem:$0x50F0] =	vst v0  }
0x18: {  	[tilespmem:$0x5100] =	vst v0  }
0x19: {  	[tilespmem:$0x5110] =	vst v0  }
0x1a: {  	[tilespmem:$0x5120] =	vst v0  }
0x1b: {  	[tilespmem:$0x5130] =	vst v0  }
0x1c: {  	[tilespmem:$0x5140] =	vst v0  }
0x1d: {  	[tilespmem:$0x5150] =	vst v0  }
0x1e: {  	[tilespmem:$0x5160] =	vst v0  }
0x1f: {  	[tilespmem:$0x5170] =	vst v0  }
0x20: {  	[tilespmem:$0x5180] =	vst v0  }
0x21: {  	[tilespmem:$0x5190] =	vst v0  }
0x22: {  	[tilespmem:$0x51A0] =	vst v0  }
0x23: {  	[tilespmem:$0x51B0] =	vst v0  }
0x24: {  	[tilespmem:$0x51C0] =	vst v0  }
0x25: {  	[tilespmem:$0x51D0] =	vst v0  }
0x26: {  	[tilespmem:$0x51E0] =	vst v0  }
0x27: {  	[tilespmem:$0x51F0] =	vst v0  }
0x28: {  	[tilespmem:$0x5200] =	vst v0  }
0x29: {  	[tilespmem:$0x5210] =	vst v0  }
0x2a: {  	[tilespmem:$0x5220] =	vst v0  }
0x2b: {  	[tilespmem:$0x5230] =	vst v0  }
0x2c: {  	[tilespmem:$0x5240] =	vst v0  }
0x2d: {  	[tilespmem:$0x5250] =	vst v0  }
0x2e: {  	[tilespmem:$0x5260] =	vst v0  }
0x2f: {  	[tilespmem:$0x5270] =	vst v0  }
0x30: {  	[tilespmem:$0x5280] =	vst v0  }
0x31: {  	[tilespmem:$0x5290] =	vst v0  }
0x32: {  	[tilespmem:$0x52A0] =	vst v0  }
0x33: {  	[tilespmem:$0x52B0] =	vst v0  }
0x34: {  	[tilespmem:$0x52C0] =	vst v0  }
0x35: {  	[tilespmem:$0x52D0] =	vst v0  }
0x36: {  	[tilespmem:$0x52E0] =	vst v0  }
0x37: {  	[tilespmem:$0x52F0] =	vst v0  }
0x38: {  	[tilespmem:$0x5000] =	vst v1  }
0x39: {  	[tilespmem:$0x5010] =	vst v1  }
0x3a: {  	[tilespmem:$0x5020] =	vst v1  }
0x3b: {  	[tilespmem:$0x5030] =	vst v1  }
0x3c: {  	[spmem:s4] =	stream.linear.scatter [tilespmem:s8], [sflag:$0x1], $0x280, $0x38;
	[tilespmem:$0x5580] =	vst v63  }
0x3d: {  	_ =	swait.ge [sflag:s9], $0x280  }
0x3e: {  	[sflag:s9] =	ssyncset.done $0x0  }
0x3f: {  	[sflag:s9] =	ssyncadd.s32 $0xFFFFFD80  }
0x40: {  	[bflag:$0x0] =	sbarrier.arrive $0xFFFF  }
0x41: {  	[tilespmem:s3], [sflag:$0x1] =	stream.linear.gather [hbm4b:s5+s3], $0x5000, $0x38;
	[tilespmem:$0x5580] =	vst v63  }
0x42: {  	_ =	swait.ge [sflag:s9], $0x5000  }
0x43: {  	[sflag:s9] =	ssyncset.done $0x0  }
0x44: {  	s17 =	simm.s32 $0x0;
	[sflag:s9] =	ssyncadd.s32 $0xFFFFB000  }
0x45: {  	[spmem:s2] =	stream.indirect.scatter.add.f32 [tilespmem:s11], [sflag:$0x1], $0x1, s17, s10, $0xb8;
	[tilespmem:$0x5580] =	vst v63  }
0x46: {  	_ =	swait.ge [sflag:s9], $0x40  }
0x47: {  	s17 =	simm.s32 $0x200;
	[sflag:s9] =	ssyncset.done $0x0  }
.LBB2_2:
0x48: {  	s18 =	sshra.s32 s17, $0x2;
	[sflag:s9] =	ssyncadd.s32 $0xFFFFFFC0;
	p0 =	sne.s32 s17, $0x13E00  }
0x49: {  	[spmem:s2] =	stream.indirect.scatter.add.f32 [tilespmem:s11], [sflag:$0x1], $0x1, s18, s10, $0xb8;
	[tilespmem:$0x5580] =	vst v63  }
.Ltmp0:
0x4a: {  	_ = 	snop;
	(pc) =	sbr.rel @p0 .LBB2_2-.Ltmp0, $4  }
0x4b: {  	_ = 	snop  }
0x4c: {  	s17 =	sadd.s32 $0x200, s17  }
0x4d: {  	_ =	swait.ge [sflag:s9], $0x40  }
0x4e: {  	[sflag:s9] =	ssyncset.done $0x0  }
0x4f: {  	s16 =	sadd.s32 $0x1, s16  }
0x50: {  	[sflag:s9] =	ssyncadd.s32 $0xFFFFFFC0;
	p0 =	sne.s32 s16, s7  }
.Ltmp1:
0x51: {  	[bflag:$0x0] =	sbarrier.arrive $0xFFFF;
	(pc) =	sbr.rel @p0 .LBB2_1-.Ltmp1, $4  }
0x52: {  	[hbm:s6@s14], [sflag:s12] =	dma.strided [spmem:s13@s15], $0x50, s9, $0x10   }
0x53: {  	_ =	swait.ge [sflag:s9], $0x50  }
0x54: {  	[sflag:s9] =	ssyncset.done $0x0  }
0x55: {  	[sflag:s9] =	ssyncadd.s32 $0xFFFFFFB0  }
0x56: {  	_ =	sfence.sel $0x180000  }
0x57: {  	[bflag:$0x0] =	sbarrier.arrive $0xFFFF  }
0x58: {  	p0 =	sne.s32 s1, $0x0;
	_ =	strace $0x90000047  }
0x59: {  	s0 =	sadd.s32 @!p0 $0x100000, s0;
	[bflag:$0x2] =	sbarrier.arrive $0xFFFF  }
0x5a: {  	[sflag:s0] =	ssyncadd.tile.s32 @!p0 $0x1;
	_ =	shalt  }
.Lfunc_end2:
_tile_overlayer_lowered:
.L_overlay_start_2:
0x5b: {  	(tag) =	ssettag $0x2  }
0x5c: {  	s0 =	rddreg [dreg:$0x0];
	s2 =	stileid.u32  }
0x5d: {  	s1 =	rddreg [dreg:$0x1];
	p0 =	sne.s32 s2, $0x0  }
0x5e: {  	s3 =	rddreg [dreg:$0x2];
	[bflag:$0x3] =	sbarrier.arrive $0xFFFF;
	s2 =	simm.s32 @!p0 $0x1C01  }
0x5f: {  	[timem:s3], [sflag:s2] =	dma.local @!p0 [hbm:s0], s1  }
0x60: {  	s0 =	simm.s32 @!p0 $0x1  }
0x61: {  	_ =	swait.ge @!p0 [sflag:s0], s1  }
0x62: {  	s1 =	ssub.s32 @!p0 $0x0, s1;
	[sflag:s0] =	ssyncset.done @!p0 $0x0  }
0x63: {  	[sflag:s0] =	ssyncadd.s32 @!p0 s1  }
0x64: {  	[bflag:$0x3] =	sbarrier.arrive $0xFFFF  }
0x65: {  	_ =	shalt  }

</sc_bundles>
